<compile_context>
chip_gen: v7x
topology: tpu7x:2x2x1
jax: 0.10.2.dev20260603
libtpu: 0.0.44.dev20260713+nightly
codegen_flags: <defaults>
</compile_context>

<pallas_src>
import functools

import jax
import jax.numpy as jnp
from jax import lax
from jax.experimental import pallas as pl
from jax.experimental.pallas import tpu as pltpu
from jax.experimental.pallas import tpu_sc as plsc

_SCALE = 0.0625
_N, _C, _H, _W = 4, 256, 64, 64
_R = 1024
_CH, _CW = 7, 7
_PIX = _CH * _CW
_PPAD = 56
_CHUNK_OFF = (0, 16, 32, 40)
_ROWS = _N * _H * _W
_ROWS_PAD = 17216
_OUTB = _C * _PIX
_NTILES = 32
_RPT = _R // _NTILES
_CCHUNKS = _C // 16


def _body(feat_hbm, rois_hbm, out_hbm, rois_v,
          it0, ib0, w0, vt0, vb0, it1, ib1, w1, vt1, vb1, acc_v,
          sem0, sem1):
    wid = lax.axis_index("s") * 2 + lax.axis_index("c")
    base = wid * _RPT
    pltpu.sync_copy(rois_hbm.at[pl.ds(base * 8, _RPT * 8)],
                    rois_v.at[pl.ds(0, _RPT * 8)])
    lane = lax.iota(jnp.int32, 16)
    lane49 = lane * _PIX
    sets = ((it0, ib0, w0, vt0, vb0, sem0), (it1, ib1, w1, vt1, vb1, sem1))

    def meta_and_fire(rr, s):
        it_v, ib_v, w_v, vt_v, vb_v, sem = sets[s]

        def splat(col):
            return plsc.load_gather(
                rois_v, [jnp.full((16,), rr * 8 + col, jnp.int32)])

        bid = splat(0).astype(jnp.int32)
        x0, y0, x1, y1 = splat(1), splat(2), splat(3), splat(4)
        for off in _CHUNK_OFF:
            p = lane + off
            i = p // _CW
            j = p - i * _CW
            fy = i.astype(jnp.float32) * (1.0 / (_CH - 1))
            fx = j.astype(jnp.float32) * (1.0 / (_CW - 1))
            in_y = (y0 + fy * (y1 - y0)) * _SCALE
            in_x = (x0 + fx * (x1 - x0)) * _SCALE
            ty = in_y.astype(jnp.int32)
            lx = in_x.astype(jnp.int32)
            yl = in_y - ty.astype(jnp.float32)
            xl = in_x - lx.astype(jnp.float32)
            valid = ((in_y <= _H - 1.0) & (in_x <= _W - 1.0) & (p < _PIX))
            vf = jnp.where(valid, 1.0, 0.0).astype(jnp.float32)
            rt = jnp.clip(bid * (_H * _W) + ty * _W + lx, 0, _ROWS_PAD - 66)
            it_v[pl.ds(off, 16)] = rt
            it_v[pl.ds(_PPAD + off, 16)] = rt + 1
            ib_v[pl.ds(off, 16)] = rt + _W
            ib_v[pl.ds(_PPAD + off, 16)] = rt + _W + 1
            omyl = (1.0 - yl) * vf
            ylv = yl * vf
            w_v[pl.ds(0 * _PPAD + off, 16)] = omyl * (1.0 - xl)
            w_v[pl.ds(1 * _PPAD + off, 16)] = omyl * xl
            w_v[pl.ds(2 * _PPAD + off, 16)] = ylv * (1.0 - xl)
            w_v[pl.ds(3 * _PPAD + off, 16)] = ylv * xl
        pltpu.async_copy(feat_hbm.at[it_v], vt_v, sem)
        pltpu.async_copy(feat_hbm.at[ib_v], vb_v, sem)

    def wait(s):
        it_v, ib_v, w_v, vt_v, vb_v, sem = sets[s]
        pltpu.make_async_copy(feat_hbm.at[it_v], vt_v, sem).wait()
        pltpu.make_async_copy(feat_hbm.at[ib_v], vb_v, sem).wait()

    def emit(rr, s):
        it_v, ib_v, w_v, vt_v, vb_v, sem = sets[s]

        def pix_body(p, c2):
            def wsplat(k):
                return plsc.load_gather(
                    w_v, [jnp.full((16,), p, jnp.int32) + (k * _PPAD)])

            wtl, wtr, wbl, wbr = wsplat(0), wsplat(1), wsplat(2), wsplat(3)
            obase = lane49 + p
            for c in range(_CCHUNKS):
                s16 = pl.ds(c * 16, 16)
                v = (vt_v[p, s16] * wtl + vt_v[_PPAD + p, s16] * wtr
                     + vb_v[p, s16] * wbl + vb_v[_PPAD + p, s16] * wbr)
                plsc.store_scatter(acc_v, [obase + c * (16 * _PIX)], v)
            return c2

        lax.fori_loop(0, _PIX, pix_body, 0)
        pltpu.sync_copy(acc_v, out_hbm.at[base + rr])

    def pair_body(t, carry):
        a = 2 * t
        meta_and_fire(a, 0)
        wait(0)
        meta_and_fire(a + 1, 1)
        emit(a, 0)
        wait(1)
        emit(a + 1, 1)
        return carry

    lax.fori_loop(0, _RPT // 2, pair_body, 0)


@functools.partial(
    pl.kernel,
    out_type=jax.ShapeDtypeStruct((_R, _OUTB), jnp.float32),
    mesh=plsc.VectorSubcoreMesh(core_axis_name="c", subcore_axis_name="s"),
    compiler_params=pltpu.CompilerParams(needs_layout_passes=False),
    scratch_types=[
        pltpu.VMEM((_RPT * 8 + 16,), jnp.float32),
        pltpu.VMEM((2 * _PPAD,), jnp.int32),
        pltpu.VMEM((2 * _PPAD,), jnp.int32),
        pltpu.VMEM((4 * _PPAD,), jnp.float32),
        pltpu.VMEM((2 * _PPAD, _C), jnp.float32),
        pltpu.VMEM((2 * _PPAD, _C), jnp.float32),
        pltpu.VMEM((2 * _PPAD,), jnp.int32),
        pltpu.VMEM((2 * _PPAD,), jnp.int32),
        pltpu.VMEM((4 * _PPAD,), jnp.float32),
        pltpu.VMEM((2 * _PPAD, _C), jnp.float32),
        pltpu.VMEM((2 * _PPAD, _C), jnp.float32),
        pltpu.VMEM((_OUTB,), jnp.float32),
        pltpu.SemaphoreType.DMA,
        pltpu.SemaphoreType.DMA,
    ],
)
def _roialign_sc(feat_hbm, rois_hbm, out_hbm, *scratch):
    _body(feat_hbm, rois_hbm, out_hbm, *scratch)


def kernel(features, rois):
    feat = jnp.transpose(features, (0, 2, 3, 1)).reshape(_ROWS, _C)
    feat = jnp.pad(feat, ((0, _ROWS_PAD - _ROWS), (0, 0)))
    rois8 = jnp.pad(rois, ((0, 0), (0, 3))).reshape(_R * 8)
    out = _roialign_sc(feat, rois8)
    return out.reshape(_R, _C, _CH, _CW)

# --- scband reference (transcript-rebuilt; emitter-appended) ---
"""Pipeline reference for scband-ro-ialign-64149631533379 (READ-ONLY COPY).

The authoritative reference and input builder live on the scoring server;
editing this copy changes nothing except your own understanding.
"""

import jax, jax.numpy as jnp
import numpy as np

CROP_H = 7
CROP_W = 7
SPATIAL_SCALE = 0.0625


def setup_inputs(seed: int = 0) -> dict:
    key = jax.random.key(seed)
    k1, k2, k3, k4 = jax.random.split(key, 4)
    features = jax.random.normal(k1, (4, 256, 64, 64), dtype=jnp.float32)
    R = 1024
    ids = jax.random.randint(k2, (R, 1), 0, 4).astype(jnp.float32)
    xs = jnp.sort(jax.random.uniform(k3, (R, 2), minval=0.0, maxval=1023.0, dtype=jnp.float32), axis=1)
    ys = jnp.sort(jax.random.uniform(k4, (R, 2), minval=0.0, maxval=1023.0, dtype=jnp.float32), axis=1)
    # rois columns: [batch_id, x0, y0, x1, y1] in original-image pixel coordinates
    rois = jnp.concatenate([ids, xs[:, :1], ys[:, :1], xs[:, 1:], ys[:, 1:]], axis=1)
    return {"features": features, "rois": rois}


def _crop_and_resize(features, boxes, box_ids, crop_h, crop_w, extrapolation_value=0.0):
    # features: [N, C, H, W]; boxes: [R, 4] normalized (y0, x0, y1, x1); box_ids: int [R]
    N, C, H, W = features.shape
    R = boxes.shape[0]
    img = jnp.transpose(features[box_ids], (0, 2, 3, 1))  # [R, H, W, C]
    y1, x1, y2, x2 = boxes[:, 0], boxes[:, 1], boxes[:, 2], boxes[:, 3]

    if crop_h > 1:
        hs = (y2 - y1) * (H - 1) / (crop_h - 1)
        in_y = y1[:, None] * (H - 1) + jnp.arange(crop_h, dtype=jnp.float32)[None, :] * hs[:, None]
    else:
        in_y = 0.5 * (y1 + y2)[:, None] * (H - 1) * jnp.ones((1, crop_h), dtype=jnp.float32)
    if crop_w > 1:
        ws = (x2 - x1) * (W - 1) / (crop_w - 1)
        in_x = x1[:, None] * (W - 1) + jnp.arange(crop_w, dtype=jnp.float32)[None, :] * ws[:, None]
    else:
        in_x = 0.5 * (x1 + x2)[:, None] * (W - 1) * jnp.ones((1, crop_w), dtype=jnp.float32)

    y_valid = (in_y >= 0.0) & (in_y <= H - 1.0)  # [R, crop_h]
    x_valid = (in_x >= 0.0) & (in_x <= W - 1.0)  # [R, crop_w]

    top_f = jnp.floor(in_y)
    left_f = jnp.floor(in_x)
    y_lerp = in_y - top_f
    x_lerp = in_x - left_f

    top_i = jnp.clip(top_f, 0, H - 1).astype(jnp.int32)
    bot_i = jnp.clip(top_f + 1.0, 0, H - 1).astype(jnp.int32)
    left_i = jnp.clip(left_f, 0, W - 1).astype(jnp.int32)
    right_i = jnp.clip(left_f + 1.0, 0, W - 1).astype(jnp.int32)

    r = jnp.arange(R)[:, None, None]
    ty = top_i[:, :, None]
    by = bot_i[:, :, None]
    lx = left_i[:, None, :]
    rx = right_i[:, None, :]

    v_tl = img[r, ty, lx]  # [R, crop_h, crop_w, C]
    v_tr = img[r, ty, rx]
    v_bl = img[r, by, lx]
    v_br = img[r, by, rx]

    xl = x_lerp[:, None, :, None]
    top_v = v_tl + (v_tr - v_tl) * xl
    bot_v = v_bl + (v_br - v_bl) * xl
    out = top_v + (bot_v - top_v) * y_lerp[:, :, None, None]

    valid = (y_valid[:, :, None] & x_valid[:, None, :])[..., None]
    out = jnp.where(valid, out, extrapolation_value)
    return jnp.transpose(out, (0, 3, 1, 2))  # [R, C, crop_h, crop_w]


def reference(features, rois):
    H, W = features.shape[2], features.shape[3]
    ids = rois[:, 0].astype(jnp.int32)
    x0 = rois[:, 1] * SPATIAL_SCALE / (W - 1)
    y0 = rois[:, 2] * SPATIAL_SCALE / (H - 1)
    x1 = rois[:, 3] * SPATIAL_SCALE / (W - 1)
    y1 = rois[:, 4] * SPATIAL_SCALE / (H - 1)
    boxes = jnp.stack([y0, x0, y1, x1], axis=1)
    return _crop_and_resize(features, boxes, ids, CROP_H, CROP_W, 0.0)

if __name__ == "__main__":
    import jax
    _d = setup_inputs()
    print(jax.jit(kernel)(*tuple(_d.values())))

</pallas_src>

<mosaic_0001>
#map = affine_map<(d0, d1) -> (0, 0)>
#map1 = affine_map<(d0, d1) -> (0)>
module attributes {stable_mosaic.version = 14 : i64} {
  func.func @_roialign_sc(%arg0: i32, %arg1: i32, %arg2: memref<17216x256xf32, #tpu.memory_space<hbm>>, %arg3: memref<8192xf32, #tpu.memory_space<hbm>>, %arg4: memref<1024x12544xf32, #tpu.memory_space<hbm>>, %arg5: memref<272xf32, #tpu.memory_space<vmem>>, %arg6: memref<112xi32, #tpu.memory_space<vmem>>, %arg7: memref<112xi32, #tpu.memory_space<vmem>>, %arg8: memref<224xf32, #tpu.memory_space<vmem>>, %arg9: memref<112x256xf32, #tpu.memory_space<vmem>>, %arg10: memref<112x256xf32, #tpu.memory_space<vmem>>, %arg11: memref<112xi32, #tpu.memory_space<vmem>>, %arg12: memref<112xi32, #tpu.memory_space<vmem>>, %arg13: memref<224xf32, #tpu.memory_space<vmem>>, %arg14: memref<112x256xf32, #tpu.memory_space<vmem>>, %arg15: memref<112x256xf32, #tpu.memory_space<vmem>>, %arg16: memref<12544xf32, #tpu.memory_space<vmem>>, %arg17: memref<!tpu.dma_semaphore, #tpu.memory_space<semaphore_mem>>, %arg18: memref<!tpu.dma_semaphore, #tpu.memory_space<semaphore_mem>>) attributes {dimension_semantics = [#tpu.dimension_semantics<core_parallel>, #tpu.dimension_semantics<subcore_parallel>], iteration_bounds = array<i64: 2, 16>, scalar_prefetch = 0 : i64, scratch_operands = 14 : i64, tpu.core_type = #tpu.core_type<sc_vector_subcore>, window_params = [{transform_indices = #map}, {transform_indices = #map1}, {transform_indices = #map}]} {
    %mul3A = arith.constant 2 : i32
    %mul3A_0 = arith.muli %arg1, %mul3A : i32
    %add3A = arith.addi %mul3A_0, %arg0 : i32
    %mul3A_1 = arith.constant 32 : i32
    %mul3A_2 = arith.muli %add3A, %mul3A_1 : i32
    %mul3A_3 = arith.constant 8 : i32
    %mul3A_4 = arith.muli %mul3A_2, %mul3A_3 : i32
    "tpu.region"() ({
      %run_scoped3A = tpu.sem_alloc : memref<!tpu.dma_semaphore, #tpu.memory_space<semaphore_mem>>
      %dma_start3A = arith.constant 0 : i32
      %dma_start3A_13 = tpu.memref_slice %arg5[%dma_start3A] : memref<272xf32, #tpu.memory_space<vmem>> -> memref<256xf32, #tpu.memory_space<vmem>>
      %dma_start3A_14 = tpu.memref_slice %arg3[%mul3A_4] : memref<8192xf32, #tpu.memory_space<hbm>> -> memref<256xf32, #tpu.memory_space<hbm>>
      %dma_start3A_15 = arith.constant 0 : i32
      %dma_start3A_16 = tpu.memref_slice %arg5[%dma_start3A_15] : memref<272xf32, #tpu.memory_space<vmem>> -> memref<256xf32, #tpu.memory_space<vmem>>
      %dma_start3A_17 = tpu.memref_slice %arg3[%mul3A_4] : memref<8192xf32, #tpu.memory_space<hbm>> -> memref<256xf32, #tpu.memory_space<hbm>>
      tpu.enqueue_dma source(%dma_start3A_17 : memref<256xf32, #tpu.memory_space<hbm>>) target(%dma_start3A_16 : memref<256xf32, #tpu.memory_space<vmem>>) target_semaphore(%run_scoped3A : memref<!tpu.dma_semaphore, #tpu.memory_space<semaphore_mem>>)
      %dma_wait3A = arith.constant 0 : i32
      %dma_wait3A_18 = tpu.memref_slice %arg5[%dma_wait3A] : memref<272xf32, #tpu.memory_space<vmem>> -> memref<256xf32, #tpu.memory_space<vmem>>
      %dma_wait3A_19 = tpu.memref_slice %arg3[%mul3A_4] : memref<8192xf32, #tpu.memory_space<hbm>> -> memref<256xf32, #tpu.memory_space<hbm>>
      %dma_wait3A_20 = arith.constant 0 : i32
      %dma_wait3A_21 = tpu.memref_slice %arg5[%dma_wait3A_20] : memref<272xf32, #tpu.memory_space<vmem>> -> memref<256xf32, #tpu.memory_space<vmem>>
      %dma_wait3A_22 = tpu.memref_slice %arg3[%mul3A_4] : memref<8192xf32, #tpu.memory_space<hbm>> -> memref<256xf32, #tpu.memory_space<hbm>>
      tpu.wait_dma2 semaphore(%run_scoped3A : memref<!tpu.dma_semaphore, #tpu.memory_space<semaphore_mem>>) src(%dma_wait3A_22 : memref<256xf32, #tpu.memory_space<hbm>>) dst(%dma_wait3A_21 : memref<256xf32, #tpu.memory_space<vmem>>)
      tpu.yield
    }) : () -> ()
    %iota3A = tpu.iota {dimensions = array<i32: 0>} : vector<16xi32>
    %mul3A_5 = arith.constant 49 : i32
    %mul3A_6 = vector.broadcast %mul3A_5 : i32 to vector<16xi32>
    %mul3A_7 = arith.muli %iota3A, %mul3A_6 : vector<16xi32>
    %scan3A = arith.constant 0 : i32
    %scan3A_8 = arith.constant 0 : i32
    %scan3A_9 = arith.constant 16 : i32
    %scan3A_10 = arith.addi %scan3A_8, %scan3A_9 : i32
    %scan3A_11 = arith.constant 1 : i32
    scf.for %scan3A_13 = %scan3A_8 to %scan3A_10 step %scan3A_11  : i32 {
      %mul3A_14 = arith.constant 2 : i32
      %mul3A_15 = arith.muli %mul3A_14, %scan3A_13 : i32
      %mul3A_16 = arith.constant 8 : i32
      %mul3A_17 = arith.muli %mul3A_15, %mul3A_16 : i32
      %add3A_18 = arith.constant 0 : i32
      %add3A_19 = arith.addi %mul3A_17, %add3A_18 : i32
      %broadcast_in_dim3A = vector.broadcast %add3A_19 : i32 to vector<16xi32>
      %gather3A = tpu.vector_load_idx %arg5[%broadcast_in_dim3A] : memref<272xf32, #tpu.memory_space<vmem>>[vector<16xi32>], vector<16xf32>,
      %convert_element_type3A = arith.fptosi %gather3A : vector<16xf32> to vector<16xi32>
      %mul3A_20 = arith.constant 8 : i32
      %mul3A_21 = arith.muli %mul3A_15, %mul3A_20 : i32
      %add3A_22 = arith.constant 1 : i32
      %add3A_23 = arith.addi %mul3A_21, %add3A_22 : i32
      %broadcast_in_dim3A_24 = vector.broadcast %add3A_23 : i32 to vector<16xi32>
      %gather3A_25 = tpu.vector_load_idx %arg5[%broadcast_in_dim3A_24] : memref<272xf32, #tpu.memory_space<vmem>>[vector<16xi32>], vector<16xf32>,
      %mul3A_26 = arith.constant 8 : i32
      %mul3A_27 = arith.muli %mul3A_15, %mul3A_26 : i32
      %add3A_28 = arith.constant 2 : i32
      %add3A_29 = arith.addi %mul3A_27, %add3A_28 : i32
      %broadcast_in_dim3A_30 = vector.broadcast %add3A_29 : i32 to vector<16xi32>
      %gather3A_31 = tpu.vector_load_idx %arg5[%broadcast_in_dim3A_30] : memref<272xf32, #tpu.memory_space<vmem>>[vector<16xi32>], vector<16xf32>,
      %mul3A_32 = arith.constant 8 : i32
      %mul3A_33 = arith.muli %mul3A_15, %mul3A_32 : i32
      %add3A_34 = arith.constant 3 : i32
      %add3A_35 = arith.addi %mul3A_33, %add3A_34 : i32
      %broadcast_in_dim3A_36 = vector.broadcast %add3A_35 : i32 to vector<16xi32>
      %gather3A_37 = tpu.vector_load_idx %arg5[%broadcast_in_dim3A_36] : memref<272xf32, #tpu.memory_space<vmem>>[vector<16xi32>], vector<16xf32>,
      %mul3A_38 = arith.constant 8 : i32
      %mul3A_39 = arith.muli %mul3A_15, %mul3A_38 : i32
      %add3A_40 = arith.constant 4 : i32
      %add3A_41 = arith.addi %mul3A_39, %add3A_40 : i32
      %broadcast_in_dim3A_42 = vector.broadcast %add3A_41 : i32 to vector<16xi32>
      %gather3A_43 = tpu.vector_load_idx %arg5[%broadcast_in_dim3A_42] : memref<272xf32, #tpu.memory_space<vmem>>[vector<16xi32>], vector<16xf32>,
      %add3A_44 = arith.constant 0 : i32
      %add3A_45 = vector.broadcast %add3A_44 : i32 to vector<16xi32>
      %add3A_46 = arith.addi %iota3A, %add3A_45 : vector<16xi32>
      %jit3A = arith.constant 7 : i32
      %div3A = vector.broadcast %jit3A : i32 to vector<16xi32>
      %div3A_47 = arith.divsi %add3A_46, %div3A : vector<16xi32>
      %sign3A = arith.constant 0 : i32
      %sign3A_48 = vector.broadcast %sign3A : i32 to vector<16xi32>
      %sign3A_49 = arith.cmpi sgt, %add3A_46, %sign3A_48 : vector<16xi32>
      %sign3A_50 = arith.extui %sign3A_49 : vector<16xi1> to vector<16xi32>
      %sign3A_51 = arith.constant 0 : i32
      %sign3A_52 = vector.broadcast %sign3A_51 : i32 to vector<16xi32>
      %sign3A_53 = arith.cmpi slt, %add3A_46, %sign3A_52 : vector<16xi32>
      %sign3A_54 = arith.extui %sign3A_53 : vector<16xi1> to vector<16xi32>
      %sign3A_55 = arith.subi %sign3A_50, %sign3A_54 : vector<16xi32>
      %sign3A_56 = arith.constant 0 : i32
      %sign3A_57 = arith.cmpi sgt, %jit3A, %sign3A_56 : i32
      %sign3A_58 = arith.extui %sign3A_57 : i1 to i32
      %sign3A_59 = arith.constant 0 : i32
      %sign3A_60 = arith.cmpi slt, %jit3A, %sign3A_59 : i32
      %sign3A_61 = arith.extui %sign3A_60 : i1 to i32
      %sign3A_62 = arith.subi %sign3A_58, %sign3A_61 : i32
      %ne3A = vector.broadcast %sign3A_62 : i32 to vector<16xi32>
      %ne3A_63 = arith.cmpi ne, %sign3A_55, %ne3A : vector<16xi32>
      %rem3A = vector.broadcast %jit3A : i32 to vector<16xi32>
      %rem3A_64 = arith.remsi %add3A_46, %rem3A : vector<16xi32>
      %ne3A_65 = arith.constant 0 : i32
      %ne3A_66 = vector.broadcast %ne3A_65 : i32 to vector<16xi32>
      %ne3A_67 = arith.cmpi ne, %rem3A_64, %ne3A_66 : vector<16xi32>
      %and3A = arith.andi %ne3A_63, %ne3A_67 : vector<16xi1>
      %sub3A = arith.constant 1 : i32
      %sub3A_68 = vector.broadcast %sub3A : i32 to vector<16xi32>
      %sub3A_69 = arith.subi %div3A_47, %sub3A_68 : vector<16xi32>
      %select_n3A = arith.select %and3A, %sub3A_69, %div3A_47 : vector<16xi1>, vector<16xi32>
      %mul3A_70 = arith.constant 7 : i32
      %mul3A_71 = vector.broadcast %mul3A_70 : i32 to vector<16xi32>
      %mul3A_72 = arith.muli %select_n3A, %mul3A_71 : vector<16xi32>
      %sub3A_73 = arith.subi %add3A_46, %mul3A_72 : vector<16xi32>
      %convert_element_type3A_74 = arith.sitofp %select_n3A : vector<16xi32> to vector<16xf32>
      %mul3A_75 = arith.constant 0.166666672 : f32
      %mul3A_76 = vector.broadcast %mul3A_75 : f32 to vector<16xf32>
      %mul3A_77 = arith.mulf %convert_element_type3A_74, %mul3A_76 : vector<16xf32>
      %convert_element_type3A_78 = arith.sitofp %sub3A_73 : vector<16xi32> to vector<16xf32>
      %mul3A_79 = arith.constant 0.166666672 : f32
      %mul3A_80 = vector.broadcast %mul3A_79 : f32 to vector<16xf32>
      %mul3A_81 = arith.mulf %convert_element_type3A_78, %mul3A_80 : vector<16xf32>
      %sub3A_82 = arith.subf %gather3A_43, %gather3A_31 : vector<16xf32>
      %mul3A_83 = arith.mulf %mul3A_77, %sub3A_82 : vector<16xf32>
      %add3A_84 = arith.addf %gather3A_31, %mul3A_83 : vector<16xf32>
      %mul3A_85 = arith.constant 6.250000e-02 : f32
      %mul3A_86 = vector.broadcast %mul3A_85 : f32 to vector<16xf32>
      %mul3A_87 = arith.mulf %add3A_84, %mul3A_86 : vector<16xf32>
      %sub3A_88 = arith.subf %gather3A_37, %gather3A_25 : vector<16xf32>
      %mul3A_89 = arith.mulf %mul3A_81, %sub3A_88 : vector<16xf32>
      %add3A_90 = arith.addf %gather3A_25, %mul3A_89 : vector<16xf32>
      %mul3A_91 = arith.constant 6.250000e-02 : f32
      %mul3A_92 = vector.broadcast %mul3A_91 : f32 to vector<16xf32>
      %mul3A_93 = arith.mulf %add3A_90, %mul3A_92 : vector<16xf32>
      %convert_element_type3A_94 = arith.fptosi %mul3A_87 : vector<16xf32> to vector<16xi32>
      %convert_element_type3A_95 = arith.fptosi %mul3A_93 : vector<16xf32> to vector<16xi32>
      %convert_element_type3A_96 = arith.sitofp %convert_element_type3A_94 : vector<16xi32> to vector<16xf32>
      %sub3A_97 = arith.subf %mul3A_87, %convert_element_type3A_96 : vector<16xf32>
      %convert_element_type3A_98 = arith.sitofp %convert_element_type3A_95 : vector<16xi32> to vector<16xf32>
      %sub3A_99 = arith.subf %mul3A_93, %convert_element_type3A_98 : vector<16xf32>
      %le3A = arith.constant 6.300000e+01 : f32
      %le3A_100 = vector.broadcast %le3A : f32 to vector<16xf32>
      %le3A_101 = arith.cmpf ole, %mul3A_87, %le3A_100 : vector<16xf32>
      %le3A_102 = arith.constant 6.300000e+01 : f32
      %le3A_103 = vector.broadcast %le3A_102 : f32 to vector<16xf32>
      %le3A_104 = arith.cmpf ole, %mul3A_93, %le3A_103 : vector<16xf32>
      %and3A_105 = arith.andi %le3A_101, %le3A_104 : vector<16xi1>
      %lt3A = arith.constant 49 : i32
      %lt3A_106 = vector.broadcast %lt3A : i32 to vector<16xi32>
      %lt3A_107 = arith.cmpi slt, %add3A_46, %lt3A_106 : vector<16xi32>
      %and3A_108 = arith.andi %and3A_105, %lt3A_107 : vector<16xi1>
      %jit3A_109 = arith.constant 1.000000e+00 : f32
      %jit3A_110 = arith.constant 0.000000e+00 : f32
      %broadcast_in_dim3A_111 = vector.broadcast %jit3A_109 : f32 to vector<16xf32>
      %broadcast_in_dim3A_112 = vector.broadcast %jit3A_110 : f32 to vector<16xf32>
      %select_n3A_113 = arith.select %and3A_108, %broadcast_in_dim3A_111, %broadcast_in_dim3A_112 : vector<16xi1>, vector<16xf32>
      %mul3A_114 = arith.constant 4096 : i32
      %mul3A_115 = vector.broadcast %mul3A_114 : i32 to vector<16xi32>
      %mul3A_116 = arith.muli %convert_element_type3A, %mul3A_115 : vector<16xi32>
      %mul3A_117 = arith.constant 64 : i32
      %mul3A_118 = vector.broadcast %mul3A_117 : i32 to vector<16xi32>
      %mul3A_119 = arith.muli %convert_element_type3A_94, %mul3A_118 : vector<16xi32>
      %add3A_120 = arith.addi %mul3A_116, %mul3A_119 : vector<16xi32>
      %add3A_121 = arith.addi %add3A_120, %convert_element_type3A_95 : vector<16xi32>
      %jit3A_122 = arith.constant 0 : i32
      %jit3A_123 = arith.constant 17150 : i32
      %max3A = vector.broadcast %jit3A_122 : i32 to vector<16xi32>
      %max3A_124 = arith.maxsi %max3A, %add3A_121 : vector<16xi32>
      %min3A = vector.broadcast %jit3A_123 : i32 to vector<16xi32>
      %min3A_125 = arith.minsi %min3A, %max3A_124 : vector<16xi32>
      %swap3A = arith.constant 0 : index
      %swap3A_126 = tpu.vector_load %arg6[%swap3A] {strides = array<i32>} : memref<112xi32, #tpu.memory_space<vmem>>, vector<16xi32>,
      tpu.vector_store %arg6[%swap3A], %min3A_125 {strides = array<i32>} : memref<112xi32, #tpu.memory_space<vmem>>, vector<16xi32>,
      %add3A_127 = arith.constant 1 : i32
      %add3A_128 = vector.broadcast %add3A_127 : i32 to vector<16xi32>
      %add3A_129 = arith.addi %min3A_125, %add3A_128 : vector<16xi32>
      %swap3A_130 = arith.constant 56 : index
      %swap3A_131 = tpu.vector_load %arg6[%swap3A_130] {strides = array<i32>} : memref<112xi32, #tpu.memory_space<vmem>>, vector<16xi32>,
      tpu.vector_store %arg6[%swap3A_130], %add3A_129 {strides = array<i32>} : memref<112xi32, #tpu.memory_space<vmem>>, vector<16xi32>,
      %add3A_132 = arith.constant 64 : i32
      %add3A_133 = vector.broadcast %add3A_132 : i32 to vector<16xi32>
      %add3A_134 = arith.addi %min3A_125, %add3A_133 : vector<16xi32>
      %swap3A_135 = arith.constant 0 : index
      %swap3A_136 = tpu.vector_load %arg7[%swap3A_135] {strides = array<i32>} : memref<112xi32, #tpu.memory_space<vmem>>, vector<16xi32>,
      tpu.vector_store %arg7[%swap3A_135], %add3A_134 {strides = array<i32>} : memref<112xi32, #tpu.memory_space<vmem>>, vector<16xi32>,
      %add3A_137 = arith.constant 64 : i32
      %add3A_138 = vector.broadcast %add3A_137 : i32 to vector<16xi32>
      %add3A_139 = arith.addi %min3A_125, %add3A_138 : vector<16xi32>
      %add3A_140 = arith.constant 1 : i32
      %add3A_141 = vector.broadcast %add3A_140 : i32 to vector<16xi32>
      %add3A_142 = arith.addi %add3A_139, %add3A_141 : vector<16xi32>
      %swap3A_143 = arith.constant 56 : index
      %swap3A_144 = tpu.vector_load %arg7[%swap3A_143] {strides = array<i32>} : memref<112xi32, #tpu.memory_space<vmem>>, vector<16xi32>,
      tpu.vector_store %arg7[%swap3A_143], %add3A_142 {strides = array<i32>} : memref<112xi32, #tpu.memory_space<vmem>>, vector<16xi32>,
      %sub3A_145 = arith.constant 1.000000e+00 : f32
      %sub3A_146 = vector.broadcast %sub3A_145 : f32 to vector<16xf32>
      %sub3A_147 = arith.subf %sub3A_146, %sub3A_97 : vector<16xf32>
      %mul3A_148 = arith.mulf %sub3A_147, %select_n3A_113 : vector<16xf32>
      %mul3A_149 = arith.mulf %sub3A_97, %select_n3A_113 : vector<16xf32>
      %sub3A_150 = arith.constant 1.000000e+00 : f32
      %sub3A_151 = vector.broadcast %sub3A_150 : f32 to vector<16xf32>
      %sub3A_152 = arith.subf %sub3A_151, %sub3A_99 : vector<16xf32>
      %mul3A_153 = arith.mulf %mul3A_148, %sub3A_152 : vector<16xf32>
      %swap3A_154 = arith.constant 0 : index
      %swap3A_155 = tpu.vector_load %arg8[%swap3A_154] {strides = array<i32>} : memref<224xf32, #tpu.memory_space<vmem>>, vector<16xf32>,
      tpu.vector_store %arg8[%swap3A_154], %mul3A_153 {strides = array<i32>} : memref<224xf32, #tpu.memory_space<vmem>>, vector<16xf32>,
      %mul3A_156 = arith.mulf %mul3A_148, %sub3A_99 : vector<16xf32>
      %swap3A_157 = arith.constant 56 : index
      %swap3A_158 = tpu.vector_load %arg8[%swap3A_157] {strides = array<i32>} : memref<224xf32, #tpu.memory_space<vmem>>, vector<16xf32>,
      tpu.vector_store %arg8[%swap3A_157], %mul3A_156 {strides = array<i32>} : memref<224xf32, #tpu.memory_space<vmem>>, vector<16xf32>,
      %sub3A_159 = arith.constant 1.000000e+00 : f32
      %sub3A_160 = vector.broadcast %sub3A_159 : f32 to vector<16xf32>
      %sub3A_161 = arith.subf %sub3A_160, %sub3A_99 : vector<16xf32>
      %mul3A_162 = arith.mulf %mul3A_149, %sub3A_161 : vector<16xf32>
      %swap3A_163 = arith.constant 112 : index
      %swap3A_164 = tpu.vector_load %arg8[%swap3A_163] {strides = array<i32>} : memref<224xf32, #tpu.memory_space<vmem>>, vector<16xf32>,
      tpu.vector_store %arg8[%swap3A_163], %mul3A_162 {strides = array<i32>} : memref<224xf32, #tpu.memory_space<vmem>>, vector<16xf32>,
      %mul3A_165 = arith.mulf %mul3A_149, %sub3A_99 : vector<16xf32>
      %swap3A_166 = arith.constant 168 : index
      %swap3A_167 = tpu.vector_load %arg8[%swap3A_166] {strides = array<i32>} : memref<224xf32, #tpu.memory_space<vmem>>, vector<16xf32>,
      tpu.vector_store %arg8[%swap3A_166], %mul3A_165 {strides = array<i32>} : memref<224xf32, #tpu.memory_space<vmem>>, vector<16xf32>,
      %add3A_168 = arith.constant 16 : i32
      %add3A_169 = vector.broadcast %add3A_168 : i32 to vector<16xi32>
      %add3A_170 = arith.addi %iota3A, %add3A_169 : vector<16xi32>
      %jit3A_171 = arith.constant 7 : i32
      %div3A_172 = vector.broadcast %jit3A_171 : i32 to vector<16xi32>
      %div3A_173 = arith.divsi %add3A_170, %div3A_172 : vector<16xi32>
      %sign3A_174 = arith.constant 0 : i32
      %sign3A_175 = vector.broadcast %sign3A_174 : i32 to vector<16xi32>
      %sign3A_176 = arith.cmpi sgt, %add3A_170, %sign3A_175 : vector<16xi32>
      %sign3A_177 = arith.extui %sign3A_176 : vector<16xi1> to vector<16xi32>
      %sign3A_178 = arith.constant 0 : i32
      %sign3A_179 = vector.broadcast %sign3A_178 : i32 to vector<16xi32>
      %sign3A_180 = arith.cmpi slt, %add3A_170, %sign3A_179 : vector<16xi32>
      %sign3A_181 = arith.extui %sign3A_180 : vector<16xi1> to vector<16xi32>
      %sign3A_182 = arith.subi %sign3A_177, %sign3A_181 : vector<16xi32>
      %sign3A_183 = arith.constant 0 : i32
      %sign3A_184 = arith.cmpi sgt, %jit3A_171, %sign3A_183 : i32
      %sign3A_185 = arith.extui %sign3A_184 : i1 to i32
      %sign3A_186 = arith.constant 0 : i32
      %sign3A_187 = arith.cmpi slt, %jit3A_171, %sign3A_186 : i32
      %sign3A_188 = arith.extui %sign3A_187 : i1 to i32
      %sign3A_189 = arith.subi %sign3A_185, %sign3A_188 : i32
      %ne3A_190 = vector.broadcast %sign3A_189 : i32 to vector<16xi32>
      %ne3A_191 = arith.cmpi ne, %sign3A_182, %ne3A_190 : vector<16xi32>
      %rem3A_192 = vector.broadcast %jit3A_171 : i32 to vector<16xi32>
      %rem3A_193 = arith.remsi %add3A_170, %rem3A_192 : vector<16xi32>
      %ne3A_194 = arith.constant 0 : i32
      %ne3A_195 = vector.broadcast %ne3A_194 : i32 to vector<16xi32>
      %ne3A_196 = arith.cmpi ne, %rem3A_193, %ne3A_195 : vector<16xi32>
      %and3A_197 = arith.andi %ne3A_191, %ne3A_196 : vector<16xi1>
      %sub3A_198 = arith.constant 1 : i32
      %sub3A_199 = vector.broadcast %sub3A_198 : i32 to vector<16xi32>
      %sub3A_200 = arith.subi %div3A_173, %sub3A_199 : vector<16xi32>
      %select_n3A_201 = arith.select %and3A_197, %sub3A_200, %div3A_173 : vector<16xi1>, vector<16xi32>
      %mul3A_202 = arith.constant 7 : i32
      %mul3A_203 = vector.broadcast %mul3A_202 : i32 to vector<16xi32>
      %mul3A_204 = arith.muli %select_n3A_201, %mul3A_203 : vector<16xi32>
      %sub3A_205 = arith.subi %add3A_170, %mul3A_204 : vector<16xi32>
      %convert_element_type3A_206 = arith.sitofp %select_n3A_201 : vector<16xi32> to vector<16xf32>
      %mul3A_207 = arith.constant 0.166666672 : f32
      %mul3A_208 = vector.broadcast %mul3A_207 : f32 to vector<16xf32>
      %mul3A_209 = arith.mulf %convert_element_type3A_206, %mul3A_208 : vector<16xf32>
      %convert_element_type3A_210 = arith.sitofp %sub3A_205 : vector<16xi32> to vector<16xf32>
      %mul3A_211 = arith.constant 0.166666672 : f32
      %mul3A_212 = vector.broadcast %mul3A_211 : f32 to vector<16xf32>
      %mul3A_213 = arith.mulf %convert_element_type3A_210, %mul3A_212 : vector<16xf32>
      %sub3A_214 = arith.subf %gather3A_43, %gather3A_31 : vector<16xf32>
      %mul3A_215 = arith.mulf %mul3A_209, %sub3A_214 : vector<16xf32>
      %add3A_216 = arith.addf %gather3A_31, %mul3A_215 : vector<16xf32>
      %mul3A_217 = arith.constant 6.250000e-02 : f32
      %mul3A_218 = vector.broadcast %mul3A_217 : f32 to vector<16xf32>
      %mul3A_219 = arith.mulf %add3A_216, %mul3A_218 : vector<16xf32>
      %sub3A_220 = arith.subf %gather3A_37, %gather3A_25 : vector<16xf32>
      %mul3A_221 = arith.mulf %mul3A_213, %sub3A_220 : vector<16xf32>
      %add3A_222 = arith.addf %gather3A_25, %mul3A_221 : vector<16xf32>
      %mul3A_223 = arith.constant 6.250000e-02 : f32
      %mul3A_224 = vector.broadcast %mul3A_223 : f32 to vector<16xf32>
      %mul3A_225 = arith.mulf %add3A_222, %mul3A_224 : vector<16xf32>
      %convert_element_type3A_226 = arith.fptosi %mul3A_219 : vector<16xf32> to vector<16xi32>
      %convert_element_type3A_227 = arith.fptosi %mul3A_225 : vector<16xf32> to vector<16xi32>
      %convert_element_type3A_228 = arith.sitofp %convert_element_type3A_226 : vector<16xi32> to vector<16xf32>
      %sub3A_229 = arith.subf %mul3A_219, %convert_element_type3A_228 : vector<16xf32>
      %convert_element_type3A_230 = arith.sitofp %convert_element_type3A_227 : vector<16xi32> to vector<16xf32>
      %sub3A_231 = arith.subf %mul3A_225, %convert_element_type3A_230 : vector<16xf32>
      %le3A_232 = arith.constant 6.300000e+01 : f32
      %le3A_233 = vector.broadcast %le3A_232 : f32 to vector<16xf32>
      %le3A_234 = arith.cmpf ole, %mul3A_219, %le3A_233 : vector<16xf32>
      %le3A_235 = arith.constant 6.300000e+01 : f32
      %le3A_236 = vector.broadcast %le3A_235 : f32 to vector<16xf32>
      %le3A_237 = arith.cmpf ole, %mul3A_225, %le3A_236 : vector<16xf32>
      %and3A_238 = arith.andi %le3A_234, %le3A_237 : vector<16xi1>
      %lt3A_239 = arith.constant 49 : i32
      %lt3A_240 = vector.broadcast %lt3A_239 : i32 to vector<16xi32>
      %lt3A_241 = arith.cmpi slt, %add3A_170, %lt3A_240 : vector<16xi32>
      %and3A_242 = arith.andi %and3A_238, %lt3A_241 : vector<16xi1>
      %jit3A_243 = arith.constant 1.000000e+00 : f32
      %jit3A_244 = arith.constant 0.000000e+00 : f32
      %broadcast_in_dim3A_245 = vector.broadcast %jit3A_243 : f32 to vector<16xf32>
      %broadcast_in_dim3A_246 = vector.broadcast %jit3A_244 : f32 to vector<16xf32>
      %select_n3A_247 = arith.select %and3A_242, %broadcast_in_dim3A_245, %broadcast_in_dim3A_246 : vector<16xi1>, vector<16xf32>
      %mul3A_248 = arith.constant 4096 : i32
      %mul3A_249 = vector.broadcast %mul3A_248 : i32 to vector<16xi32>
      %mul3A_250 = arith.muli %convert_element_type3A, %mul3A_249 : vector<16xi32>
      %mul3A_251 = arith.constant 64 : i32
      %mul3A_252 = vector.broadcast %mul3A_251 : i32 to vector<16xi32>
      %mul3A_253 = arith.muli %convert_element_type3A_226, %mul3A_252 : vector<16xi32>
      %add3A_254 = arith.addi %mul3A_250, %mul3A_253 : vector<16xi32>
      %add3A_255 = arith.addi %add3A_254, %convert_element_type3A_227 : vector<16xi32>
      %jit3A_256 = arith.constant 0 : i32
      %jit3A_257 = arith.constant 17150 : i32
      %max3A_258 = vector.broadcast %jit3A_256 : i32 to vector<16xi32>
      %max3A_259 = arith.maxsi %max3A_258, %add3A_255 : vector<16xi32>
      %min3A_260 = vector.broadcast %jit3A_257 : i32 to vector<16xi32>
      %min3A_261 = arith.minsi %min3A_260, %max3A_259 : vector<16xi32>
      %swap3A_262 = arith.constant 16 : index
      %swap3A_263 = tpu.vector_load %arg6[%swap3A_262] {strides = array<i32>} : memref<112xi32, #tpu.memory_space<vmem>>, vector<16xi32>,
      tpu.vector_store %arg6[%swap3A_262], %min3A_261 {strides = array<i32>} : memref<112xi32, #tpu.memory_space<vmem>>, vector<16xi32>,
      %add3A_264 = arith.constant 1 : i32
      %add3A_265 = vector.broadcast %add3A_264 : i32 to vector<16xi32>
      %add3A_266 = arith.addi %min3A_261, %add3A_265 : vector<16xi32>
      %swap3A_267 = arith.constant 72 : index
      %swap3A_268 = tpu.vector_load %arg6[%swap3A_267] {strides = array<i32>} : memref<112xi32, #tpu.memory_space<vmem>>, vector<16xi32>,
      tpu.vector_store %arg6[%swap3A_267], %add3A_266 {strides = array<i32>} : memref<112xi32, #tpu.memory_space<vmem>>, vector<16xi32>,
      %add3A_269 = arith.constant 64 : i32
      %add3A_270 = vector.broadcast %add3A_269 : i32 to vector<16xi32>
      %add3A_271 = arith.addi %min3A_261, %add3A_270 : vector<16xi32>
      %swap3A_272 = arith.constant 16 : index
      %swap3A_273 = tpu.vector_load %arg7[%swap3A_272] {strides = array<i32>} : memref<112xi32, #tpu.memory_space<vmem>>, vector<16xi32>,
      tpu.vector_store %arg7[%swap3A_272], %add3A_271 {strides = array<i32>} : memref<112xi32, #tpu.memory_space<vmem>>, vector<16xi32>,
      %add3A_274 = arith.constant 64 : i32
      %add3A_275 = vector.broadcast %add3A_274 : i32 to vector<16xi32>
      %add3A_276 = arith.addi %min3A_261, %add3A_275 : vector<16xi32>
      %add3A_277 = arith.constant 1 : i32
      %add3A_278 = vector.broadcast %add3A_277 : i32 to vector<16xi32>
      %add3A_279 = arith.addi %add3A_276, %add3A_278 : vector<16xi32>
      %swap3A_280 = arith.constant 72 : index
      %swap3A_281 = tpu.vector_load %arg7[%swap3A_280] {strides = array<i32>} : memref<112xi32, #tpu.memory_space<vmem>>, vector<16xi32>,
      tpu.vector_store %arg7[%swap3A_280], %add3A_279 {strides = array<i32>} : memref<112xi32, #tpu.memory_space<vmem>>, vector<16xi32>,
      %sub3A_282 = arith.constant 1.000000e+00 : f32
      %sub3A_283 = vector.broadcast %sub3A_282 : f32 to vector<16xf32>
      %sub3A_284 = arith.subf %sub3A_283, %sub3A_229 : vector<16xf32>
      %mul3A_285 = arith.mulf %sub3A_284, %select_n3A_247 : vector<16xf32>
      %mul3A_286 = arith.mulf %sub3A_229, %select_n3A_247 : vector<16xf32>
      %sub3A_287 = arith.constant 1.000000e+00 : f32
      %sub3A_288 = vector.broadcast %sub3A_287 : f32 to vector<16xf32>
      %sub3A_289 = arith.subf %sub3A_288, %sub3A_231 : vector<16xf32>
      %mul3A_290 = arith.mulf %mul3A_285, %sub3A_289 : vector<16xf32>
      %swap3A_291 = arith.constant 16 : index
      %swap3A_292 = tpu.vector_load %arg8[%swap3A_291] {strides = array<i32>} : memref<224xf32, #tpu.memory_space<vmem>>, vector<16xf32>,
      tpu.vector_store %arg8[%swap3A_291], %mul3A_290 {strides = array<i32>} : memref<224xf32, #tpu.memory_space<vmem>>, vector<16xf32>,
      %mul3A_293 = arith.mulf %mul3A_285, %sub3A_231 : vector<16xf32>
      %swap3A_294 = arith.constant 72 : index
      %swap3A_295 = tpu.vector_load %arg8[%swap3A_294] {strides = array<i32>} : memref<224xf32, #tpu.memory_space<vmem>>, vector<16xf32>,
      tpu.vector_store %arg8[%swap3A_294], %mul3A_293 {strides = array<i32>} : memref<224xf32, #tpu.memory_space<vmem>>, vector<16xf32>,
      %sub3A_296 = arith.constant 1.000000e+00 : f32
      %sub3A_297 = vector.broadcast %sub3A_296 : f32 to vector<16xf32>
      %sub3A_298 = arith.subf %sub3A_297, %sub3A_231 : vector<16xf32>
      %mul3A_299 = arith.mulf %mul3A_286, %sub3A_298 : vector<16xf32>
      %swap3A_300 = arith.constant 128 : index
      %swap3A_301 = tpu.vector_load %arg8[%swap3A_300] {strides = array<i32>} : memref<224xf32, #tpu.memory_space<vmem>>, vector<16xf32>,
      tpu.vector_store %arg8[%swap3A_300], %mul3A_299 {strides = array<i32>} : memref<224xf32, #tpu.memory_space<vmem>>, vector<16xf32>,
      %mul3A_302 = arith.mulf %mul3A_286, %sub3A_231 : vector<16xf32>
      %swap3A_303 = arith.constant 184 : index
      %swap3A_304 = tpu.vector_load %arg8[%swap3A_303] {strides = array<i32>} : memref<224xf32, #tpu.memory_space<vmem>>, vector<16xf32>,
      tpu.vector_store %arg8[%swap3A_303], %mul3A_302 {strides = array<i32>} : memref<224xf32, #tpu.memory_space<vmem>>, vector<16xf32>,
      %add3A_305 = arith.constant 32 : i32
      %add3A_306 = vector.broadcast %add3A_305 : i32 to vector<16xi32>
      %add3A_307 = arith.addi %iota3A, %add3A_306 : vector<16xi32>
      %jit3A_308 = arith.constant 7 : i32
      %div3A_309 = vector.broadcast %jit3A_308 : i32 to vector<16xi32>
      %div3A_310 = arith.divsi %add3A_307, %div3A_309 : vector<16xi32>
      %sign3A_311 = arith.constant 0 : i32
      %sign3A_312 = vector.broadcast %sign3A_311 : i32 to vector<16xi32>
      %sign3A_313 = arith.cmpi sgt, %add3A_307, %sign3A_312 : vector<16xi32>
      %sign3A_314 = arith.extui %sign3A_313 : vector<16xi1> to vector<16xi32>
      %sign3A_315 = arith.constant 0 : i32
      %sign3A_316 = vector.broadcast %sign3A_315 : i32 to vector<16xi32>
      %sign3A_317 = arith.cmpi slt, %add3A_307, %sign3A_316 : vector<16xi32>
      %sign3A_318 = arith.extui %sign3A_317 : vector<16xi1> to vector<16xi32>
      %sign3A_319 = arith.subi %sign3A_314, %sign3A_318 : vector<16xi32>
      %sign3A_320 = arith.constant 0 : i32
      %sign3A_321 = arith.cmpi sgt, %jit3A_308, %sign3A_320 : i32
      %sign3A_322 = arith.extui %sign3A_321 : i1 to i32
      %sign3A_323 = arith.constant 0 : i32
      %sign3A_324 = arith.cmpi slt, %jit3A_308, %sign3A_323 : i32
      %sign3A_325 = arith.extui %sign3A_324 : i1 to i32
      %sign3A_326 = arith.subi %sign3A_322, %sign3A_325 : i32
      %ne3A_327 = vector.broadcast %sign3A_326 : i32 to vector<16xi32>
      %ne3A_328 = arith.cmpi ne, %sign3A_319, %ne3A_327 : vector<16xi32>
      %rem3A_329 = vector.broadcast %jit3A_308 : i32 to vector<16xi32>
      %rem3A_330 = arith.remsi %add3A_307, %rem3A_329 : vector<16xi32>
      %ne3A_331 = arith.constant 0 : i32
      %ne3A_332 = vector.broadcast %ne3A_331 : i32 to vector<16xi32>
      %ne3A_333 = arith.cmpi ne, %rem3A_330, %ne3A_332 : vector<16xi32>
      %and3A_334 = arith.andi %ne3A_328, %ne3A_333 : vector<16xi1>
      %sub3A_335 = arith.constant 1 : i32
      %sub3A_336 = vector.broadcast %sub3A_335 : i32 to vector<16xi32>
      %sub3A_337 = arith.subi %div3A_310, %sub3A_336 : vector<16xi32>
      %select_n3A_338 = arith.select %and3A_334, %sub3A_337, %div3A_310 : vector<16xi1>, vector<16xi32>
      %mul3A_339 = arith.constant 7 : i32
      %mul3A_340 = vector.broadcast %mul3A_339 : i32 to vector<16xi32>
      %mul3A_341 = arith.muli %select_n3A_338, %mul3A_340 : vector<16xi32>
      %sub3A_342 = arith.subi %add3A_307, %mul3A_341 : vector<16xi32>
      %convert_element_type3A_343 = arith.sitofp %select_n3A_338 : vector<16xi32> to vector<16xf32>
      %mul3A_344 = arith.constant 0.166666672 : f32
      %mul3A_345 = vector.broadcast %mul3A_344 : f32 to vector<16xf32>
      %mul3A_346 = arith.mulf %convert_element_type3A_343, %mul3A_345 : vector<16xf32>
      %convert_element_type3A_347 = arith.sitofp %sub3A_342 : vector<16xi32> to vector<16xf32>
      %mul3A_348 = arith.constant 0.166666672 : f32
      %mul3A_349 = vector.broadcast %mul3A_348 : f32 to vector<16xf32>
      %mul3A_350 = arith.mulf %convert_element_type3A_347, %mul3A_349 : vector<16xf32>
      %sub3A_351 = arith.subf %gather3A_43, %gather3A_31 : vector<16xf32>
      %mul3A_352 = arith.mulf %mul3A_346, %sub3A_351 : vector<16xf32>
      %add3A_353 = arith.addf %gather3A_31, %mul3A_352 : vector<16xf32>
      %mul3A_354 = arith.constant 6.250000e-02 : f32
      %mul3A_355 = vector.broadcast %mul3A_354 : f32 to vector<16xf32>
      %mul3A_356 = arith.mulf %add3A_353, %mul3A_355 : vector<16xf32>
      %sub3A_357 = arith.subf %gather3A_37, %gather3A_25 : vector<16xf32>
      %mul3A_358 = arith.mulf %mul3A_350, %sub3A_357 : vector<16xf32>
      %add3A_359 = arith.addf %gather3A_25, %mul3A_358 : vector<16xf32>
      %mul3A_360 = arith.constant 6.250000e-02 : f32
      %mul3A_361 = vector.broadcast %mul3A_360 : f32 to vector<16xf32>
      %mul3A_362 = arith.mulf %add3A_359, %mul3A_361 : vector<16xf32>
      %convert_element_type3A_363 = arith.fptosi %mul3A_356 : vector<16xf32> to vector<16xi32>
      %convert_element_type3A_364 = arith.fptosi %mul3A_362 : vector<16xf32> to vector<16xi32>
      %convert_element_type3A_365 = arith.sitofp %convert_element_type3A_363 : vector<16xi32> to vector<16xf32>
      %sub3A_366 = arith.subf %mul3A_356, %convert_element_type3A_365 : vector<16xf32>
      %convert_element_type3A_367 = arith.sitofp %convert_element_type3A_364 : vector<16xi32> to vector<16xf32>
      %sub3A_368 = arith.subf %mul3A_362, %convert_element_type3A_367 : vector<16xf32>
      %le3A_369 = arith.constant 6.300000e+01 : f32
      %le3A_370 = vector.broadcast %le3A_369 : f32 to vector<16xf32>
      %le3A_371 = arith.cmpf ole, %mul3A_356, %le3A_370 : vector<16xf32>
      %le3A_372 = arith.constant 6.300000e+01 : f32
      %le3A_373 = vector.broadcast %le3A_372 : f32 to vector<16xf32>
      %le3A_374 = arith.cmpf ole, %mul3A_362, %le3A_373 : vector<16xf32>
      %and3A_375 = arith.andi %le3A_371, %le3A_374 : vector<16xi1>
      %lt3A_376 = arith.constant 49 : i32
      %lt3A_377 = vector.broadcast %lt3A_376 : i32 to vector<16xi32>
      %lt3A_378 = arith.cmpi slt, %add3A_307, %lt3A_377 : vector<16xi32>
      %and3A_379 = arith.andi %and3A_375, %lt3A_378 : vector<16xi1>
      %jit3A_380 = arith.constant 1.000000e+00 : f32
      %jit3A_381 = arith.constant 0.000000e+00 : f32
      %broadcast_in_dim3A_382 = vector.broadcast %jit3A_380 : f32 to vector<16xf32>
      %broadcast_in_dim3A_383 = vector.broadcast %jit3A_381 : f32 to vector<16xf32>
      %select_n3A_384 = arith.select %and3A_379, %broadcast_in_dim3A_382, %broadcast_in_dim3A_383 : vector<16xi1>, vector<16xf32>
      %mul3A_385 = arith.constant 4096 : i32
      %mul3A_386 = vector.broadcast %mul3A_385 : i32 to vector<16xi32>
      %mul3A_387 = arith.muli %convert_element_type3A, %mul3A_386 : vector<16xi32>
      %mul3A_388 = arith.constant 64 : i32
      %mul3A_389 = vector.broadcast %mul3A_388 : i32 to vector<16xi32>
      %mul3A_390 = arith.muli %convert_element_type3A_363, %mul3A_389 : vector<16xi32>
      %add3A_391 = arith.addi %mul3A_387, %mul3A_390 : vector<16xi32>
      %add3A_392 = arith.addi %add3A_391, %convert_element_type3A_364 : vector<16xi32>
      %jit3A_393 = arith.constant 0 : i32
      %jit3A_394 = arith.constant 17150 : i32
      %max3A_395 = vector.broadcast %jit3A_393 : i32 to vector<16xi32>
      %max3A_396 = arith.maxsi %max3A_395, %add3A_392 : vector<16xi32>
      %min3A_397 = vector.broadcast %jit3A_394 : i32 to vector<16xi32>
      %min3A_398 = arith.minsi %min3A_397, %max3A_396 : vector<16xi32>
      %swap3A_399 = arith.constant 32 : index
      %swap3A_400 = tpu.vector_load %arg6[%swap3A_399] {strides = array<i32>} : memref<112xi32, #tpu.memory_space<vmem>>, vector<16xi32>,
      tpu.vector_store %arg6[%swap3A_399], %min3A_398 {strides = array<i32>} : memref<112xi32, #tpu.memory_space<vmem>>, vector<16xi32>,
      %add3A_401 = arith.constant 1 : i32
      %add3A_402 = vector.broadcast %add3A_401 : i32 to vector<16xi32>
      %add3A_403 = arith.addi %min3A_398, %add3A_402 : vector<16xi32>
      %swap3A_404 = arith.constant 88 : index
      %swap3A_405 = tpu.vector_load %arg6[%swap3A_404] {strides = array<i32>} : memref<112xi32, #tpu.memory_space<vmem>>, vector<16xi32>,
      tpu.vector_store %arg6[%swap3A_404], %add3A_403 {strides = array<i32>} : memref<112xi32, #tpu.memory_space<vmem>>, vector<16xi32>,
      %add3A_406 = arith.constant 64 : i32
      %add3A_407 = vector.broadcast %add3A_406 : i32 to vector<16xi32>
      %add3A_408 = arith.addi %min3A_398, %add3A_407 : vector<16xi32>
      %swap3A_409 = arith.constant 32 : index
      %swap3A_410 = tpu.vector_load %arg7[%swap3A_409] {strides = array<i32>} : memref<112xi32, #tpu.memory_space<vmem>>, vector<16xi32>,
      tpu.vector_store %arg7[%swap3A_409], %add3A_408 {strides = array<i32>} : memref<112xi32, #tpu.memory_space<vmem>>, vector<16xi32>,
      %add3A_411 = arith.constant 64 : i32
      %add3A_412 = vector.broadcast %add3A_411 : i32 to vector<16xi32>
      %add3A_413 = arith.addi %min3A_398, %add3A_412 : vector<16xi32>
      %add3A_414 = arith.constant 1 : i32
      %add3A_415 = vector.broadcast %add3A_414 : i32 to vector<16xi32>
      %add3A_416 = arith.addi %add3A_413, %add3A_415 : vector<16xi32>
      %swap3A_417 = arith.constant 88 : index
      %swap3A_418 = tpu.vector_load %arg7[%swap3A_417] {strides = array<i32>} : memref<112xi32, #tpu.memory_space<vmem>>, vector<16xi32>,
      tpu.vector_store %arg7[%swap3A_417], %add3A_416 {strides = array<i32>} : memref<112xi32, #tpu.memory_space<vmem>>, vector<16xi32>,
      %sub3A_419 = arith.constant 1.000000e+00 : f32
      %sub3A_420 = vector.broadcast %sub3A_419 : f32 to vector<16xf32>
      %sub3A_421 = arith.subf %sub3A_420, %sub3A_366 : vector<16xf32>
      %mul3A_422 = arith.mulf %sub3A_421, %select_n3A_384 : vector<16xf32>
      %mul3A_423 = arith.mulf %sub3A_366, %select_n3A_384 : vector<16xf32>
      %sub3A_424 = arith.constant 1.000000e+00 : f32
      %sub3A_425 = vector.broadcast %sub3A_424 : f32 to vector<16xf32>
      %sub3A_426 = arith.subf %sub3A_425, %sub3A_368 : vector<16xf32>
      %mul3A_427 = arith.mulf %mul3A_422, %sub3A_426 : vector<16xf32>
      %swap3A_428 = arith.constant 32 : index
      %swap3A_429 = tpu.vector_load %arg8[%swap3A_428] {strides = array<i32>} : memref<224xf32, #tpu.memory_space<vmem>>, vector<16xf32>,
      tpu.vector_store %arg8[%swap3A_428], %mul3A_427 {strides = array<i32>} : memref<224xf32, #tpu.memory_space<vmem>>, vector<16xf32>,
      %mul3A_430 = arith.mulf %mul3A_422, %sub3A_368 : vector<16xf32>
      %swap3A_431 = arith.constant 88 : index
      %swap3A_432 = tpu.vector_load %arg8[%swap3A_431] {strides = array<i32>} : memref<224xf32, #tpu.memory_space<vmem>>, vector<16xf32>,
      tpu.vector_store %arg8[%swap3A_431], %mul3A_430 {strides = array<i32>} : memref<224xf32, #tpu.memory_space<vmem>>, vector<16xf32>,
      %sub3A_433 = arith.constant 1.000000e+00 : f32
      %sub3A_434 = vector.broadcast %sub3A_433 : f32 to vector<16xf32>
      %sub3A_435 = arith.subf %sub3A_434, %sub3A_368 : vector<16xf32>
      %mul3A_436 = arith.mulf %mul3A_423, %sub3A_435 : vector<16xf32>
      %swap3A_437 = arith.constant 144 : index
      %swap3A_438 = tpu.vector_load %arg8[%swap3A_437] {strides = array<i32>} : memref<224xf32, #tpu.memory_space<vmem>>, vector<16xf32>,
      tpu.vector_store %arg8[%swap3A_437], %mul3A_436 {strides = array<i32>} : memref<224xf32, #tpu.memory_space<vmem>>, vector<16xf32>,
      %mul3A_439 = arith.mulf %mul3A_423, %sub3A_368 : vector<16xf32>
      %swap3A_440 = arith.constant 200 : index
      %swap3A_441 = tpu.vector_load %arg8[%swap3A_440] {strides = array<i32>} : memref<224xf32, #tpu.memory_space<vmem>>, vector<16xf32>,
      tpu.vector_store %arg8[%swap3A_440], %mul3A_439 {strides = array<i32>} : memref<224xf32, #tpu.memory_space<vmem>>, vector<16xf32>,
      %add3A_442 = arith.constant 40 : i32
      %add3A_443 = vector.broadcast %add3A_442 : i32 to vector<16xi32>
      %add3A_444 = arith.addi %iota3A, %add3A_443 : vector<16xi32>
      %jit3A_445 = arith.constant 7 : i32
      %div3A_446 = vector.broadcast %jit3A_445 : i32 to vector<16xi32>
      %div3A_447 = arith.divsi %add3A_444, %div3A_446 : vector<16xi32>
      %sign3A_448 = arith.constant 0 : i32
      %sign3A_449 = vector.broadcast %sign3A_448 : i32 to vector<16xi32>
      %sign3A_450 = arith.cmpi sgt, %add3A_444, %sign3A_449 : vector<16xi32>
      %sign3A_451 = arith.extui %sign3A_450 : vector<16xi1> to vector<16xi32>
      %sign3A_452 = arith.constant 0 : i32
      %sign3A_453 = vector.broadcast %sign3A_452 : i32 to vector<16xi32>
      %sign3A_454 = arith.cmpi slt, %add3A_444, %sign3A_453 : vector<16xi32>
      %sign3A_455 = arith.extui %sign3A_454 : vector<16xi1> to vector<16xi32>
      %sign3A_456 = arith.subi %sign3A_451, %sign3A_455 : vector<16xi32>
      %sign3A_457 = arith.constant 0 : i32
      %sign3A_458 = arith.cmpi sgt, %jit3A_445, %sign3A_457 : i32
      %sign3A_459 = arith.extui %sign3A_458 : i1 to i32
      %sign3A_460 = arith.constant 0 : i32
      %sign3A_461 = arith.cmpi slt, %jit3A_445, %sign3A_460 : i32
      %sign3A_462 = arith.extui %sign3A_461 : i1 to i32
      %sign3A_463 = arith.subi %sign3A_459, %sign3A_462 : i32
      %ne3A_464 = vector.broadcast %sign3A_463 : i32 to vector<16xi32>
      %ne3A_465 = arith.cmpi ne, %sign3A_456, %ne3A_464 : vector<16xi32>
      %rem3A_466 = vector.broadcast %jit3A_445 : i32 to vector<16xi32>
      %rem3A_467 = arith.remsi %add3A_444, %rem3A_466 : vector<16xi32>
      %ne3A_468 = arith.constant 0 : i32
      %ne3A_469 = vector.broadcast %ne3A_468 : i32 to vector<16xi32>
      %ne3A_470 = arith.cmpi ne, %rem3A_467, %ne3A_469 : vector<16xi32>
      %and3A_471 = arith.andi %ne3A_465, %ne3A_470 : vector<16xi1>
      %sub3A_472 = arith.constant 1 : i32
      %sub3A_473 = vector.broadcast %sub3A_472 : i32 to vector<16xi32>
      %sub3A_474 = arith.subi %div3A_447, %sub3A_473 : vector<16xi32>
      %select_n3A_475 = arith.select %and3A_471, %sub3A_474, %div3A_447 : vector<16xi1>, vector<16xi32>
      %mul3A_476 = arith.constant 7 : i32
      %mul3A_477 = vector.broadcast %mul3A_476 : i32 to vector<16xi32>
      %mul3A_478 = arith.muli %select_n3A_475, %mul3A_477 : vector<16xi32>
      %sub3A_479 = arith.subi %add3A_444, %mul3A_478 : vector<16xi32>
      %convert_element_type3A_480 = arith.sitofp %select_n3A_475 : vector<16xi32> to vector<16xf32>
      %mul3A_481 = arith.constant 0.166666672 : f32
      %mul3A_482 = vector.broadcast %mul3A_481 : f32 to vector<16xf32>
      %mul3A_483 = arith.mulf %convert_element_type3A_480, %mul3A_482 : vector<16xf32>
      %convert_element_type3A_484 = arith.sitofp %sub3A_479 : vector<16xi32> to vector<16xf32>
      %mul3A_485 = arith.constant 0.166666672 : f32
      %mul3A_486 = vector.broadcast %mul3A_485 : f32 to vector<16xf32>
      %mul3A_487 = arith.mulf %convert_element_type3A_484, %mul3A_486 : vector<16xf32>
      %sub3A_488 = arith.subf %gather3A_43, %gather3A_31 : vector<16xf32>
      %mul3A_489 = arith.mulf %mul3A_483, %sub3A_488 : vector<16xf32>
      %add3A_490 = arith.addf %gather3A_31, %mul3A_489 : vector<16xf32>
      %mul3A_491 = arith.constant 6.250000e-02 : f32
      %mul3A_492 = vector.broadcast %mul3A_491 : f32 to vector<16xf32>
      %mul3A_493 = arith.mulf %add3A_490, %mul3A_492 : vector<16xf32>
      %sub3A_494 = arith.subf %gather3A_37, %gather3A_25 : vector<16xf32>
      %mul3A_495 = arith.mulf %mul3A_487, %sub3A_494 : vector<16xf32>
      %add3A_496 = arith.addf %gather3A_25, %mul3A_495 : vector<16xf32>
      %mul3A_497 = arith.constant 6.250000e-02 : f32
      %mul3A_498 = vector.broadcast %mul3A_497 : f32 to vector<16xf32>
      %mul3A_499 = arith.mulf %add3A_496, %mul3A_498 : vector<16xf32>
      %convert_element_type3A_500 = arith.fptosi %mul3A_493 : vector<16xf32> to vector<16xi32>
      %convert_element_type3A_501 = arith.fptosi %mul3A_499 : vector<16xf32> to vector<16xi32>
      %convert_element_type3A_502 = arith.sitofp %convert_element_type3A_500 : vector<16xi32> to vector<16xf32>
      %sub3A_503 = arith.subf %mul3A_493, %convert_element_type3A_502 : vector<16xf32>
      %convert_element_type3A_504 = arith.sitofp %convert_element_type3A_501 : vector<16xi32> to vector<16xf32>
      %sub3A_505 = arith.subf %mul3A_499, %convert_element_type3A_504 : vector<16xf32>
      %le3A_506 = arith.constant 6.300000e+01 : f32
      %le3A_507 = vector.broadcast %le3A_506 : f32 to vector<16xf32>
      %le3A_508 = arith.cmpf ole, %mul3A_493, %le3A_507 : vector<16xf32>
      %le3A_509 = arith.constant 6.300000e+01 : f32
      %le3A_510 = vector.broadcast %le3A_509 : f32 to vector<16xf32>
      %le3A_511 = arith.cmpf ole, %mul3A_499, %le3A_510 : vector<16xf32>
      %and3A_512 = arith.andi %le3A_508, %le3A_511 : vector<16xi1>
      %lt3A_513 = arith.constant 49 : i32
      %lt3A_514 = vector.broadcast %lt3A_513 : i32 to vector<16xi32>
      %lt3A_515 = arith.cmpi slt, %add3A_444, %lt3A_514 : vector<16xi32>
      %and3A_516 = arith.andi %and3A_512, %lt3A_515 : vector<16xi1>
      %jit3A_517 = arith.constant 1.000000e+00 : f32
      %jit3A_518 = arith.constant 0.000000e+00 : f32
      %broadcast_in_dim3A_519 = vector.broadcast %jit3A_517 : f32 to vector<16xf32>
      %broadcast_in_dim3A_520 = vector.broadcast %jit3A_518 : f32 to vector<16xf32>
      %select_n3A_521 = arith.select %and3A_516, %broadcast_in_dim3A_519, %broadcast_in_dim3A_520 : vector<16xi1>, vector<16xf32>
      %mul3A_522 = arith.constant 4096 : i32
      %mul3A_523 = vector.broadcast %mul3A_522 : i32 to vector<16xi32>
      %mul3A_524 = arith.muli %convert_element_type3A, %mul3A_523 : vector<16xi32>
      %mul3A_525 = arith.constant 64 : i32
      %mul3A_526 = vector.broadcast %mul3A_525 : i32 to vector<16xi32>
      %mul3A_527 = arith.muli %convert_element_type3A_500, %mul3A_526 : vector<16xi32>
      %add3A_528 = arith.addi %mul3A_524, %mul3A_527 : vector<16xi32>
      %add3A_529 = arith.addi %add3A_528, %convert_element_type3A_501 : vector<16xi32>
      %jit3A_530 = arith.constant 0 : i32
      %jit3A_531 = arith.constant 17150 : i32
      %max3A_532 = vector.broadcast %jit3A_530 : i32 to vector<16xi32>
      %max3A_533 = arith.maxsi %max3A_532, %add3A_529 : vector<16xi32>
      %min3A_534 = vector.broadcast %jit3A_531 : i32 to vector<16xi32>
      %min3A_535 = arith.minsi %min3A_534, %max3A_533 : vector<16xi32>
      %swap3A_536 = arith.constant 40 : index
      %swap3A_537 = tpu.vector_load %arg6[%swap3A_536] {strides = array<i32>} : memref<112xi32, #tpu.memory_space<vmem>>, vector<16xi32>,
      tpu.vector_store %arg6[%swap3A_536], %min3A_535 {strides = array<i32>} : memref<112xi32, #tpu.memory_space<vmem>>, vector<16xi32>,
      %add3A_538 = arith.constant 1 : i32
      %add3A_539 = vector.broadcast %add3A_538 : i32 to vector<16xi32>
      %add3A_540 = arith.addi %min3A_535, %add3A_539 : vector<16xi32>
      %swap3A_541 = arith.constant 96 : index
      %swap3A_542 = tpu.vector_load %arg6[%swap3A_541] {strides = array<i32>} : memref<112xi32, #tpu.memory_space<vmem>>, vector<16xi32>,
      tpu.vector_store %arg6[%swap3A_541], %add3A_540 {strides = array<i32>} : memref<112xi32, #tpu.memory_space<vmem>>, vector<16xi32>,
      %add3A_543 = arith.constant 64 : i32
      %add3A_544 = vector.broadcast %add3A_543 : i32 to vector<16xi32>
      %add3A_545 = arith.addi %min3A_535, %add3A_544 : vector<16xi32>
      %swap3A_546 = arith.constant 40 : index
      %swap3A_547 = tpu.vector_load %arg7[%swap3A_546] {strides = array<i32>} : memref<112xi32, #tpu.memory_space<vmem>>, vector<16xi32>,
      tpu.vector_store %arg7[%swap3A_546], %add3A_545 {strides = array<i32>} : memref<112xi32, #tpu.memory_space<vmem>>, vector<16xi32>,
      %add3A_548 = arith.constant 64 : i32
      %add3A_549 = vector.broadcast %add3A_548 : i32 to vector<16xi32>
      %add3A_550 = arith.addi %min3A_535, %add3A_549 : vector<16xi32>
      %add3A_551 = arith.constant 1 : i32
      %add3A_552 = vector.broadcast %add3A_551 : i32 to vector<16xi32>
      %add3A_553 = arith.addi %add3A_550, %add3A_552 : vector<16xi32>
      %swap3A_554 = arith.constant 96 : index
      %swap3A_555 = tpu.vector_load %arg7[%swap3A_554] {strides = array<i32>} : memref<112xi32, #tpu.memory_space<vmem>>, vector<16xi32>,
      tpu.vector_store %arg7[%swap3A_554], %add3A_553 {strides = array<i32>} : memref<112xi32, #tpu.memory_space<vmem>>, vector<16xi32>,
      %sub3A_556 = arith.constant 1.000000e+00 : f32
      %sub3A_557 = vector.broadcast %sub3A_556 : f32 to vector<16xf32>
      %sub3A_558 = arith.subf %sub3A_557, %sub3A_503 : vector<16xf32>
      %mul3A_559 = arith.mulf %sub3A_558, %select_n3A_521 : vector<16xf32>
      %mul3A_560 = arith.mulf %sub3A_503, %select_n3A_521 : vector<16xf32>
      %sub3A_561 = arith.constant 1.000000e+00 : f32
      %sub3A_562 = vector.broadcast %sub3A_561 : f32 to vector<16xf32>
      %sub3A_563 = arith.subf %sub3A_562, %sub3A_505 : vector<16xf32>
      %mul3A_564 = arith.mulf %mul3A_559, %sub3A_563 : vector<16xf32>
      %swap3A_565 = arith.constant 40 : index
      %swap3A_566 = tpu.vector_load %arg8[%swap3A_565] {strides = array<i32>} : memref<224xf32, #tpu.memory_space<vmem>>, vector<16xf32>,
      tpu.vector_store %arg8[%swap3A_565], %mul3A_564 {strides = array<i32>} : memref<224xf32, #tpu.memory_space<vmem>>, vector<16xf32>,
      %mul3A_567 = arith.mulf %mul3A_559, %sub3A_505 : vector<16xf32>
      %swap3A_568 = arith.constant 96 : index
      %swap3A_569 = tpu.vector_load %arg8[%swap3A_568] {strides = array<i32>} : memref<224xf32, #tpu.memory_space<vmem>>, vector<16xf32>,
      tpu.vector_store %arg8[%swap3A_568], %mul3A_567 {strides = array<i32>} : memref<224xf32, #tpu.memory_space<vmem>>, vector<16xf32>,
      %sub3A_570 = arith.constant 1.000000e+00 : f32
      %sub3A_571 = vector.broadcast %sub3A_570 : f32 to vector<16xf32>
      %sub3A_572 = arith.subf %sub3A_571, %sub3A_505 : vector<16xf32>
      %mul3A_573 = arith.mulf %mul3A_560, %sub3A_572 : vector<16xf32>
      %swap3A_574 = arith.constant 152 : index
      %swap3A_575 = tpu.vector_load %arg8[%swap3A_574] {strides = array<i32>} : memref<224xf32, #tpu.memory_space<vmem>>, vector<16xf32>,
      tpu.vector_store %arg8[%swap3A_574], %mul3A_573 {strides = array<i32>} : memref<224xf32, #tpu.memory_space<vmem>>, vector<16xf32>,
      %mul3A_576 = arith.mulf %mul3A_560, %sub3A_505 : vector<16xf32>
      %swap3A_577 = arith.constant 208 : index
      %swap3A_578 = tpu.vector_load %arg8[%swap3A_577] {strides = array<i32>} : memref<224xf32, #tpu.memory_space<vmem>>, vector<16xf32>,
      tpu.vector_store %arg8[%swap3A_577], %mul3A_576 {strides = array<i32>} : memref<224xf32, #tpu.memory_space<vmem>>, vector<16xf32>,
      %dma_start3A = arith.constant 0 : i32
      %dma_start3A_579 = arith.constant 0 : i32
      %dma_start3A_580 = tpu.memref_slice %arg2[%dma_start3A, %dma_start3A_579] : memref<17216x256xf32, #tpu.memory_space<hbm>> -> memref<17216x256xf32, #tpu.memory_space<hbm>>
      tpu.enqueue_indirect_dma source(%dma_start3A_580 : memref<17216x256xf32, #tpu.memory_space<hbm>>) target(%arg9 : memref<112x256xf32, #tpu.memory_space<vmem>>) offsets(%arg6 : memref<112xi32, #tpu.memory_space<vmem>>) semaphore(%arg17 : memref<!tpu.dma_semaphore, #tpu.memory_space<semaphore_mem>>)
      %dma_start3A_581 = arith.constant 0 : i32
      %dma_start3A_582 = arith.constant 0 : i32
      %dma_start3A_583 = tpu.memref_slice %arg2[%dma_start3A_581, %dma_start3A_582] : memref<17216x256xf32, #tpu.memory_space<hbm>> -> memref<17216x256xf32, #tpu.memory_space<hbm>>
      tpu.enqueue_indirect_dma source(%dma_start3A_583 : memref<17216x256xf32, #tpu.memory_space<hbm>>) target(%arg10 : memref<112x256xf32, #tpu.memory_space<vmem>>) offsets(%arg7 : memref<112xi32, #tpu.memory_space<vmem>>) semaphore(%arg17 : memref<!tpu.dma_semaphore, #tpu.memory_space<semaphore_mem>>)
      %dma_wait3A = arith.constant 0 : i32
      %dma_wait3A_584 = arith.constant 0 : i32
      %dma_wait3A_585 = tpu.memref_slice %arg2[%dma_wait3A, %dma_wait3A_584] : memref<17216x256xf32, #tpu.memory_space<hbm>> -> memref<17216x256xf32, #tpu.memory_space<hbm>>
      tpu.wait_indirect_dma semaphore(%arg17 : memref<!tpu.dma_semaphore, #tpu.memory_space<semaphore_mem>>) src(%dma_wait3A_585 : memref<17216x256xf32, #tpu.memory_space<hbm>>) dst(%arg9 : memref<112x256xf32, #tpu.memory_space<vmem>>)
      %dma_wait3A_586 = arith.constant 0 : i32
      %dma_wait3A_587 = arith.constant 0 : i32
      %dma_wait3A_588 = tpu.memref_slice %arg2[%dma_wait3A_586, %dma_wait3A_587] : memref<17216x256xf32, #tpu.memory_space<hbm>> -> memref<17216x256xf32, #tpu.memory_space<hbm>>
      tpu.wait_indirect_dma semaphore(%arg17 : memref<!tpu.dma_semaphore, #tpu.memory_space<semaphore_mem>>) src(%dma_wait3A_588 : memref<17216x256xf32, #tpu.memory_space<hbm>>) dst(%arg10 : memref<112x256xf32, #tpu.memory_space<vmem>>)
      %add3A_589 = arith.constant 1 : i32
      %add3A_590 = arith.addi %mul3A_15, %add3A_589 : i32
      %mul3A_591 = arith.constant 8 : i32
      %mul3A_592 = arith.muli %add3A_590, %mul3A_591 : i32
      %add3A_593 = arith.constant 0 : i32
      %add3A_594 = arith.addi %mul3A_592, %add3A_593 : i32
      %broadcast_in_dim3A_595 = vector.broadcast %add3A_594 : i32 to vector<16xi32>
      %gather3A_596 = tpu.vector_load_idx %arg5[%broadcast_in_dim3A_595] : memref<272xf32, #tpu.memory_space<vmem>>[vector<16xi32>], vector<16xf32>,
      %convert_element_type3A_597 = arith.fptosi %gather3A_596 : vector<16xf32> to vector<16xi32>
      %mul3A_598 = arith.constant 8 : i32
      %mul3A_599 = arith.muli %add3A_590, %mul3A_598 : i32
      %add3A_600 = arith.constant 1 : i32
      %add3A_601 = arith.addi %mul3A_599, %add3A_600 : i32
      %broadcast_in_dim3A_602 = vector.broadcast %add3A_601 : i32 to vector<16xi32>
      %gather3A_603 = tpu.vector_load_idx %arg5[%broadcast_in_dim3A_602] : memref<272xf32, #tpu.memory_space<vmem>>[vector<16xi32>], vector<16xf32>,
      %mul3A_604 = arith.constant 8 : i32
      %mul3A_605 = arith.muli %add3A_590, %mul3A_604 : i32
      %add3A_606 = arith.constant 2 : i32
      %add3A_607 = arith.addi %mul3A_605, %add3A_606 : i32
      %broadcast_in_dim3A_608 = vector.broadcast %add3A_607 : i32 to vector<16xi32>
      %gather3A_609 = tpu.vector_load_idx %arg5[%broadcast_in_dim3A_608] : memref<272xf32, #tpu.memory_space<vmem>>[vector<16xi32>], vector<16xf32>,
      %mul3A_610 = arith.constant 8 : i32
      %mul3A_611 = arith.muli %add3A_590, %mul3A_610 : i32
      %add3A_612 = arith.constant 3 : i32
      %add3A_613 = arith.addi %mul3A_611, %add3A_612 : i32
      %broadcast_in_dim3A_614 = vector.broadcast %add3A_613 : i32 to vector<16xi32>
      %gather3A_615 = tpu.vector_load_idx %arg5[%broadcast_in_dim3A_614] : memref<272xf32, #tpu.memory_space<vmem>>[vector<16xi32>], vector<16xf32>,
      %mul3A_616 = arith.constant 8 : i32
      %mul3A_617 = arith.muli %add3A_590, %mul3A_616 : i32
      %add3A_618 = arith.constant 4 : i32
      %add3A_619 = arith.addi %mul3A_617, %add3A_618 : i32
      %broadcast_in_dim3A_620 = vector.broadcast %add3A_619 : i32 to vector<16xi32>
      %gather3A_621 = tpu.vector_load_idx %arg5[%broadcast_in_dim3A_620] : memref<272xf32, #tpu.memory_space<vmem>>[vector<16xi32>], vector<16xf32>,
      %add3A_622 = arith.constant 0 : i32
      %add3A_623 = vector.broadcast %add3A_622 : i32 to vector<16xi32>
      %add3A_624 = arith.addi %iota3A, %add3A_623 : vector<16xi32>
      %jit3A_625 = arith.constant 7 : i32
      %div3A_626 = vector.broadcast %jit3A_625 : i32 to vector<16xi32>
      %div3A_627 = arith.divsi %add3A_624, %div3A_626 : vector<16xi32>
      %sign3A_628 = arith.constant 0 : i32
      %sign3A_629 = vector.broadcast %sign3A_628 : i32 to vector<16xi32>
      %sign3A_630 = arith.cmpi sgt, %add3A_624, %sign3A_629 : vector<16xi32>
      %sign3A_631 = arith.extui %sign3A_630 : vector<16xi1> to vector<16xi32>
      %sign3A_632 = arith.constant 0 : i32
      %sign3A_633 = vector.broadcast %sign3A_632 : i32 to vector<16xi32>
      %sign3A_634 = arith.cmpi slt, %add3A_624, %sign3A_633 : vector<16xi32>
      %sign3A_635 = arith.extui %sign3A_634 : vector<16xi1> to vector<16xi32>
      %sign3A_636 = arith.subi %sign3A_631, %sign3A_635 : vector<16xi32>
      %sign3A_637 = arith.constant 0 : i32
      %sign3A_638 = arith.cmpi sgt, %jit3A_625, %sign3A_637 : i32
      %sign3A_639 = arith.extui %sign3A_638 : i1 to i32
      %sign3A_640 = arith.constant 0 : i32
      %sign3A_641 = arith.cmpi slt, %jit3A_625, %sign3A_640 : i32
      %sign3A_642 = arith.extui %sign3A_641 : i1 to i32
      %sign3A_643 = arith.subi %sign3A_639, %sign3A_642 : i32
      %ne3A_644 = vector.broadcast %sign3A_643 : i32 to vector<16xi32>
      %ne3A_645 = arith.cmpi ne, %sign3A_636, %ne3A_644 : vector<16xi32>
      %rem3A_646 = vector.broadcast %jit3A_625 : i32 to vector<16xi32>
      %rem3A_647 = arith.remsi %add3A_624, %rem3A_646 : vector<16xi32>
      %ne3A_648 = arith.constant 0 : i32
      %ne3A_649 = vector.broadcast %ne3A_648 : i32 to vector<16xi32>
      %ne3A_650 = arith.cmpi ne, %rem3A_647, %ne3A_649 : vector<16xi32>
      %and3A_651 = arith.andi %ne3A_645, %ne3A_650 : vector<16xi1>
      %sub3A_652 = arith.constant 1 : i32
      %sub3A_653 = vector.broadcast %sub3A_652 : i32 to vector<16xi32>
      %sub3A_654 = arith.subi %div3A_627, %sub3A_653 : vector<16xi32>
      %select_n3A_655 = arith.select %and3A_651, %sub3A_654, %div3A_627 : vector<16xi1>, vector<16xi32>
      %mul3A_656 = arith.constant 7 : i32
      %mul3A_657 = vector.broadcast %mul3A_656 : i32 to vector<16xi32>
      %mul3A_658 = arith.muli %select_n3A_655, %mul3A_657 : vector<16xi32>
      %sub3A_659 = arith.subi %add3A_624, %mul3A_658 : vector<16xi32>
      %convert_element_type3A_660 = arith.sitofp %select_n3A_655 : vector<16xi32> to vector<16xf32>
      %mul3A_661 = arith.constant 0.166666672 : f32
      %mul3A_662 = vector.broadcast %mul3A_661 : f32 to vector<16xf32>
      %mul3A_663 = arith.mulf %convert_element_type3A_660, %mul3A_662 : vector<16xf32>
      %convert_element_type3A_664 = arith.sitofp %sub3A_659 : vector<16xi32> to vector<16xf32>
      %mul3A_665 = arith.constant 0.166666672 : f32
      %mul3A_666 = vector.broadcast %mul3A_665 : f32 to vector<16xf32>
      %mul3A_667 = arith.mulf %convert_element_type3A_664, %mul3A_666 : vector<16xf32>
      %sub3A_668 = arith.subf %gather3A_621, %gather3A_609 : vector<16xf32>
      %mul3A_669 = arith.mulf %mul3A_663, %sub3A_668 : vector<16xf32>
      %add3A_670 = arith.addf %gather3A_609, %mul3A_669 : vector<16xf32>
      %mul3A_671 = arith.constant 6.250000e-02 : f32
      %mul3A_672 = vector.broadcast %mul3A_671 : f32 to vector<16xf32>
      %mul3A_673 = arith.mulf %add3A_670, %mul3A_672 : vector<16xf32>
      %sub3A_674 = arith.subf %gather3A_615, %gather3A_603 : vector<16xf32>
      %mul3A_675 = arith.mulf %mul3A_667, %sub3A_674 : vector<16xf32>
      %add3A_676 = arith.addf %gather3A_603, %mul3A_675 : vector<16xf32>
      %mul3A_677 = arith.constant 6.250000e-02 : f32
      %mul3A_678 = vector.broadcast %mul3A_677 : f32 to vector<16xf32>
      %mul3A_679 = arith.mulf %add3A_676, %mul3A_678 : vector<16xf32>
      %convert_element_type3A_680 = arith.fptosi %mul3A_673 : vector<16xf32> to vector<16xi32>
      %convert_element_type3A_681 = arith.fptosi %mul3A_679 : vector<16xf32> to vector<16xi32>
      %convert_element_type3A_682 = arith.sitofp %convert_element_type3A_680 : vector<16xi32> to vector<16xf32>
      %sub3A_683 = arith.subf %mul3A_673, %convert_element_type3A_682 : vector<16xf32>
      %convert_element_type3A_684 = arith.sitofp %convert_element_type3A_681 : vector<16xi32> to vector<16xf32>
      %sub3A_685 = arith.subf %mul3A_679, %convert_element_type3A_684 : vector<16xf32>
      %le3A_686 = arith.constant 6.300000e+01 : f32
      %le3A_687 = vector.broadcast %le3A_686 : f32 to vector<16xf32>
      %le3A_688 = arith.cmpf ole, %mul3A_673, %le3A_687 : vector<16xf32>
      %le3A_689 = arith.constant 6.300000e+01 : f32
      %le3A_690 = vector.broadcast %le3A_689 : f32 to vector<16xf32>
      %le3A_691 = arith.cmpf ole, %mul3A_679, %le3A_690 : vector<16xf32>
      %and3A_692 = arith.andi %le3A_688, %le3A_691 : vector<16xi1>
      %lt3A_693 = arith.constant 49 : i32
      %lt3A_694 = vector.broadcast %lt3A_693 : i32 to vector<16xi32>
      %lt3A_695 = arith.cmpi slt, %add3A_624, %lt3A_694 : vector<16xi32>
      %and3A_696 = arith.andi %and3A_692, %lt3A_695 : vector<16xi1>
      %jit3A_697 = arith.constant 1.000000e+00 : f32
      %jit3A_698 = arith.constant 0.000000e+00 : f32
      %broadcast_in_dim3A_699 = vector.broadcast %jit3A_697 : f32 to vector<16xf32>
      %broadcast_in_dim3A_700 = vector.broadcast %jit3A_698 : f32 to vector<16xf32>
      %select_n3A_701 = arith.select %and3A_696, %broadcast_in_dim3A_699, %broadcast_in_dim3A_700 : vector<16xi1>, vector<16xf32>
      %mul3A_702 = arith.constant 4096 : i32
      %mul3A_703 = vector.broadcast %mul3A_702 : i32 to vector<16xi32>
      %mul3A_704 = arith.muli %convert_element_type3A_597, %mul3A_703 : vector<16xi32>
      %mul3A_705 = arith.constant 64 : i32
      %mul3A_706 = vector.broadcast %mul3A_705 : i32 to vector<16xi32>
      %mul3A_707 = arith.muli %convert_element_type3A_680, %mul3A_706 : vector<16xi32>
      %add3A_708 = arith.addi %mul3A_704, %mul3A_707 : vector<16xi32>
      %add3A_709 = arith.addi %add3A_708, %convert_element_type3A_681 : vector<16xi32>
      %jit3A_710 = arith.constant 0 : i32
      %jit3A_711 = arith.constant 17150 : i32
      %max3A_712 = vector.broadcast %jit3A_710 : i32 to vector<16xi32>
      %max3A_713 = arith.maxsi %max3A_712, %add3A_709 : vector<16xi32>
      %min3A_714 = vector.broadcast %jit3A_711 : i32 to vector<16xi32>
      %min3A_715 = arith.minsi %min3A_714, %max3A_713 : vector<16xi32>
      %swap3A_716 = arith.constant 0 : index
      %swap3A_717 = tpu.vector_load %arg11[%swap3A_716] {strides = array<i32>} : memref<112xi32, #tpu.memory_space<vmem>>, vector<16xi32>,
      tpu.vector_store %arg11[%swap3A_716], %min3A_715 {strides = array<i32>} : memref<112xi32, #tpu.memory_space<vmem>>, vector<16xi32>,
      %add3A_718 = arith.constant 1 : i32
      %add3A_719 = vector.broadcast %add3A_718 : i32 to vector<16xi32>
      %add3A_720 = arith.addi %min3A_715, %add3A_719 : vector<16xi32>
      %swap3A_721 = arith.constant 56 : index
      %swap3A_722 = tpu.vector_load %arg11[%swap3A_721] {strides = array<i32>} : memref<112xi32, #tpu.memory_space<vmem>>, vector<16xi32>,
      tpu.vector_store %arg11[%swap3A_721], %add3A_720 {strides = array<i32>} : memref<112xi32, #tpu.memory_space<vmem>>, vector<16xi32>,
      %add3A_723 = arith.constant 64 : i32
      %add3A_724 = vector.broadcast %add3A_723 : i32 to vector<16xi32>
      %add3A_725 = arith.addi %min3A_715, %add3A_724 : vector<16xi32>
      %swap3A_726 = arith.constant 0 : index
      %swap3A_727 = tpu.vector_load %arg12[%swap3A_726] {strides = array<i32>} : memref<112xi32, #tpu.memory_space<vmem>>, vector<16xi32>,
      tpu.vector_store %arg12[%swap3A_726], %add3A_725 {strides = array<i32>} : memref<112xi32, #tpu.memory_space<vmem>>, vector<16xi32>,
      %add3A_728 = arith.constant 64 : i32
      %add3A_729 = vector.broadcast %add3A_728 : i32 to vector<16xi32>
      %add3A_730 = arith.addi %min3A_715, %add3A_729 : vector<16xi32>
      %add3A_731 = arith.constant 1 : i32
      %add3A_732 = vector.broadcast %add3A_731 : i32 to vector<16xi32>
      %add3A_733 = arith.addi %add3A_730, %add3A_732 : vector<16xi32>
      %swap3A_734 = arith.constant 56 : index
      %swap3A_735 = tpu.vector_load %arg12[%swap3A_734] {strides = array<i32>} : memref<112xi32, #tpu.memory_space<vmem>>, vector<16xi32>,
      tpu.vector_store %arg12[%swap3A_734], %add3A_733 {strides = array<i32>} : memref<112xi32, #tpu.memory_space<vmem>>, vector<16xi32>,
      %sub3A_736 = arith.constant 1.000000e+00 : f32
      %sub3A_737 = vector.broadcast %sub3A_736 : f32 to vector<16xf32>
      %sub3A_738 = arith.subf %sub3A_737, %sub3A_683 : vector<16xf32>
      %mul3A_739 = arith.mulf %sub3A_738, %select_n3A_701 : vector<16xf32>
      %mul3A_740 = arith.mulf %sub3A_683, %select_n3A_701 : vector<16xf32>
      %sub3A_741 = arith.constant 1.000000e+00 : f32
      %sub3A_742 = vector.broadcast %sub3A_741 : f32 to vector<16xf32>
      %sub3A_743 = arith.subf %sub3A_742, %sub3A_685 : vector<16xf32>
      %mul3A_744 = arith.mulf %mul3A_739, %sub3A_743 : vector<16xf32>
      %swap3A_745 = arith.constant 0 : index
      %swap3A_746 = tpu.vector_load %arg13[%swap3A_745] {strides = array<i32>} : memref<224xf32, #tpu.memory_space<vmem>>, vector<16xf32>,
      tpu.vector_store %arg13[%swap3A_745], %mul3A_744 {strides = array<i32>} : memref<224xf32, #tpu.memory_space<vmem>>, vector<16xf32>,
      %mul3A_747 = arith.mulf %mul3A_739, %sub3A_685 : vector<16xf32>
      %swap3A_748 = arith.constant 56 : index
      %swap3A_749 = tpu.vector_load %arg13[%swap3A_748] {strides = array<i32>} : memref<224xf32, #tpu.memory_space<vmem>>, vector<16xf32>,
      tpu.vector_store %arg13[%swap3A_748], %mul3A_747 {strides = array<i32>} : memref<224xf32, #tpu.memory_space<vmem>>, vector<16xf32>,
      %sub3A_750 = arith.constant 1.000000e+00 : f32
      %sub3A_751 = vector.broadcast %sub3A_750 : f32 to vector<16xf32>
      %sub3A_752 = arith.subf %sub3A_751, %sub3A_685 : vector<16xf32>
      %mul3A_753 = arith.mulf %mul3A_740, %sub3A_752 : vector<16xf32>
      %swap3A_754 = arith.constant 112 : index
      %swap3A_755 = tpu.vector_load %arg13[%swap3A_754] {strides = array<i32>} : memref<224xf32, #tpu.memory_space<vmem>>, vector<16xf32>,
      tpu.vector_store %arg13[%swap3A_754], %mul3A_753 {strides = array<i32>} : memref<224xf32, #tpu.memory_space<vmem>>, vector<16xf32>,
      %mul3A_756 = arith.mulf %mul3A_740, %sub3A_685 : vector<16xf32>
      %swap3A_757 = arith.constant 168 : index
      %swap3A_758 = tpu.vector_load %arg13[%swap3A_757] {strides = array<i32>} : memref<224xf32, #tpu.memory_space<vmem>>, vector<16xf32>,
      tpu.vector_store %arg13[%swap3A_757], %mul3A_756 {strides = array<i32>} : memref<224xf32, #tpu.memory_space<vmem>>, vector<16xf32>,
      %add3A_759 = arith.constant 16 : i32
      %add3A_760 = vector.broadcast %add3A_759 : i32 to vector<16xi32>
      %add3A_761 = arith.addi %iota3A, %add3A_760 : vector<16xi32>
      %jit3A_762 = arith.constant 7 : i32
      %div3A_763 = vector.broadcast %jit3A_762 : i32 to vector<16xi32>
      %div3A_764 = arith.divsi %add3A_761, %div3A_763 : vector<16xi32>
      %sign3A_765 = arith.constant 0 : i32
      %sign3A_766 = vector.broadcast %sign3A_765 : i32 to vector<16xi32>
      %sign3A_767 = arith.cmpi sgt, %add3A_761, %sign3A_766 : vector<16xi32>
      %sign3A_768 = arith.extui %sign3A_767 : vector<16xi1> to vector<16xi32>
      %sign3A_769 = arith.constant 0 : i32
      %sign3A_770 = vector.broadcast %sign3A_769 : i32 to vector<16xi32>
      %sign3A_771 = arith.cmpi slt, %add3A_761, %sign3A_770 : vector<16xi32>
      %sign3A_772 = arith.extui %sign3A_771 : vector<16xi1> to vector<16xi32>
      %sign3A_773 = arith.subi %sign3A_768, %sign3A_772 : vector<16xi32>
      %sign3A_774 = arith.constant 0 : i32
      %sign3A_775 = arith.cmpi sgt, %jit3A_762, %sign3A_774 : i32
      %sign3A_776 = arith.extui %sign3A_775 : i1 to i32
      %sign3A_777 = arith.constant 0 : i32
      %sign3A_778 = arith.cmpi slt, %jit3A_762, %sign3A_777 : i32
      %sign3A_779 = arith.extui %sign3A_778 : i1 to i32
      %sign3A_780 = arith.subi %sign3A_776, %sign3A_779 : i32
      %ne3A_781 = vector.broadcast %sign3A_780 : i32 to vector<16xi32>
      %ne3A_782 = arith.cmpi ne, %sign3A_773, %ne3A_781 : vector<16xi32>
      %rem3A_783 = vector.broadcast %jit3A_762 : i32 to vector<16xi32>
      %rem3A_784 = arith.remsi %add3A_761, %rem3A_783 : vector<16xi32>
      %ne3A_785 = arith.constant 0 : i32
      %ne3A_786 = vector.broadcast %ne3A_785 : i32 to vector<16xi32>
      %ne3A_787 = arith.cmpi ne, %rem3A_784, %ne3A_786 : vector<16xi32>
      %and3A_788 = arith.andi %ne3A_782, %ne3A_787 : vector<16xi1>
      %sub3A_789 = arith.constant 1 : i32
      %sub3A_790 = vector.broadcast %sub3A_789 : i32 to vector<16xi32>
      %sub3A_791 = arith.subi %div3A_764, %sub3A_790 : vector<16xi32>
      %select_n3A_792 = arith.select %and3A_788, %sub3A_791, %div3A_764 : vector<16xi1>, vector<16xi32>
      %mul3A_793 = arith.constant 7 : i32
      %mul3A_794 = vector.broadcast %mul3A_793 : i32 to vector<16xi32>
      %mul3A_795 = arith.muli %select_n3A_792, %mul3A_794 : vector<16xi32>
      %sub3A_796 = arith.subi %add3A_761, %mul3A_795 : vector<16xi32>
      %convert_element_type3A_797 = arith.sitofp %select_n3A_792 : vector<16xi32> to vector<16xf32>
      %mul3A_798 = arith.constant 0.166666672 : f32
      %mul3A_799 = vector.broadcast %mul3A_798 : f32 to vector<16xf32>
      %mul3A_800 = arith.mulf %convert_element_type3A_797, %mul3A_799 : vector<16xf32>
      %convert_element_type3A_801 = arith.sitofp %sub3A_796 : vector<16xi32> to vector<16xf32>
      %mul3A_802 = arith.constant 0.166666672 : f32
      %mul3A_803 = vector.broadcast %mul3A_802 : f32 to vector<16xf32>
      %mul3A_804 = arith.mulf %convert_element_type3A_801, %mul3A_803 : vector<16xf32>
      %sub3A_805 = arith.subf %gather3A_621, %gather3A_609 : vector<16xf32>
      %mul3A_806 = arith.mulf %mul3A_800, %sub3A_805 : vector<16xf32>
      %add3A_807 = arith.addf %gather3A_609, %mul3A_806 : vector<16xf32>
      %mul3A_808 = arith.constant 6.250000e-02 : f32
      %mul3A_809 = vector.broadcast %mul3A_808 : f32 to vector<16xf32>
      %mul3A_810 = arith.mulf %add3A_807, %mul3A_809 : vector<16xf32>
      %sub3A_811 = arith.subf %gather3A_615, %gather3A_603 : vector<16xf32>
      %mul3A_812 = arith.mulf %mul3A_804, %sub3A_811 : vector<16xf32>
      %add3A_813 = arith.addf %gather3A_603, %mul3A_812 : vector<16xf32>
      %mul3A_814 = arith.constant 6.250000e-02 : f32
      %mul3A_815 = vector.broadcast %mul3A_814 : f32 to vector<16xf32>
      %mul3A_816 = arith.mulf %add3A_813, %mul3A_815 : vector<16xf32>
      %convert_element_type3A_817 = arith.fptosi %mul3A_810 : vector<16xf32> to vector<16xi32>
      %convert_element_type3A_818 = arith.fptosi %mul3A_816 : vector<16xf32> to vector<16xi32>
      %convert_element_type3A_819 = arith.sitofp %convert_element_type3A_817 : vector<16xi32> to vector<16xf32>
      %sub3A_820 = arith.subf %mul3A_810, %convert_element_type3A_819 : vector<16xf32>
      %convert_element_type3A_821 = arith.sitofp %convert_element_type3A_818 : vector<16xi32> to vector<16xf32>
      %sub3A_822 = arith.subf %mul3A_816, %convert_element_type3A_821 : vector<16xf32>
      %le3A_823 = arith.constant 6.300000e+01 : f32
      %le3A_824 = vector.broadcast %le3A_823 : f32 to vector<16xf32>
      %le3A_825 = arith.cmpf ole, %mul3A_810, %le3A_824 : vector<16xf32>
      %le3A_826 = arith.constant 6.300000e+01 : f32
      %le3A_827 = vector.broadcast %le3A_826 : f32 to vector<16xf32>
      %le3A_828 = arith.cmpf ole, %mul3A_816, %le3A_827 : vector<16xf32>
      %and3A_829 = arith.andi %le3A_825, %le3A_828 : vector<16xi1>
      %lt3A_830 = arith.constant 49 : i32
      %lt3A_831 = vector.broadcast %lt3A_830 : i32 to vector<16xi32>
      %lt3A_832 = arith.cmpi slt, %add3A_761, %lt3A_831 : vector<16xi32>
      %and3A_833 = arith.andi %and3A_829, %lt3A_832 : vector<16xi1>
      %jit3A_834 = arith.constant 1.000000e+00 : f32
      %jit3A_835 = arith.constant 0.000000e+00 : f32
      %broadcast_in_dim3A_836 = vector.broadcast %jit3A_834 : f32 to vector<16xf32>
      %broadcast_in_dim3A_837 = vector.broadcast %jit3A_835 : f32 to vector<16xf32>
      %select_n3A_838 = arith.select %and3A_833, %broadcast_in_dim3A_836, %broadcast_in_dim3A_837 : vector<16xi1>, vector<16xf32>
      %mul3A_839 = arith.constant 4096 : i32
      %mul3A_840 = vector.broadcast %mul3A_839 : i32 to vector<16xi32>
      %mul3A_841 = arith.muli %convert_element_type3A_597, %mul3A_840 : vector<16xi32>
      %mul3A_842 = arith.constant 64 : i32
      %mul3A_843 = vector.broadcast %mul3A_842 : i32 to vector<16xi32>
      %mul3A_844 = arith.muli %convert_element_type3A_817, %mul3A_843 : vector<16xi32>
      %add3A_845 = arith.addi %mul3A_841, %mul3A_844 : vector<16xi32>
      %add3A_846 = arith.addi %add3A_845, %convert_element_type3A_818 : vector<16xi32>
      %jit3A_847 = arith.constant 0 : i32
      %jit3A_848 = arith.constant 17150 : i32
      %max3A_849 = vector.broadcast %jit3A_847 : i32 to vector<16xi32>
      %max3A_850 = arith.maxsi %max3A_849, %add3A_846 : vector<16xi32>
      %min3A_851 = vector.broadcast %jit3A_848 : i32 to vector<16xi32>
      %min3A_852 = arith.minsi %min3A_851, %max3A_850 : vector<16xi32>
      %swap3A_853 = arith.constant 16 : index
      %swap3A_854 = tpu.vector_load %arg11[%swap3A_853] {strides = array<i32>} : memref<112xi32, #tpu.memory_space<vmem>>, vector<16xi32>,
      tpu.vector_store %arg11[%swap3A_853], %min3A_852 {strides = array<i32>} : memref<112xi32, #tpu.memory_space<vmem>>, vector<16xi32>,
      %add3A_855 = arith.constant 1 : i32
      %add3A_856 = vector.broadcast %add3A_855 : i32 to vector<16xi32>
      %add3A_857 = arith.addi %min3A_852, %add3A_856 : vector<16xi32>
      %swap3A_858 = arith.constant 72 : index
      %swap3A_859 = tpu.vector_load %arg11[%swap3A_858] {strides = array<i32>} : memref<112xi32, #tpu.memory_space<vmem>>, vector<16xi32>,
      tpu.vector_store %arg11[%swap3A_858], %add3A_857 {strides = array<i32>} : memref<112xi32, #tpu.memory_space<vmem>>, vector<16xi32>,
      %add3A_860 = arith.constant 64 : i32
      %add3A_861 = vector.broadcast %add3A_860 : i32 to vector<16xi32>
      %add3A_862 = arith.addi %min3A_852, %add3A_861 : vector<16xi32>
      %swap3A_863 = arith.constant 16 : index
      %swap3A_864 = tpu.vector_load %arg12[%swap3A_863] {strides = array<i32>} : memref<112xi32, #tpu.memory_space<vmem>>, vector<16xi32>,
      tpu.vector_store %arg12[%swap3A_863], %add3A_862 {strides = array<i32>} : memref<112xi32, #tpu.memory_space<vmem>>, vector<16xi32>,
      %add3A_865 = arith.constant 64 : i32
      %add3A_866 = vector.broadcast %add3A_865 : i32 to vector<16xi32>
      %add3A_867 = arith.addi %min3A_852, %add3A_866 : vector<16xi32>
      %add3A_868 = arith.constant 1 : i32
      %add3A_869 = vector.broadcast %add3A_868 : i32 to vector<16xi32>
      %add3A_870 = arith.addi %add3A_867, %add3A_869 : vector<16xi32>
      %swap3A_871 = arith.constant 72 : index
      %swap3A_872 = tpu.vector_load %arg12[%swap3A_871] {strides = array<i32>} : memref<112xi32, #tpu.memory_space<vmem>>, vector<16xi32>,
      tpu.vector_store %arg12[%swap3A_871], %add3A_870 {strides = array<i32>} : memref<112xi32, #tpu.memory_space<vmem>>, vector<16xi32>,
      %sub3A_873 = arith.constant 1.000000e+00 : f32
      %sub3A_874 = vector.broadcast %sub3A_873 : f32 to vector<16xf32>
      %sub3A_875 = arith.subf %sub3A_874, %sub3A_820 : vector<16xf32>
      %mul3A_876 = arith.mulf %sub3A_875, %select_n3A_838 : vector<16xf32>
      %mul3A_877 = arith.mulf %sub3A_820, %select_n3A_838 : vector<16xf32>
      %sub3A_878 = arith.constant 1.000000e+00 : f32
      %sub3A_879 = vector.broadcast %sub3A_878 : f32 to vector<16xf32>
      %sub3A_880 = arith.subf %sub3A_879, %sub3A_822 : vector<16xf32>
      %mul3A_881 = arith.mulf %mul3A_876, %sub3A_880 : vector<16xf32>
      %swap3A_882 = arith.constant 16 : index
      %swap3A_883 = tpu.vector_load %arg13[%swap3A_882] {strides = array<i32>} : memref<224xf32, #tpu.memory_space<vmem>>, vector<16xf32>,
      tpu.vector_store %arg13[%swap3A_882], %mul3A_881 {strides = array<i32>} : memref<224xf32, #tpu.memory_space<vmem>>, vector<16xf32>,
      %mul3A_884 = arith.mulf %mul3A_876, %sub3A_822 : vector<16xf32>
      %swap3A_885 = arith.constant 72 : index
      %swap3A_886 = tpu.vector_load %arg13[%swap3A_885] {strides = array<i32>} : memref<224xf32, #tpu.memory_space<vmem>>, vector<16xf32>,
      tpu.vector_store %arg13[%swap3A_885], %mul3A_884 {strides = array<i32>} : memref<224xf32, #tpu.memory_space<vmem>>, vector<16xf32>,
      %sub3A_887 = arith.constant 1.000000e+00 : f32
      %sub3A_888 = vector.broadcast %sub3A_887 : f32 to vector<16xf32>
      %sub3A_889 = arith.subf %sub3A_888, %sub3A_822 : vector<16xf32>
      %mul3A_890 = arith.mulf %mul3A_877, %sub3A_889 : vector<16xf32>
      %swap3A_891 = arith.constant 128 : index
      %swap3A_892 = tpu.vector_load %arg13[%swap3A_891] {strides = array<i32>} : memref<224xf32, #tpu.memory_space<vmem>>, vector<16xf32>,
      tpu.vector_store %arg13[%swap3A_891], %mul3A_890 {strides = array<i32>} : memref<224xf32, #tpu.memory_space<vmem>>, vector<16xf32>,
      %mul3A_893 = arith.mulf %mul3A_877, %sub3A_822 : vector<16xf32>
      %swap3A_894 = arith.constant 184 : index
      %swap3A_895 = tpu.vector_load %arg13[%swap3A_894] {strides = array<i32>} : memref<224xf32, #tpu.memory_space<vmem>>, vector<16xf32>,
      tpu.vector_store %arg13[%swap3A_894], %mul3A_893 {strides = array<i32>} : memref<224xf32, #tpu.memory_space<vmem>>, vector<16xf32>,
      %add3A_896 = arith.constant 32 : i32
      %add3A_897 = vector.broadcast %add3A_896 : i32 to vector<16xi32>
      %add3A_898 = arith.addi %iota3A, %add3A_897 : vector<16xi32>
      %jit3A_899 = arith.constant 7 : i32
      %div3A_900 = vector.broadcast %jit3A_899 : i32 to vector<16xi32>
      %div3A_901 = arith.divsi %add3A_898, %div3A_900 : vector<16xi32>
      %sign3A_902 = arith.constant 0 : i32
      %sign3A_903 = vector.broadcast %sign3A_902 : i32 to vector<16xi32>
      %sign3A_904 = arith.cmpi sgt, %add3A_898, %sign3A_903 : vector<16xi32>
      %sign3A_905 = arith.extui %sign3A_904 : vector<16xi1> to vector<16xi32>
      %sign3A_906 = arith.constant 0 : i32
      %sign3A_907 = vector.broadcast %sign3A_906 : i32 to vector<16xi32>
      %sign3A_908 = arith.cmpi slt, %add3A_898, %sign3A_907 : vector<16xi32>
      %sign3A_909 = arith.extui %sign3A_908 : vector<16xi1> to vector<16xi32>
      %sign3A_910 = arith.subi %sign3A_905, %sign3A_909 : vector<16xi32>
      %sign3A_911 = arith.constant 0 : i32
      %sign3A_912 = arith.cmpi sgt, %jit3A_899, %sign3A_911 : i32
      %sign3A_913 = arith.extui %sign3A_912 : i1 to i32
      %sign3A_914 = arith.constant 0 : i32
      %sign3A_915 = arith.cmpi slt, %jit3A_899, %sign3A_914 : i32
      %sign3A_916 = arith.extui %sign3A_915 : i1 to i32
      %sign3A_917 = arith.subi %sign3A_913, %sign3A_916 : i32
      %ne3A_918 = vector.broadcast %sign3A_917 : i32 to vector<16xi32>
      %ne3A_919 = arith.cmpi ne, %sign3A_910, %ne3A_918 : vector<16xi32>
      %rem3A_920 = vector.broadcast %jit3A_899 : i32 to vector<16xi32>
      %rem3A_921 = arith.remsi %add3A_898, %rem3A_920 : vector<16xi32>
      %ne3A_922 = arith.constant 0 : i32
      %ne3A_923 = vector.broadcast %ne3A_922 : i32 to vector<16xi32>
      %ne3A_924 = arith.cmpi ne, %rem3A_921, %ne3A_923 : vector<16xi32>
      %and3A_925 = arith.andi %ne3A_919, %ne3A_924 : vector<16xi1>
      %sub3A_926 = arith.constant 1 : i32
      %sub3A_927 = vector.broadcast %sub3A_926 : i32 to vector<16xi32>
      %sub3A_928 = arith.subi %div3A_901, %sub3A_927 : vector<16xi32>
      %select_n3A_929 = arith.select %and3A_925, %sub3A_928, %div3A_901 : vector<16xi1>, vector<16xi32>
      %mul3A_930 = arith.constant 7 : i32
      %mul3A_931 = vector.broadcast %mul3A_930 : i32 to vector<16xi32>
      %mul3A_932 = arith.muli %select_n3A_929, %mul3A_931 : vector<16xi32>
      %sub3A_933 = arith.subi %add3A_898, %mul3A_932 : vector<16xi32>
      %convert_element_type3A_934 = arith.sitofp %select_n3A_929 : vector<16xi32> to vector<16xf32>
      %mul3A_935 = arith.constant 0.166666672 : f32
      %mul3A_936 = vector.broadcast %mul3A_935 : f32 to vector<16xf32>
      %mul3A_937 = arith.mulf %convert_element_type3A_934, %mul3A_936 : vector<16xf32>
      %convert_element_type3A_938 = arith.sitofp %sub3A_933 : vector<16xi32> to vector<16xf32>
      %mul3A_939 = arith.constant 0.166666672 : f32
      %mul3A_940 = vector.broadcast %mul3A_939 : f32 to vector<16xf32>
      %mul3A_941 = arith.mulf %convert_element_type3A_938, %mul3A_940 : vector<16xf32>
      %sub3A_942 = arith.subf %gather3A_621, %gather3A_609 : vector<16xf32>
      %mul3A_943 = arith.mulf %mul3A_937, %sub3A_942 : vector<16xf32>
      %add3A_944 = arith.addf %gather3A_609, %mul3A_943 : vector<16xf32>
      %mul3A_945 = arith.constant 6.250000e-02 : f32
      %mul3A_946 = vector.broadcast %mul3A_945 : f32 to vector<16xf32>
      %mul3A_947 = arith.mulf %add3A_944, %mul3A_946 : vector<16xf32>
      %sub3A_948 = arith.subf %gather3A_615, %gather3A_603 : vector<16xf32>
      %mul3A_949 = arith.mulf %mul3A_941, %sub3A_948 : vector<16xf32>
      %add3A_950 = arith.addf %gather3A_603, %mul3A_949 : vector<16xf32>
      %mul3A_951 = arith.constant 6.250000e-02 : f32
      %mul3A_952 = vector.broadcast %mul3A_951 : f32 to vector<16xf32>
      %mul3A_953 = arith.mulf %add3A_950, %mul3A_952 : vector<16xf32>
      %convert_element_type3A_954 = arith.fptosi %mul3A_947 : vector<16xf32> to vector<16xi32>
      %convert_element_type3A_955 = arith.fptosi %mul3A_953 : vector<16xf32> to vector<16xi32>
      %convert_element_type3A_956 = arith.sitofp %convert_element_type3A_954 : vector<16xi32> to vector<16xf32>
      %sub3A_957 = arith.subf %mul3A_947, %convert_element_type3A_956 : vector<16xf32>
      %convert_element_type3A_958 = arith.sitofp %convert_element_type3A_955 : vector<16xi32> to vector<16xf32>
      %sub3A_959 = arith.subf %mul3A_953, %convert_element_type3A_958 : vector<16xf32>
      %le3A_960 = arith.constant 6.300000e+01 : f32
      %le3A_961 = vector.broadcast %le3A_960 : f32 to vector<16xf32>
      %le3A_962 = arith.cmpf ole, %mul3A_947, %le3A_961 : vector<16xf32>
      %le3A_963 = arith.constant 6.300000e+01 : f32
      %le3A_964 = vector.broadcast %le3A_963 : f32 to vector<16xf32>
      %le3A_965 = arith.cmpf ole, %mul3A_953, %le3A_964 : vector<16xf32>
      %and3A_966 = arith.andi %le3A_962, %le3A_965 : vector<16xi1>
      %lt3A_967 = arith.constant 49 : i32
      %lt3A_968 = vector.broadcast %lt3A_967 : i32 to vector<16xi32>
      %lt3A_969 = arith.cmpi slt, %add3A_898, %lt3A_968 : vector<16xi32>
      %and3A_970 = arith.andi %and3A_966, %lt3A_969 : vector<16xi1>
      %jit3A_971 = arith.constant 1.000000e+00 : f32
      %jit3A_972 = arith.constant 0.000000e+00 : f32
      %broadcast_in_dim3A_973 = vector.broadcast %jit3A_971 : f32 to vector<16xf32>
      %broadcast_in_dim3A_974 = vector.broadcast %jit3A_972 : f32 to vector<16xf32>
      %select_n3A_975 = arith.select %and3A_970, %broadcast_in_dim3A_973, %broadcast_in_dim3A_974 : vector<16xi1>, vector<16xf32>
      %mul3A_976 = arith.constant 4096 : i32
      %mul3A_977 = vector.broadcast %mul3A_976 : i32 to vector<16xi32>
      %mul3A_978 = arith.muli %convert_element_type3A_597, %mul3A_977 : vector<16xi32>
      %mul3A_979 = arith.constant 64 : i32
      %mul3A_980 = vector.broadcast %mul3A_979 : i32 to vector<16xi32>
      %mul3A_981 = arith.muli %convert_element_type3A_954, %mul3A_980 : vector<16xi32>
      %add3A_982 = arith.addi %mul3A_978, %mul3A_981 : vector<16xi32>
      %add3A_983 = arith.addi %add3A_982, %convert_element_type3A_955 : vector<16xi32>
      %jit3A_984 = arith.constant 0 : i32
      %jit3A_985 = arith.constant 17150 : i32
      %max3A_986 = vector.broadcast %jit3A_984 : i32 to vector<16xi32>
      %max3A_987 = arith.maxsi %max3A_986, %add3A_983 : vector<16xi32>
      %min3A_988 = vector.broadcast %jit3A_985 : i32 to vector<16xi32>
      %min3A_989 = arith.minsi %min3A_988, %max3A_987 : vector<16xi32>
      %swap3A_990 = arith.constant 32 : index
      %swap3A_991 = tpu.vector_load %arg11[%swap3A_990] {strides = array<i32>} : memref<112xi32, #tpu.memory_space<vmem>>, vector<16xi32>,
      tpu.vector_store %arg11[%swap3A_990], %min3A_989 {strides = array<i32>} : memref<112xi32, #tpu.memory_space<vmem>>, vector<16xi32>,
      %add3A_992 = arith.constant 1 : i32
      %add3A_993 = vector.broadcast %add3A_992 : i32 to vector<16xi32>
      %add3A_994 = arith.addi %min3A_989, %add3A_993 : vector<16xi32>
      %swap3A_995 = arith.constant 88 : index
      %swap3A_996 = tpu.vector_load %arg11[%swap3A_995] {strides = array<i32>} : memref<112xi32, #tpu.memory_space<vmem>>, vector<16xi32>,
      tpu.vector_store %arg11[%swap3A_995], %add3A_994 {strides = array<i32>} : memref<112xi32, #tpu.memory_space<vmem>>, vector<16xi32>,
      %add3A_997 = arith.constant 64 : i32
      %add3A_998 = vector.broadcast %add3A_997 : i32 to vector<16xi32>
      %add3A_999 = arith.addi %min3A_989, %add3A_998 : vector<16xi32>
      %swap3A_1000 = arith.constant 32 : index
      %swap3A_1001 = tpu.vector_load %arg12[%swap3A_1000] {strides = array<i32>} : memref<112xi32, #tpu.memory_space<vmem>>, vector<16xi32>,
      tpu.vector_store %arg12[%swap3A_1000], %add3A_999 {strides = array<i32>} : memref<112xi32, #tpu.memory_space<vmem>>, vector<16xi32>,
      %add3A_1002 = arith.constant 64 : i32
      %add3A_1003 = vector.broadcast %add3A_1002 : i32 to vector<16xi32>
      %add3A_1004 = arith.addi %min3A_989, %add3A_1003 : vector<16xi32>
      %add3A_1005 = arith.constant 1 : i32
      %add3A_1006 = vector.broadcast %add3A_1005 : i32 to vector<16xi32>
      %add3A_1007 = arith.addi %add3A_1004, %add3A_1006 : vector<16xi32>
      %swap3A_1008 = arith.constant 88 : index
      %swap3A_1009 = tpu.vector_load %arg12[%swap3A_1008] {strides = array<i32>} : memref<112xi32, #tpu.memory_space<vmem>>, vector<16xi32>,
      tpu.vector_store %arg12[%swap3A_1008], %add3A_1007 {strides = array<i32>} : memref<112xi32, #tpu.memory_space<vmem>>, vector<16xi32>,
      %sub3A_1010 = arith.constant 1.000000e+00 : f32
      %sub3A_1011 = vector.broadcast %sub3A_1010 : f32 to vector<16xf32>
      %sub3A_1012 = arith.subf %sub3A_1011, %sub3A_957 : vector<16xf32>
      %mul3A_1013 = arith.mulf %sub3A_1012, %select_n3A_975 : vector<16xf32>
      %mul3A_1014 = arith.mulf %sub3A_957, %select_n3A_975 : vector<16xf32>
      %sub3A_1015 = arith.constant 1.000000e+00 : f32
      %sub3A_1016 = vector.broadcast %sub3A_1015 : f32 to vector<16xf32>
      %sub3A_1017 = arith.subf %sub3A_1016, %sub3A_959 : vector<16xf32>
      %mul3A_1018 = arith.mulf %mul3A_1013, %sub3A_1017 : vector<16xf32>
      %swap3A_1019 = arith.constant 32 : index
      %swap3A_1020 = tpu.vector_load %arg13[%swap3A_1019] {strides = array<i32>} : memref<224xf32, #tpu.memory_space<vmem>>, vector<16xf32>,
      tpu.vector_store %arg13[%swap3A_1019], %mul3A_1018 {strides = array<i32>} : memref<224xf32, #tpu.memory_space<vmem>>, vector<16xf32>,
      %mul3A_1021 = arith.mulf %mul3A_1013, %sub3A_959 : vector<16xf32>
      %swap3A_1022 = arith.constant 88 : index
      %swap3A_1023 = tpu.vector_load %arg13[%swap3A_1022] {strides = array<i32>} : memref<224xf32, #tpu.memory_space<vmem>>, vector<16xf32>,
      tpu.vector_store %arg13[%swap3A_1022], %mul3A_1021 {strides = array<i32>} : memref<224xf32, #tpu.memory_space<vmem>>, vector<16xf32>,
      %sub3A_1024 = arith.constant 1.000000e+00 : f32
      %sub3A_1025 = vector.broadcast %sub3A_1024 : f32 to vector<16xf32>
      %sub3A_1026 = arith.subf %sub3A_1025, %sub3A_959 : vector<16xf32>
      %mul3A_1027 = arith.mulf %mul3A_1014, %sub3A_1026 : vector<16xf32>
      %swap3A_1028 = arith.constant 144 : index
      %swap3A_1029 = tpu.vector_load %arg13[%swap3A_1028] {strides = array<i32>} : memref<224xf32, #tpu.memory_space<vmem>>, vector<16xf32>,
      tpu.vector_store %arg13[%swap3A_1028], %mul3A_1027 {strides = array<i32>} : memref<224xf32, #tpu.memory_space<vmem>>, vector<16xf32>,
      %mul3A_1030 = arith.mulf %mul3A_1014, %sub3A_959 : vector<16xf32>
      %swap3A_1031 = arith.constant 200 : index
      %swap3A_1032 = tpu.vector_load %arg13[%swap3A_1031] {strides = array<i32>} : memref<224xf32, #tpu.memory_space<vmem>>, vector<16xf32>,
      tpu.vector_store %arg13[%swap3A_1031], %mul3A_1030 {strides = array<i32>} : memref<224xf32, #tpu.memory_space<vmem>>, vector<16xf32>,
      %add3A_1033 = arith.constant 40 : i32
      %add3A_1034 = vector.broadcast %add3A_1033 : i32 to vector<16xi32>
      %add3A_1035 = arith.addi %iota3A, %add3A_1034 : vector<16xi32>
      %jit3A_1036 = arith.constant 7 : i32
      %div3A_1037 = vector.broadcast %jit3A_1036 : i32 to vector<16xi32>
      %div3A_1038 = arith.divsi %add3A_1035, %div3A_1037 : vector<16xi32>
      %sign3A_1039 = arith.constant 0 : i32
      %sign3A_1040 = vector.broadcast %sign3A_1039 : i32 to vector<16xi32>
      %sign3A_1041 = arith.cmpi sgt, %add3A_1035, %sign3A_1040 : vector<16xi32>
      %sign3A_1042 = arith.extui %sign3A_1041 : vector<16xi1> to vector<16xi32>
      %sign3A_1043 = arith.constant 0 : i32
      %sign3A_1044 = vector.broadcast %sign3A_1043 : i32 to vector<16xi32>
      %sign3A_1045 = arith.cmpi slt, %add3A_1035, %sign3A_1044 : vector<16xi32>
      %sign3A_1046 = arith.extui %sign3A_1045 : vector<16xi1> to vector<16xi32>
      %sign3A_1047 = arith.subi %sign3A_1042, %sign3A_1046 : vector<16xi32>
      %sign3A_1048 = arith.constant 0 : i32
      %sign3A_1049 = arith.cmpi sgt, %jit3A_1036, %sign3A_1048 : i32
      %sign3A_1050 = arith.extui %sign3A_1049 : i1 to i32
      %sign3A_1051 = arith.constant 0 : i32
      %sign3A_1052 = arith.cmpi slt, %jit3A_1036, %sign3A_1051 : i32
      %sign3A_1053 = arith.extui %sign3A_1052 : i1 to i32
      %sign3A_1054 = arith.subi %sign3A_1050, %sign3A_1053 : i32
      %ne3A_1055 = vector.broadcast %sign3A_1054 : i32 to vector<16xi32>
      %ne3A_1056 = arith.cmpi ne, %sign3A_1047, %ne3A_1055 : vector<16xi32>
      %rem3A_1057 = vector.broadcast %jit3A_1036 : i32 to vector<16xi32>
      %rem3A_1058 = arith.remsi %add3A_1035, %rem3A_1057 : vector<16xi32>
      %ne3A_1059 = arith.constant 0 : i32
      %ne3A_1060 = vector.broadcast %ne3A_1059 : i32 to vector<16xi32>
      %ne3A_1061 = arith.cmpi ne, %rem3A_1058, %ne3A_1060 : vector<16xi32>
      %and3A_1062 = arith.andi %ne3A_1056, %ne3A_1061 : vector<16xi1>
      %sub3A_1063 = arith.constant 1 : i32
      %sub3A_1064 = vector.broadcast %sub3A_1063 : i32 to vector<16xi32>
      %sub3A_1065 = arith.subi %div3A_1038, %sub3A_1064 : vector<16xi32>
      %select_n3A_1066 = arith.select %and3A_1062, %sub3A_1065, %div3A_1038 : vector<16xi1>, vector<16xi32>
      %mul3A_1067 = arith.constant 7 : i32
      %mul3A_1068 = vector.broadcast %mul3A_1067 : i32 to vector<16xi32>
      %mul3A_1069 = arith.muli %select_n3A_1066, %mul3A_1068 : vector<16xi32>
      %sub3A_1070 = arith.subi %add3A_1035, %mul3A_1069 : vector<16xi32>
      %convert_element_type3A_1071 = arith.sitofp %select_n3A_1066 : vector<16xi32> to vector<16xf32>
      %mul3A_1072 = arith.constant 0.166666672 : f32
      %mul3A_1073 = vector.broadcast %mul3A_1072 : f32 to vector<16xf32>
      %mul3A_1074 = arith.mulf %convert_element_type3A_1071, %mul3A_1073 : vector<16xf32>
      %convert_element_type3A_1075 = arith.sitofp %sub3A_1070 : vector<16xi32> to vector<16xf32>
      %mul3A_1076 = arith.constant 0.166666672 : f32
      %mul3A_1077 = vector.broadcast %mul3A_1076 : f32 to vector<16xf32>
      %mul3A_1078 = arith.mulf %convert_element_type3A_1075, %mul3A_1077 : vector<16xf32>
      %sub3A_1079 = arith.subf %gather3A_621, %gather3A_609 : vector<16xf32>
      %mul3A_1080 = arith.mulf %mul3A_1074, %sub3A_1079 : vector<16xf32>
      %add3A_1081 = arith.addf %gather3A_609, %mul3A_1080 : vector<16xf32>
      %mul3A_1082 = arith.constant 6.250000e-02 : f32
      %mul3A_1083 = vector.broadcast %mul3A_1082 : f32 to vector<16xf32>
      %mul3A_1084 = arith.mulf %add3A_1081, %mul3A_1083 : vector<16xf32>
      %sub3A_1085 = arith.subf %gather3A_615, %gather3A_603 : vector<16xf32>
      %mul3A_1086 = arith.mulf %mul3A_1078, %sub3A_1085 : vector<16xf32>
      %add3A_1087 = arith.addf %gather3A_603, %mul3A_1086 : vector<16xf32>
      %mul3A_1088 = arith.constant 6.250000e-02 : f32
      %mul3A_1089 = vector.broadcast %mul3A_1088 : f32 to vector<16xf32>
      %mul3A_1090 = arith.mulf %add3A_1087, %mul3A_1089 : vector<16xf32>
      %convert_element_type3A_1091 = arith.fptosi %mul3A_1084 : vector<16xf32> to vector<16xi32>
      %convert_element_type3A_1092 = arith.fptosi %mul3A_1090 : vector<16xf32> to vector<16xi32>
      %convert_element_type3A_1093 = arith.sitofp %convert_element_type3A_1091 : vector<16xi32> to vector<16xf32>
      %sub3A_1094 = arith.subf %mul3A_1084, %convert_element_type3A_1093 : vector<16xf32>
      %convert_element_type3A_1095 = arith.sitofp %convert_element_type3A_1092 : vector<16xi32> to vector<16xf32>
      %sub3A_1096 = arith.subf %mul3A_1090, %convert_element_type3A_1095 : vector<16xf32>
      %le3A_1097 = arith.constant 6.300000e+01 : f32
      %le3A_1098 = vector.broadcast %le3A_1097 : f32 to vector<16xf32>
      %le3A_1099 = arith.cmpf ole, %mul3A_1084, %le3A_1098 : vector<16xf32>
      %le3A_1100 = arith.constant 6.300000e+01 : f32
      %le3A_1101 = vector.broadcast %le3A_1100 : f32 to vector<16xf32>
      %le3A_1102 = arith.cmpf ole, %mul3A_1090, %le3A_1101 : vector<16xf32>
      %and3A_1103 = arith.andi %le3A_1099, %le3A_1102 : vector<16xi1>
      %lt3A_1104 = arith.constant 49 : i32
      %lt3A_1105 = vector.broadcast %lt3A_1104 : i32 to vector<16xi32>
      %lt3A_1106 = arith.cmpi slt, %add3A_1035, %lt3A_1105 : vector<16xi32>
      %and3A_1107 = arith.andi %and3A_1103, %lt3A_1106 : vector<16xi1>
      %jit3A_1108 = arith.constant 1.000000e+00 : f32
      %jit3A_1109 = arith.constant 0.000000e+00 : f32
      %broadcast_in_dim3A_1110 = vector.broadcast %jit3A_1108 : f32 to vector<16xf32>
      %broadcast_in_dim3A_1111 = vector.broadcast %jit3A_1109 : f32 to vector<16xf32>
      %select_n3A_1112 = arith.select %and3A_1107, %broadcast_in_dim3A_1110, %broadcast_in_dim3A_1111 : vector<16xi1>, vector<16xf32>
      %mul3A_1113 = arith.constant 4096 : i32
      %mul3A_1114 = vector.broadcast %mul3A_1113 : i32 to vector<16xi32>
      %mul3A_1115 = arith.muli %convert_element_type3A_597, %mul3A_1114 : vector<16xi32>
      %mul3A_1116 = arith.constant 64 : i32
      %mul3A_1117 = vector.broadcast %mul3A_1116 : i32 to vector<16xi32>
      %mul3A_1118 = arith.muli %convert_element_type3A_1091, %mul3A_1117 : vector<16xi32>
      %add3A_1119 = arith.addi %mul3A_1115, %mul3A_1118 : vector<16xi32>
      %add3A_1120 = arith.addi %add3A_1119, %convert_element_type3A_1092 : vector<16xi32>
      %jit3A_1121 = arith.constant 0 : i32
      %jit3A_1122 = arith.constant 17150 : i32
      %max3A_1123 = vector.broadcast %jit3A_1121 : i32 to vector<16xi32>
      %max3A_1124 = arith.maxsi %max3A_1123, %add3A_1120 : vector<16xi32>
      %min3A_1125 = vector.broadcast %jit3A_1122 : i32 to vector<16xi32>
      %min3A_1126 = arith.minsi %min3A_1125, %max3A_1124 : vector<16xi32>
      %swap3A_1127 = arith.constant 40 : index
      %swap3A_1128 = tpu.vector_load %arg11[%swap3A_1127] {strides = array<i32>} : memref<112xi32, #tpu.memory_space<vmem>>, vector<16xi32>,
      tpu.vector_store %arg11[%swap3A_1127], %min3A_1126 {strides = array<i32>} : memref<112xi32, #tpu.memory_space<vmem>>, vector<16xi32>,
      %add3A_1129 = arith.constant 1 : i32
      %add3A_1130 = vector.broadcast %add3A_1129 : i32 to vector<16xi32>
      %add3A_1131 = arith.addi %min3A_1126, %add3A_1130 : vector<16xi32>
      %swap3A_1132 = arith.constant 96 : index
      %swap3A_1133 = tpu.vector_load %arg11[%swap3A_1132] {strides = array<i32>} : memref<112xi32, #tpu.memory_space<vmem>>, vector<16xi32>,
      tpu.vector_store %arg11[%swap3A_1132], %add3A_1131 {strides = array<i32>} : memref<112xi32, #tpu.memory_space<vmem>>, vector<16xi32>,
      %add3A_1134 = arith.constant 64 : i32
      %add3A_1135 = vector.broadcast %add3A_1134 : i32 to vector<16xi32>
      %add3A_1136 = arith.addi %min3A_1126, %add3A_1135 : vector<16xi32>
      %swap3A_1137 = arith.constant 40 : index
      %swap3A_1138 = tpu.vector_load %arg12[%swap3A_1137] {strides = array<i32>} : memref<112xi32, #tpu.memory_space<vmem>>, vector<16xi32>,
      tpu.vector_store %arg12[%swap3A_1137], %add3A_1136 {strides = array<i32>} : memref<112xi32, #tpu.memory_space<vmem>>, vector<16xi32>,
      %add3A_1139 = arith.constant 64 : i32
      %add3A_1140 = vector.broadcast %add3A_1139 : i32 to vector<16xi32>
      %add3A_1141 = arith.addi %min3A_1126, %add3A_1140 : vector<16xi32>
      %add3A_1142 = arith.constant 1 : i32
      %add3A_1143 = vector.broadcast %add3A_1142 : i32 to vector<16xi32>
      %add3A_1144 = arith.addi %add3A_1141, %add3A_1143 : vector<16xi32>
      %swap3A_1145 = arith.constant 96 : index
      %swap3A_1146 = tpu.vector_load %arg12[%swap3A_1145] {strides = array<i32>} : memref<112xi32, #tpu.memory_space<vmem>>, vector<16xi32>,
      tpu.vector_store %arg12[%swap3A_1145], %add3A_1144 {strides = array<i32>} : memref<112xi32, #tpu.memory_space<vmem>>, vector<16xi32>,
      %sub3A_1147 = arith.constant 1.000000e+00 : f32
      %sub3A_1148 = vector.broadcast %sub3A_1147 : f32 to vector<16xf32>
      %sub3A_1149 = arith.subf %sub3A_1148, %sub3A_1094 : vector<16xf32>
      %mul3A_1150 = arith.mulf %sub3A_1149, %select_n3A_1112 : vector<16xf32>
      %mul3A_1151 = arith.mulf %sub3A_1094, %select_n3A_1112 : vector<16xf32>
      %sub3A_1152 = arith.constant 1.000000e+00 : f32
      %sub3A_1153 = vector.broadcast %sub3A_1152 : f32 to vector<16xf32>
      %sub3A_1154 = arith.subf %sub3A_1153, %sub3A_1096 : vector<16xf32>
      %mul3A_1155 = arith.mulf %mul3A_1150, %sub3A_1154 : vector<16xf32>
      %swap3A_1156 = arith.constant 40 : index
      %swap3A_1157 = tpu.vector_load %arg13[%swap3A_1156] {strides = array<i32>} : memref<224xf32, #tpu.memory_space<vmem>>, vector<16xf32>,
      tpu.vector_store %arg13[%swap3A_1156], %mul3A_1155 {strides = array<i32>} : memref<224xf32, #tpu.memory_space<vmem>>, vector<16xf32>,
      %mul3A_1158 = arith.mulf %mul3A_1150, %sub3A_1096 : vector<16xf32>
      %swap3A_1159 = arith.constant 96 : index
      %swap3A_1160 = tpu.vector_load %arg13[%swap3A_1159] {strides = array<i32>} : memref<224xf32, #tpu.memory_space<vmem>>, vector<16xf32>,
      tpu.vector_store %arg13[%swap3A_1159], %mul3A_1158 {strides = array<i32>} : memref<224xf32, #tpu.memory_space<vmem>>, vector<16xf32>,
      %sub3A_1161 = arith.constant 1.000000e+00 : f32
      %sub3A_1162 = vector.broadcast %sub3A_1161 : f32 to vector<16xf32>
      %sub3A_1163 = arith.subf %sub3A_1162, %sub3A_1096 : vector<16xf32>
      %mul3A_1164 = arith.mulf %mul3A_1151, %sub3A_1163 : vector<16xf32>
      %swap3A_1165 = arith.constant 152 : index
      %swap3A_1166 = tpu.vector_load %arg13[%swap3A_1165] {strides = array<i32>} : memref<224xf32, #tpu.memory_space<vmem>>, vector<16xf32>,
      tpu.vector_store %arg13[%swap3A_1165], %mul3A_1164 {strides = array<i32>} : memref<224xf32, #tpu.memory_space<vmem>>, vector<16xf32>,
      %mul3A_1167 = arith.mulf %mul3A_1151, %sub3A_1096 : vector<16xf32>
      %swap3A_1168 = arith.constant 208 : index
      %swap3A_1169 = tpu.vector_load %arg13[%swap3A_1168] {strides = array<i32>} : memref<224xf32, #tpu.memory_space<vmem>>, vector<16xf32>,
      tpu.vector_store %arg13[%swap3A_1168], %mul3A_1167 {strides = array<i32>} : memref<224xf32, #tpu.memory_space<vmem>>, vector<16xf32>,
      %dma_start3A_1170 = arith.constant 0 : i32
      %dma_start3A_1171 = arith.constant 0 : i32
      %dma_start3A_1172 = tpu.memref_slice %arg2[%dma_start3A_1170, %dma_start3A_1171] : memref<17216x256xf32, #tpu.memory_space<hbm>> -> memref<17216x256xf32, #tpu.memory_space<hbm>>
      tpu.enqueue_indirect_dma source(%dma_start3A_1172 : memref<17216x256xf32, #tpu.memory_space<hbm>>) target(%arg14 : memref<112x256xf32, #tpu.memory_space<vmem>>) offsets(%arg11 : memref<112xi32, #tpu.memory_space<vmem>>) semaphore(%arg18 : memref<!tpu.dma_semaphore, #tpu.memory_space<semaphore_mem>>)
      %dma_start3A_1173 = arith.constant 0 : i32
      %dma_start3A_1174 = arith.constant 0 : i32
      %dma_start3A_1175 = tpu.memref_slice %arg2[%dma_start3A_1173, %dma_start3A_1174] : memref<17216x256xf32, #tpu.memory_space<hbm>> -> memref<17216x256xf32, #tpu.memory_space<hbm>>
      tpu.enqueue_indirect_dma source(%dma_start3A_1175 : memref<17216x256xf32, #tpu.memory_space<hbm>>) target(%arg15 : memref<112x256xf32, #tpu.memory_space<vmem>>) offsets(%arg12 : memref<112xi32, #tpu.memory_space<vmem>>) semaphore(%arg18 : memref<!tpu.dma_semaphore, #tpu.memory_space<semaphore_mem>>)
      %scan3A_1176 = arith.constant 0 : i32
      %scan3A_1177 = arith.constant 0 : i32
      %scan3A_1178 = arith.constant 49 : i32
      %scan3A_1179 = arith.addi %scan3A_1177, %scan3A_1178 : i32
      %scan3A_1180 = arith.constant 1 : i32
      scf.for %scan3A_1198 = %scan3A_1177 to %scan3A_1179 step %scan3A_1180  : i32 {
        %broadcast_in_dim3A_1199 = vector.broadcast %scan3A_1198 : i32 to vector<16xi32>
        %add3A_1200 = arith.constant 0 : i32
        %add3A_1201 = vector.broadcast %add3A_1200 : i32 to vector<16xi32>
        %add3A_1202 = arith.addi %broadcast_in_dim3A_1199, %add3A_1201 : vector<16xi32>
        %gather3A_1203 = tpu.vector_load_idx %arg8[%add3A_1202] : memref<224xf32, #tpu.memory_space<vmem>>[vector<16xi32>], vector<16xf32>,
        %broadcast_in_dim3A_1204 = vector.broadcast %scan3A_1198 : i32 to vector<16xi32>
        %add3A_1205 = arith.constant 56 : i32
        %add3A_1206 = vector.broadcast %add3A_1205 : i32 to vector<16xi32>
        %add3A_1207 = arith.addi %broadcast_in_dim3A_1204, %add3A_1206 : vector<16xi32>
        %gather3A_1208 = tpu.vector_load_idx %arg8[%add3A_1207] : memref<224xf32, #tpu.memory_space<vmem>>[vector<16xi32>], vector<16xf32>,
        %broadcast_in_dim3A_1209 = vector.broadcast %scan3A_1198 : i32 to vector<16xi32>
        %add3A_1210 = arith.constant 112 : i32
        %add3A_1211 = vector.broadcast %add3A_1210 : i32 to vector<16xi32>
        %add3A_1212 = arith.addi %broadcast_in_dim3A_1209, %add3A_1211 : vector<16xi32>
        %gather3A_1213 = tpu.vector_load_idx %arg8[%add3A_1212] : memref<224xf32, #tpu.memory_space<vmem>>[vector<16xi32>], vector<16xf32>,
        %broadcast_in_dim3A_1214 = vector.broadcast %scan3A_1198 : i32 to vector<16xi32>
        %add3A_1215 = arith.constant 168 : i32
        %add3A_1216 = vector.broadcast %add3A_1215 : i32 to vector<16xi32>
        %add3A_1217 = arith.addi %broadcast_in_dim3A_1214, %add3A_1216 : vector<16xi32>
        %gather3A_1218 = tpu.vector_load_idx %arg8[%add3A_1217] : memref<224xf32, #tpu.memory_space<vmem>>[vector<16xi32>], vector<16xf32>,
        %add3A_1219 = vector.broadcast %scan3A_1198 : i32 to vector<16xi32>
        %add3A_1220 = arith.addi %mul3A_7, %add3A_1219 : vector<16xi32>
        %get3A = arith.index_cast %scan3A_1198 : i32 to index
        %get3A_1221 = arith.constant 0 : index
        %get3A_1222 = tpu.vector_load %arg9[%get3A, %get3A_1221] {strides = array<i32>} : memref<112x256xf32, #tpu.memory_space<vmem>>, vector<16xf32>,
        %mul3A_1223 = arith.mulf %get3A_1222, %gather3A_1203 : vector<16xf32>
        %add3A_1224 = arith.constant 56 : i32
        %add3A_1225 = arith.addi %add3A_1224, %scan3A_1198 : i32
        %get3A_1226 = arith.index_cast %add3A_1225 : i32 to index
        %get3A_1227 = arith.constant 0 : index
        %get3A_1228 = tpu.vector_load %arg9[%get3A_1226, %get3A_1227] {strides = array<i32>} : memref<112x256xf32, #tpu.memory_space<vmem>>, vector<16xf32>,
        %mul3A_1229 = arith.mulf %get3A_1228, %gather3A_1208 : vector<16xf32>
        %add3A_1230 = arith.addf %mul3A_1223, %mul3A_1229 : vector<16xf32>
        %get3A_1231 = arith.index_cast %scan3A_1198 : i32 to index
        %get3A_1232 = arith.constant 0 : index
        %get3A_1233 = tpu.vector_load %arg10[%get3A_1231, %get3A_1232] {strides = array<i32>} : memref<112x256xf32, #tpu.memory_space<vmem>>, vector<16xf32>,
        %mul3A_1234 = arith.mulf %get3A_1233, %gather3A_1213 : vector<16xf32>
        %add3A_1235 = arith.addf %add3A_1230, %mul3A_1234 : vector<16xf32>
        %add3A_1236 = arith.constant 56 : i32
        %add3A_1237 = arith.addi %add3A_1236, %scan3A_1198 : i32
        %get3A_1238 = arith.index_cast %add3A_1237 : i32 to index
        %get3A_1239 = arith.constant 0 : index
        %get3A_1240 = tpu.vector_load %arg10[%get3A_1238, %get3A_1239] {strides = array<i32>} : memref<112x256xf32, #tpu.memory_space<vmem>>, vector<16xf32>,
        %mul3A_1241 = arith.mulf %get3A_1240, %gather3A_1218 : vector<16xf32>
        %add3A_1242 = arith.addf %add3A_1235, %mul3A_1241 : vector<16xf32>
        %add3A_1243 = arith.constant 0 : i32
        %add3A_1244 = vector.broadcast %add3A_1243 : i32 to vector<16xi32>
        %add3A_1245 = arith.addi %add3A_1220, %add3A_1244 : vector<16xi32>
        tpu.vector_store_idx %arg16[%add3A_1245], %add3A_1242 : memref<12544xf32, #tpu.memory_space<vmem>>[vector<16xi32>], vector<16xf32>,
        %get3A_1246 = arith.index_cast %scan3A_1198 : i32 to index
        %get3A_1247 = arith.constant 16 : index
        %get3A_1248 = tpu.vector_load %arg9[%get3A_1246, %get3A_1247] {strides = array<i32>} : memref<112x256xf32, #tpu.memory_space<vmem>>, vector<16xf32>,
        %mul3A_1249 = arith.mulf %get3A_1248, %gather3A_1203 : vector<16xf32>
        %add3A_1250 = arith.constant 56 : i32
        %add3A_1251 = arith.addi %add3A_1250, %scan3A_1198 : i32
        %get3A_1252 = arith.index_cast %add3A_1251 : i32 to index
        %get3A_1253 = arith.constant 16 : index
        %get3A_1254 = tpu.vector_load %arg9[%get3A_1252, %get3A_1253] {strides = array<i32>} : memref<112x256xf32, #tpu.memory_space<vmem>>, vector<16xf32>,
        %mul3A_1255 = arith.mulf %get3A_1254, %gather3A_1208 : vector<16xf32>
        %add3A_1256 = arith.addf %mul3A_1249, %mul3A_1255 : vector<16xf32>
        %get3A_1257 = arith.index_cast %scan3A_1198 : i32 to index
        %get3A_1258 = arith.constant 16 : index
        %get3A_1259 = tpu.vector_load %arg10[%get3A_1257, %get3A_1258] {strides = array<i32>} : memref<112x256xf32, #tpu.memory_space<vmem>>, vector<16xf32>,
        %mul3A_1260 = arith.mulf %get3A_1259, %gather3A_1213 : vector<16xf32>
        %add3A_1261 = arith.addf %add3A_1256, %mul3A_1260 : vector<16xf32>
        %add3A_1262 = arith.constant 56 : i32
        %add3A_1263 = arith.addi %add3A_1262, %scan3A_1198 : i32
        %get3A_1264 = arith.index_cast %add3A_1263 : i32 to index
        %get3A_1265 = arith.constant 16 : index
        %get3A_1266 = tpu.vector_load %arg10[%get3A_1264, %get3A_1265] {strides = array<i32>} : memref<112x256xf32, #tpu.memory_space<vmem>>, vector<16xf32>,
        %mul3A_1267 = arith.mulf %get3A_1266, %gather3A_1218 : vector<16xf32>
        %add3A_1268 = arith.addf %add3A_1261, %mul3A_1267 : vector<16xf32>
        %add3A_1269 = arith.constant 784 : i32
        %add3A_1270 = vector.broadcast %add3A_1269 : i32 to vector<16xi32>
        %add3A_1271 = arith.addi %add3A_1220, %add3A_1270 : vector<16xi32>
        tpu.vector_store_idx %arg16[%add3A_1271], %add3A_1268 : memref<12544xf32, #tpu.memory_space<vmem>>[vector<16xi32>], vector<16xf32>,
        %get3A_1272 = arith.index_cast %scan3A_1198 : i32 to index
        %get3A_1273 = arith.constant 32 : index
        %get3A_1274 = tpu.vector_load %arg9[%get3A_1272, %get3A_1273] {strides = array<i32>} : memref<112x256xf32, #tpu.memory_space<vmem>>, vector<16xf32>,
        %mul3A_1275 = arith.mulf %get3A_1274, %gather3A_1203 : vector<16xf32>
        %add3A_1276 = arith.constant 56 : i32
        %add3A_1277 = arith.addi %add3A_1276, %scan3A_1198 : i32
        %get3A_1278 = arith.index_cast %add3A_1277 : i32 to index
        %get3A_1279 = arith.constant 32 : index
        %get3A_1280 = tpu.vector_load %arg9[%get3A_1278, %get3A_1279] {strides = array<i32>} : memref<112x256xf32, #tpu.memory_space<vmem>>, vector<16xf32>,
        %mul3A_1281 = arith.mulf %get3A_1280, %gather3A_1208 : vector<16xf32>
        %add3A_1282 = arith.addf %mul3A_1275, %mul3A_1281 : vector<16xf32>
        %get3A_1283 = arith.index_cast %scan3A_1198 : i32 to index
        %get3A_1284 = arith.constant 32 : index
        %get3A_1285 = tpu.vector_load %arg10[%get3A_1283, %get3A_1284] {strides = array<i32>} : memref<112x256xf32, #tpu.memory_space<vmem>>, vector<16xf32>,
        %mul3A_1286 = arith.mulf %get3A_1285, %gather3A_1213 : vector<16xf32>
        %add3A_1287 = arith.addf %add3A_1282, %mul3A_1286 : vector<16xf32>
        %add3A_1288 = arith.constant 56 : i32
        %add3A_1289 = arith.addi %add3A_1288, %scan3A_1198 : i32
        %get3A_1290 = arith.index_cast %add3A_1289 : i32 to index
        %get3A_1291 = arith.constant 32 : index
        %get3A_1292 = tpu.vector_load %arg10[%get3A_1290, %get3A_1291] {strides = array<i32>} : memref<112x256xf32, #tpu.memory_space<vmem>>, vector<16xf32>,
        %mul3A_1293 = arith.mulf %get3A_1292, %gather3A_1218 : vector<16xf32>
        %add3A_1294 = arith.addf %add3A_1287, %mul3A_1293 : vector<16xf32>
        %add3A_1295 = arith.constant 1568 : i32
        %add3A_1296 = vector.broadcast %add3A_1295 : i32 to vector<16xi32>
        %add3A_1297 = arith.addi %add3A_1220, %add3A_1296 : vector<16xi32>
        tpu.vector_store_idx %arg16[%add3A_1297], %add3A_1294 : memref<12544xf32, #tpu.memory_space<vmem>>[vector<16xi32>], vector<16xf32>,
        %get3A_1298 = arith.index_cast %scan3A_1198 : i32 to index
        %get3A_1299 = arith.constant 48 : index
        %get3A_1300 = tpu.vector_load %arg9[%get3A_1298, %get3A_1299] {strides = array<i32>} : memref<112x256xf32, #tpu.memory_space<vmem>>, vector<16xf32>,
        %mul3A_1301 = arith.mulf %get3A_1300, %gather3A_1203 : vector<16xf32>
        %add3A_1302 = arith.constant 56 : i32
        %add3A_1303 = arith.addi %add3A_1302, %scan3A_1198 : i32
        %get3A_1304 = arith.index_cast %add3A_1303 : i32 to index
        %get3A_1305 = arith.constant 48 : index
        %get3A_1306 = tpu.vector_load %arg9[%get3A_1304, %get3A_1305] {strides = array<i32>} : memref<112x256xf32, #tpu.memory_space<vmem>>, vector<16xf32>,
        %mul3A_1307 = arith.mulf %get3A_1306, %gather3A_1208 : vector<16xf32>
        %add3A_1308 = arith.addf %mul3A_1301, %mul3A_1307 : vector<16xf32>
        %get3A_1309 = arith.index_cast %scan3A_1198 : i32 to index
        %get3A_1310 = arith.constant 48 : index
        %get3A_1311 = tpu.vector_load %arg10[%get3A_1309, %get3A_1310] {strides = array<i32>} : memref<112x256xf32, #tpu.memory_space<vmem>>, vector<16xf32>,
        %mul3A_1312 = arith.mulf %get3A_1311, %gather3A_1213 : vector<16xf32>
        %add3A_1313 = arith.addf %add3A_1308, %mul3A_1312 : vector<16xf32>
        %add3A_1314 = arith.constant 56 : i32
        %add3A_1315 = arith.addi %add3A_1314, %scan3A_1198 : i32
        %get3A_1316 = arith.index_cast %add3A_1315 : i32 to index
        %get3A_1317 = arith.constant 48 : index
        %get3A_1318 = tpu.vector_load %arg10[%get3A_1316, %get3A_1317] {strides = array<i32>} : memref<112x256xf32, #tpu.memory_space<vmem>>, vector<16xf32>,
        %mul3A_1319 = arith.mulf %get3A_1318, %gather3A_1218 : vector<16xf32>
        %add3A_1320 = arith.addf %add3A_1313, %mul3A_1319 : vector<16xf32>
        %add3A_1321 = arith.constant 2352 : i32
        %add3A_1322 = vector.broadcast %add3A_1321 : i32 to vector<16xi32>
        %add3A_1323 = arith.addi %add3A_1220, %add3A_1322 : vector<16xi32>
        tpu.vector_store_idx %arg16[%add3A_1323], %add3A_1320 : memref<12544xf32, #tpu.memory_space<vmem>>[vector<16xi32>], vector<16xf32>,
        %get3A_1324 = arith.index_cast %scan3A_1198 : i32 to index
        %get3A_1325 = arith.constant 64 : index
        %get3A_1326 = tpu.vector_load %arg9[%get3A_1324, %get3A_1325] {strides = array<i32>} : memref<112x256xf32, #tpu.memory_space<vmem>>, vector<16xf32>,
        %mul3A_1327 = arith.mulf %get3A_1326, %gather3A_1203 : vector<16xf32>
        %add3A_1328 = arith.constant 56 : i32
        %add3A_1329 = arith.addi %add3A_1328, %scan3A_1198 : i32
        %get3A_1330 = arith.index_cast %add3A_1329 : i32 to index
        %get3A_1331 = arith.constant 64 : index
        %get3A_1332 = tpu.vector_load %arg9[%get3A_1330, %get3A_1331] {strides = array<i32>} : memref<112x256xf32, #tpu.memory_space<vmem>>, vector<16xf32>,
        %mul3A_1333 = arith.mulf %get3A_1332, %gather3A_1208 : vector<16xf32>
        %add3A_1334 = arith.addf %mul3A_1327, %mul3A_1333 : vector<16xf32>
        %get3A_1335 = arith.index_cast %scan3A_1198 : i32 to index
        %get3A_1336 = arith.constant 64 : index
        %get3A_1337 = tpu.vector_load %arg10[%get3A_1335, %get3A_1336] {strides = array<i32>} : memref<112x256xf32, #tpu.memory_space<vmem>>, vector<16xf32>,
        %mul3A_1338 = arith.mulf %get3A_1337, %gather3A_1213 : vector<16xf32>
        %add3A_1339 = arith.addf %add3A_1334, %mul3A_1338 : vector<16xf32>
        %add3A_1340 = arith.constant 56 : i32
        %add3A_1341 = arith.addi %add3A_1340, %scan3A_1198 : i32
        %get3A_1342 = arith.index_cast %add3A_1341 : i32 to index
        %get3A_1343 = arith.constant 64 : index
        %get3A_1344 = tpu.vector_load %arg10[%get3A_1342, %get3A_1343] {strides = array<i32>} : memref<112x256xf32, #tpu.memory_space<vmem>>, vector<16xf32>,
        %mul3A_1345 = arith.mulf %get3A_1344, %gather3A_1218 : vector<16xf32>
        %add3A_1346 = arith.addf %add3A_1339, %mul3A_1345 : vector<16xf32>
        %add3A_1347 = arith.constant 3136 : i32
        %add3A_1348 = vector.broadcast %add3A_1347 : i32 to vector<16xi32>
        %add3A_1349 = arith.addi %add3A_1220, %add3A_1348 : vector<16xi32>
        tpu.vector_store_idx %arg16[%add3A_1349], %add3A_1346 : memref<12544xf32, #tpu.memory_space<vmem>>[vector<16xi32>], vector<16xf32>,
        %get3A_1350 = arith.index_cast %scan3A_1198 : i32 to index
        %get3A_1351 = arith.constant 80 : index
        %get3A_1352 = tpu.vector_load %arg9[%get3A_1350, %get3A_1351] {strides = array<i32>} : memref<112x256xf32, #tpu.memory_space<vmem>>, vector<16xf32>,
        %mul3A_1353 = arith.mulf %get3A_1352, %gather3A_1203 : vector<16xf32>
        %add3A_1354 = arith.constant 56 : i32
        %add3A_1355 = arith.addi %add3A_1354, %scan3A_1198 : i32
        %get3A_1356 = arith.index_cast %add3A_1355 : i32 to index
        %get3A_1357 = arith.constant 80 : index
        %get3A_1358 = tpu.vector_load %arg9[%get3A_1356, %get3A_1357] {strides = array<i32>} : memref<112x256xf32, #tpu.memory_space<vmem>>, vector<16xf32>,
        %mul3A_1359 = arith.mulf %get3A_1358, %gather3A_1208 : vector<16xf32>
        %add3A_1360 = arith.addf %mul3A_1353, %mul3A_1359 : vector<16xf32>
        %get3A_1361 = arith.index_cast %scan3A_1198 : i32 to index
        %get3A_1362 = arith.constant 80 : index
        %get3A_1363 = tpu.vector_load %arg10[%get3A_1361, %get3A_1362] {strides = array<i32>} : memref<112x256xf32, #tpu.memory_space<vmem>>, vector<16xf32>,
        %mul3A_1364 = arith.mulf %get3A_1363, %gather3A_1213 : vector<16xf32>
        %add3A_1365 = arith.addf %add3A_1360, %mul3A_1364 : vector<16xf32>
        %add3A_1366 = arith.constant 56 : i32
        %add3A_1367 = arith.addi %add3A_1366, %scan3A_1198 : i32
        %get3A_1368 = arith.index_cast %add3A_1367 : i32 to index
        %get3A_1369 = arith.constant 80 : index
        %get3A_1370 = tpu.vector_load %arg10[%get3A_1368, %get3A_1369] {strides = array<i32>} : memref<112x256xf32, #tpu.memory_space<vmem>>, vector<16xf32>,
        %mul3A_1371 = arith.mulf %get3A_1370, %gather3A_1218 : vector<16xf32>
        %add3A_1372 = arith.addf %add3A_1365, %mul3A_1371 : vector<16xf32>
        %add3A_1373 = arith.constant 3920 : i32
        %add3A_1374 = vector.broadcast %add3A_1373 : i32 to vector<16xi32>
        %add3A_1375 = arith.addi %add3A_1220, %add3A_1374 : vector<16xi32>
        tpu.vector_store_idx %arg16[%add3A_1375], %add3A_1372 : memref<12544xf32, #tpu.memory_space<vmem>>[vector<16xi32>], vector<16xf32>,
        %get3A_1376 = arith.index_cast %scan3A_1198 : i32 to index
        %get3A_1377 = arith.constant 96 : index
        %get3A_1378 = tpu.vector_load %arg9[%get3A_1376, %get3A_1377] {strides = array<i32>} : memref<112x256xf32, #tpu.memory_space<vmem>>, vector<16xf32>,
        %mul3A_1379 = arith.mulf %get3A_1378, %gather3A_1203 : vector<16xf32>
        %add3A_1380 = arith.constant 56 : i32
        %add3A_1381 = arith.addi %add3A_1380, %scan3A_1198 : i32
        %get3A_1382 = arith.index_cast %add3A_1381 : i32 to index
        %get3A_1383 = arith.constant 96 : index
        %get3A_1384 = tpu.vector_load %arg9[%get3A_1382, %get3A_1383] {strides = array<i32>} : memref<112x256xf32, #tpu.memory_space<vmem>>, vector<16xf32>,
        %mul3A_1385 = arith.mulf %get3A_1384, %gather3A_1208 : vector<16xf32>
        %add3A_1386 = arith.addf %mul3A_1379, %mul3A_1385 : vector<16xf32>
        %get3A_1387 = arith.index_cast %scan3A_1198 : i32 to index
        %get3A_1388 = arith.constant 96 : index
        %get3A_1389 = tpu.vector_load %arg10[%get3A_1387, %get3A_1388] {strides = array<i32>} : memref<112x256xf32, #tpu.memory_space<vmem>>, vector<16xf32>,
        %mul3A_1390 = arith.mulf %get3A_1389, %gather3A_1213 : vector<16xf32>
        %add3A_1391 = arith.addf %add3A_1386, %mul3A_1390 : vector<16xf32>
        %add3A_1392 = arith.constant 56 : i32
        %add3A_1393 = arith.addi %add3A_1392, %scan3A_1198 : i32
        %get3A_1394 = arith.index_cast %add3A_1393 : i32 to index
        %get3A_1395 = arith.constant 96 : index
        %get3A_1396 = tpu.vector_load %arg10[%get3A_1394, %get3A_1395] {strides = array<i32>} : memref<112x256xf32, #tpu.memory_space<vmem>>, vector<16xf32>,
        %mul3A_1397 = arith.mulf %get3A_1396, %gather3A_1218 : vector<16xf32>
        %add3A_1398 = arith.addf %add3A_1391, %mul3A_1397 : vector<16xf32>
        %add3A_1399 = arith.constant 4704 : i32
        %add3A_1400 = vector.broadcast %add3A_1399 : i32 to vector<16xi32>
        %add3A_1401 = arith.addi %add3A_1220, %add3A_1400 : vector<16xi32>
        tpu.vector_store_idx %arg16[%add3A_1401], %add3A_1398 : memref<12544xf32, #tpu.memory_space<vmem>>[vector<16xi32>], vector<16xf32>,
        %get3A_1402 = arith.index_cast %scan3A_1198 : i32 to index
        %get3A_1403 = arith.constant 112 : index
        %get3A_1404 = tpu.vector_load %arg9[%get3A_1402, %get3A_1403] {strides = array<i32>} : memref<112x256xf32, #tpu.memory_space<vmem>>, vector<16xf32>,
        %mul3A_1405 = arith.mulf %get3A_1404, %gather3A_1203 : vector<16xf32>
        %add3A_1406 = arith.constant 56 : i32
        %add3A_1407 = arith.addi %add3A_1406, %scan3A_1198 : i32
        %get3A_1408 = arith.index_cast %add3A_1407 : i32 to index
        %get3A_1409 = arith.constant 112 : index
        %get3A_1410 = tpu.vector_load %arg9[%get3A_1408, %get3A_1409] {strides = array<i32>} : memref<112x256xf32, #tpu.memory_space<vmem>>, vector<16xf32>,
        %mul3A_1411 = arith.mulf %get3A_1410, %gather3A_1208 : vector<16xf32>
        %add3A_1412 = arith.addf %mul3A_1405, %mul3A_1411 : vector<16xf32>
        %get3A_1413 = arith.index_cast %scan3A_1198 : i32 to index
        %get3A_1414 = arith.constant 112 : index
        %get3A_1415 = tpu.vector_load %arg10[%get3A_1413, %get3A_1414] {strides = array<i32>} : memref<112x256xf32, #tpu.memory_space<vmem>>, vector<16xf32>,
        %mul3A_1416 = arith.mulf %get3A_1415, %gather3A_1213 : vector<16xf32>
        %add3A_1417 = arith.addf %add3A_1412, %mul3A_1416 : vector<16xf32>
        %add3A_1418 = arith.constant 56 : i32
        %add3A_1419 = arith.addi %add3A_1418, %scan3A_1198 : i32
        %get3A_1420 = arith.index_cast %add3A_1419 : i32 to index
        %get3A_1421 = arith.constant 112 : index
        %get3A_1422 = tpu.vector_load %arg10[%get3A_1420, %get3A_1421] {strides = array<i32>} : memref<112x256xf32, #tpu.memory_space<vmem>>, vector<16xf32>,
        %mul3A_1423 = arith.mulf %get3A_1422, %gather3A_1218 : vector<16xf32>
        %add3A_1424 = arith.addf %add3A_1417, %mul3A_1423 : vector<16xf32>
        %add3A_1425 = arith.constant 5488 : i32
        %add3A_1426 = vector.broadcast %add3A_1425 : i32 to vector<16xi32>
        %add3A_1427 = arith.addi %add3A_1220, %add3A_1426 : vector<16xi32>
        tpu.vector_store_idx %arg16[%add3A_1427], %add3A_1424 : memref<12544xf32, #tpu.memory_space<vmem>>[vector<16xi32>], vector<16xf32>,
        %get3A_1428 = arith.index_cast %scan3A_1198 : i32 to index
        %get3A_1429 = arith.constant 128 : index
        %get3A_1430 = tpu.vector_load %arg9[%get3A_1428, %get3A_1429] {strides = array<i32>} : memref<112x256xf32, #tpu.memory_space<vmem>>, vector<16xf32>,
        %mul3A_1431 = arith.mulf %get3A_1430, %gather3A_1203 : vector<16xf32>
        %add3A_1432 = arith.constant 56 : i32
        %add3A_1433 = arith.addi %add3A_1432, %scan3A_1198 : i32
        %get3A_1434 = arith.index_cast %add3A_1433 : i32 to index
        %get3A_1435 = arith.constant 128 : index
        %get3A_1436 = tpu.vector_load %arg9[%get3A_1434, %get3A_1435] {strides = array<i32>} : memref<112x256xf32, #tpu.memory_space<vmem>>, vector<16xf32>,
        %mul3A_1437 = arith.mulf %get3A_1436, %gather3A_1208 : vector<16xf32>
        %add3A_1438 = arith.addf %mul3A_1431, %mul3A_1437 : vector<16xf32>
        %get3A_1439 = arith.index_cast %scan3A_1198 : i32 to index
        %get3A_1440 = arith.constant 128 : index
        %get3A_1441 = tpu.vector_load %arg10[%get3A_1439, %get3A_1440] {strides = array<i32>} : memref<112x256xf32, #tpu.memory_space<vmem>>, vector<16xf32>,
        %mul3A_1442 = arith.mulf %get3A_1441, %gather3A_1213 : vector<16xf32>
        %add3A_1443 = arith.addf %add3A_1438, %mul3A_1442 : vector<16xf32>
        %add3A_1444 = arith.constant 56 : i32
        %add3A_1445 = arith.addi %add3A_1444, %scan3A_1198 : i32
        %get3A_1446 = arith.index_cast %add3A_1445 : i32 to index
        %get3A_1447 = arith.constant 128 : index
        %get3A_1448 = tpu.vector_load %arg10[%get3A_1446, %get3A_1447] {strides = array<i32>} : memref<112x256xf32, #tpu.memory_space<vmem>>, vector<16xf32>,
        %mul3A_1449 = arith.mulf %get3A_1448, %gather3A_1218 : vector<16xf32>
        %add3A_1450 = arith.addf %add3A_1443, %mul3A_1449 : vector<16xf32>
        %add3A_1451 = arith.constant 6272 : i32
        %add3A_1452 = vector.broadcast %add3A_1451 : i32 to vector<16xi32>
        %add3A_1453 = arith.addi %add3A_1220, %add3A_1452 : vector<16xi32>
        tpu.vector_store_idx %arg16[%add3A_1453], %add3A_1450 : memref<12544xf32, #tpu.memory_space<vmem>>[vector<16xi32>], vector<16xf32>,
        %get3A_1454 = arith.index_cast %scan3A_1198 : i32 to index
        %get3A_1455 = arith.constant 144 : index
        %get3A_1456 = tpu.vector_load %arg9[%get3A_1454, %get3A_1455] {strides = array<i32>} : memref<112x256xf32, #tpu.memory_space<vmem>>, vector<16xf32>,
        %mul3A_1457 = arith.mulf %get3A_1456, %gather3A_1203 : vector<16xf32>
        %add3A_1458 = arith.constant 56 : i32
        %add3A_1459 = arith.addi %add3A_1458, %scan3A_1198 : i32
        %get3A_1460 = arith.index_cast %add3A_1459 : i32 to index
        %get3A_1461 = arith.constant 144 : index
        %get3A_1462 = tpu.vector_load %arg9[%get3A_1460, %get3A_1461] {strides = array<i32>} : memref<112x256xf32, #tpu.memory_space<vmem>>, vector<16xf32>,
        %mul3A_1463 = arith.mulf %get3A_1462, %gather3A_1208 : vector<16xf32>
        %add3A_1464 = arith.addf %mul3A_1457, %mul3A_1463 : vector<16xf32>
        %get3A_1465 = arith.index_cast %scan3A_1198 : i32 to index
        %get3A_1466 = arith.constant 144 : index
        %get3A_1467 = tpu.vector_load %arg10[%get3A_1465, %get3A_1466] {strides = array<i32>} : memref<112x256xf32, #tpu.memory_space<vmem>>, vector<16xf32>,
        %mul3A_1468 = arith.mulf %get3A_1467, %gather3A_1213 : vector<16xf32>
        %add3A_1469 = arith.addf %add3A_1464, %mul3A_1468 : vector<16xf32>
        %add3A_1470 = arith.constant 56 : i32
        %add3A_1471 = arith.addi %add3A_1470, %scan3A_1198 : i32
        %get3A_1472 = arith.index_cast %add3A_1471 : i32 to index
        %get3A_1473 = arith.constant 144 : index
        %get3A_1474 = tpu.vector_load %arg10[%get3A_1472, %get3A_1473] {strides = array<i32>} : memref<112x256xf32, #tpu.memory_space<vmem>>, vector<16xf32>,
        %mul3A_1475 = arith.mulf %get3A_1474, %gather3A_1218 : vector<16xf32>
        %add3A_1476 = arith.addf %add3A_1469, %mul3A_1475 : vector<16xf32>
        %add3A_1477 = arith.constant 7056 : i32
        %add3A_1478 = vector.broadcast %add3A_1477 : i32 to vector<16xi32>
        %add3A_1479 = arith.addi %add3A_1220, %add3A_1478 : vector<16xi32>
        tpu.vector_store_idx %arg16[%add3A_1479], %add3A_1476 : memref<12544xf32, #tpu.memory_space<vmem>>[vector<16xi32>], vector<16xf32>,
        %get3A_1480 = arith.index_cast %scan3A_1198 : i32 to index
        %get3A_1481 = arith.constant 160 : index
        %get3A_1482 = tpu.vector_load %arg9[%get3A_1480, %get3A_1481] {strides = array<i32>} : memref<112x256xf32, #tpu.memory_space<vmem>>, vector<16xf32>,
        %mul3A_1483 = arith.mulf %get3A_1482, %gather3A_1203 : vector<16xf32>
        %add3A_1484 = arith.constant 56 : i32
        %add3A_1485 = arith.addi %add3A_1484, %scan3A_1198 : i32
        %get3A_1486 = arith.index_cast %add3A_1485 : i32 to index
        %get3A_1487 = arith.constant 160 : index
        %get3A_1488 = tpu.vector_load %arg9[%get3A_1486, %get3A_1487] {strides = array<i32>} : memref<112x256xf32, #tpu.memory_space<vmem>>, vector<16xf32>,
        %mul3A_1489 = arith.mulf %get3A_1488, %gather3A_1208 : vector<16xf32>
        %add3A_1490 = arith.addf %mul3A_1483, %mul3A_1489 : vector<16xf32>
        %get3A_1491 = arith.index_cast %scan3A_1198 : i32 to index
        %get3A_1492 = arith.constant 160 : index
        %get3A_1493 = tpu.vector_load %arg10[%get3A_1491, %get3A_1492] {strides = array<i32>} : memref<112x256xf32, #tpu.memory_space<vmem>>, vector<16xf32>,
        %mul3A_1494 = arith.mulf %get3A_1493, %gather3A_1213 : vector<16xf32>
        %add3A_1495 = arith.addf %add3A_1490, %mul3A_1494 : vector<16xf32>
        %add3A_1496 = arith.constant 56 : i32
        %add3A_1497 = arith.addi %add3A_1496, %scan3A_1198 : i32
        %get3A_1498 = arith.index_cast %add3A_1497 : i32 to index
        %get3A_1499 = arith.constant 160 : index
        %get3A_1500 = tpu.vector_load %arg10[%get3A_1498, %get3A_1499] {strides = array<i32>} : memref<112x256xf32, #tpu.memory_space<vmem>>, vector<16xf32>,
        %mul3A_1501 = arith.mulf %get3A_1500, %gather3A_1218 : vector<16xf32>
        %add3A_1502 = arith.addf %add3A_1495, %mul3A_1501 : vector<16xf32>
        %add3A_1503 = arith.constant 7840 : i32
        %add3A_1504 = vector.broadcast %add3A_1503 : i32 to vector<16xi32>
        %add3A_1505 = arith.addi %add3A_1220, %add3A_1504 : vector<16xi32>
        tpu.vector_store_idx %arg16[%add3A_1505], %add3A_1502 : memref<12544xf32, #tpu.memory_space<vmem>>[vector<16xi32>], vector<16xf32>,
        %get3A_1506 = arith.index_cast %scan3A_1198 : i32 to index
        %get3A_1507 = arith.constant 176 : index
        %get3A_1508 = tpu.vector_load %arg9[%get3A_1506, %get3A_1507] {strides = array<i32>} : memref<112x256xf32, #tpu.memory_space<vmem>>, vector<16xf32>,
        %mul3A_1509 = arith.mulf %get3A_1508, %gather3A_1203 : vector<16xf32>
        %add3A_1510 = arith.constant 56 : i32
        %add3A_1511 = arith.addi %add3A_1510, %scan3A_1198 : i32
        %get3A_1512 = arith.index_cast %add3A_1511 : i32 to index
        %get3A_1513 = arith.constant 176 : index
        %get3A_1514 = tpu.vector_load %arg9[%get3A_1512, %get3A_1513] {strides = array<i32>} : memref<112x256xf32, #tpu.memory_space<vmem>>, vector<16xf32>,
        %mul3A_1515 = arith.mulf %get3A_1514, %gather3A_1208 : vector<16xf32>
        %add3A_1516 = arith.addf %mul3A_1509, %mul3A_1515 : vector<16xf32>
        %get3A_1517 = arith.index_cast %scan3A_1198 : i32 to index
        %get3A_1518 = arith.constant 176 : index
        %get3A_1519 = tpu.vector_load %arg10[%get3A_1517, %get3A_1518] {strides = array<i32>} : memref<112x256xf32, #tpu.memory_space<vmem>>, vector<16xf32>,
        %mul3A_1520 = arith.mulf %get3A_1519, %gather3A_1213 : vector<16xf32>
        %add3A_1521 = arith.addf %add3A_1516, %mul3A_1520 : vector<16xf32>
        %add3A_1522 = arith.constant 56 : i32
        %add3A_1523 = arith.addi %add3A_1522, %scan3A_1198 : i32
        %get3A_1524 = arith.index_cast %add3A_1523 : i32 to index
        %get3A_1525 = arith.constant 176 : index
        %get3A_1526 = tpu.vector_load %arg10[%get3A_1524, %get3A_1525] {strides = array<i32>} : memref<112x256xf32, #tpu.memory_space<vmem>>, vector<16xf32>,
        %mul3A_1527 = arith.mulf %get3A_1526, %gather3A_1218 : vector<16xf32>
        %add3A_1528 = arith.addf %add3A_1521, %mul3A_1527 : vector<16xf32>
        %add3A_1529 = arith.constant 8624 : i32
        %add3A_1530 = vector.broadcast %add3A_1529 : i32 to vector<16xi32>
        %add3A_1531 = arith.addi %add3A_1220, %add3A_1530 : vector<16xi32>
        tpu.vector_store_idx %arg16[%add3A_1531], %add3A_1528 : memref<12544xf32, #tpu.memory_space<vmem>>[vector<16xi32>], vector<16xf32>,
        %get3A_1532 = arith.index_cast %scan3A_1198 : i32 to index
        %get3A_1533 = arith.constant 192 : index
        %get3A_1534 = tpu.vector_load %arg9[%get3A_1532, %get3A_1533] {strides = array<i32>} : memref<112x256xf32, #tpu.memory_space<vmem>>, vector<16xf32>,
        %mul3A_1535 = arith.mulf %get3A_1534, %gather3A_1203 : vector<16xf32>
        %add3A_1536 = arith.constant 56 : i32
        %add3A_1537 = arith.addi %add3A_1536, %scan3A_1198 : i32
        %get3A_1538 = arith.index_cast %add3A_1537 : i32 to index
        %get3A_1539 = arith.constant 192 : index
        %get3A_1540 = tpu.vector_load %arg9[%get3A_1538, %get3A_1539] {strides = array<i32>} : memref<112x256xf32, #tpu.memory_space<vmem>>, vector<16xf32>,
        %mul3A_1541 = arith.mulf %get3A_1540, %gather3A_1208 : vector<16xf32>
        %add3A_1542 = arith.addf %mul3A_1535, %mul3A_1541 : vector<16xf32>
        %get3A_1543 = arith.index_cast %scan3A_1198 : i32 to index
        %get3A_1544 = arith.constant 192 : index
        %get3A_1545 = tpu.vector_load %arg10[%get3A_1543, %get3A_1544] {strides = array<i32>} : memref<112x256xf32, #tpu.memory_space<vmem>>, vector<16xf32>,
        %mul3A_1546 = arith.mulf %get3A_1545, %gather3A_1213 : vector<16xf32>
        %add3A_1547 = arith.addf %add3A_1542, %mul3A_1546 : vector<16xf32>
        %add3A_1548 = arith.constant 56 : i32
        %add3A_1549 = arith.addi %add3A_1548, %scan3A_1198 : i32
        %get3A_1550 = arith.index_cast %add3A_1549 : i32 to index
        %get3A_1551 = arith.constant 192 : index
        %get3A_1552 = tpu.vector_load %arg10[%get3A_1550, %get3A_1551] {strides = array<i32>} : memref<112x256xf32, #tpu.memory_space<vmem>>, vector<16xf32>,
        %mul3A_1553 = arith.mulf %get3A_1552, %gather3A_1218 : vector<16xf32>
        %add3A_1554 = arith.addf %add3A_1547, %mul3A_1553 : vector<16xf32>
        %add3A_1555 = arith.constant 9408 : i32
        %add3A_1556 = vector.broadcast %add3A_1555 : i32 to vector<16xi32>
        %add3A_1557 = arith.addi %add3A_1220, %add3A_1556 : vector<16xi32>
        tpu.vector_store_idx %arg16[%add3A_1557], %add3A_1554 : memref<12544xf32, #tpu.memory_space<vmem>>[vector<16xi32>], vector<16xf32>,
        %get3A_1558 = arith.index_cast %scan3A_1198 : i32 to index
        %get3A_1559 = arith.constant 208 : index
        %get3A_1560 = tpu.vector_load %arg9[%get3A_1558, %get3A_1559] {strides = array<i32>} : memref<112x256xf32, #tpu.memory_space<vmem>>, vector<16xf32>,
        %mul3A_1561 = arith.mulf %get3A_1560, %gather3A_1203 : vector<16xf32>
        %add3A_1562 = arith.constant 56 : i32
        %add3A_1563 = arith.addi %add3A_1562, %scan3A_1198 : i32
        %get3A_1564 = arith.index_cast %add3A_1563 : i32 to index
        %get3A_1565 = arith.constant 208 : index
        %get3A_1566 = tpu.vector_load %arg9[%get3A_1564, %get3A_1565] {strides = array<i32>} : memref<112x256xf32, #tpu.memory_space<vmem>>, vector<16xf32>,
        %mul3A_1567 = arith.mulf %get3A_1566, %gather3A_1208 : vector<16xf32>
        %add3A_1568 = arith.addf %mul3A_1561, %mul3A_1567 : vector<16xf32>
        %get3A_1569 = arith.index_cast %scan3A_1198 : i32 to index
        %get3A_1570 = arith.constant 208 : index
        %get3A_1571 = tpu.vector_load %arg10[%get3A_1569, %get3A_1570] {strides = array<i32>} : memref<112x256xf32, #tpu.memory_space<vmem>>, vector<16xf32>,
        %mul3A_1572 = arith.mulf %get3A_1571, %gather3A_1213 : vector<16xf32>
        %add3A_1573 = arith.addf %add3A_1568, %mul3A_1572 : vector<16xf32>
        %add3A_1574 = arith.constant 56 : i32
        %add3A_1575 = arith.addi %add3A_1574, %scan3A_1198 : i32
        %get3A_1576 = arith.index_cast %add3A_1575 : i32 to index
        %get3A_1577 = arith.constant 208 : index
        %get3A_1578 = tpu.vector_load %arg10[%get3A_1576, %get3A_1577] {strides = array<i32>} : memref<112x256xf32, #tpu.memory_space<vmem>>, vector<16xf32>,
        %mul3A_1579 = arith.mulf %get3A_1578, %gather3A_1218 : vector<16xf32>
        %add3A_1580 = arith.addf %add3A_1573, %mul3A_1579 : vector<16xf32>
        %add3A_1581 = arith.constant 10192 : i32
        %add3A_1582 = vector.broadcast %add3A_1581 : i32 to vector<16xi32>
        %add3A_1583 = arith.addi %add3A_1220, %add3A_1582 : vector<16xi32>
        tpu.vector_store_idx %arg16[%add3A_1583], %add3A_1580 : memref<12544xf32, #tpu.memory_space<vmem>>[vector<16xi32>], vector<16xf32>,
        %get3A_1584 = arith.index_cast %scan3A_1198 : i32 to index
        %get3A_1585 = arith.constant 224 : index
        %get3A_1586 = tpu.vector_load %arg9[%get3A_1584, %get3A_1585] {strides = array<i32>} : memref<112x256xf32, #tpu.memory_space<vmem>>, vector<16xf32>,
        %mul3A_1587 = arith.mulf %get3A_1586, %gather3A_1203 : vector<16xf32>
        %add3A_1588 = arith.constant 56 : i32
        %add3A_1589 = arith.addi %add3A_1588, %scan3A_1198 : i32
        %get3A_1590 = arith.index_cast %add3A_1589 : i32 to index
        %get3A_1591 = arith.constant 224 : index
        %get3A_1592 = tpu.vector_load %arg9[%get3A_1590, %get3A_1591] {strides = array<i32>} : memref<112x256xf32, #tpu.memory_space<vmem>>, vector<16xf32>,
        %mul3A_1593 = arith.mulf %get3A_1592, %gather3A_1208 : vector<16xf32>
        %add3A_1594 = arith.addf %mul3A_1587, %mul3A_1593 : vector<16xf32>
        %get3A_1595 = arith.index_cast %scan3A_1198 : i32 to index
        %get3A_1596 = arith.constant 224 : index
        %get3A_1597 = tpu.vector_load %arg10[%get3A_1595, %get3A_1596] {strides = array<i32>} : memref<112x256xf32, #tpu.memory_space<vmem>>, vector<16xf32>,
        %mul3A_1598 = arith.mulf %get3A_1597, %gather3A_1213 : vector<16xf32>
        %add3A_1599 = arith.addf %add3A_1594, %mul3A_1598 : vector<16xf32>
        %add3A_1600 = arith.constant 56 : i32
        %add3A_1601 = arith.addi %add3A_1600, %scan3A_1198 : i32
        %get3A_1602 = arith.index_cast %add3A_1601 : i32 to index
        %get3A_1603 = arith.constant 224 : index
        %get3A_1604 = tpu.vector_load %arg10[%get3A_1602, %get3A_1603] {strides = array<i32>} : memref<112x256xf32, #tpu.memory_space<vmem>>, vector<16xf32>,
        %mul3A_1605 = arith.mulf %get3A_1604, %gather3A_1218 : vector<16xf32>
        %add3A_1606 = arith.addf %add3A_1599, %mul3A_1605 : vector<16xf32>
        %add3A_1607 = arith.constant 10976 : i32
        %add3A_1608 = vector.broadcast %add3A_1607 : i32 to vector<16xi32>
        %add3A_1609 = arith.addi %add3A_1220, %add3A_1608 : vector<16xi32>
        tpu.vector_store_idx %arg16[%add3A_1609], %add3A_1606 : memref<12544xf32, #tpu.memory_space<vmem>>[vector<16xi32>], vector<16xf32>,
        %get3A_1610 = arith.index_cast %scan3A_1198 : i32 to index
        %get3A_1611 = arith.constant 240 : index
        %get3A_1612 = tpu.vector_load %arg9[%get3A_1610, %get3A_1611] {strides = array<i32>} : memref<112x256xf32, #tpu.memory_space<vmem>>, vector<16xf32>,
        %mul3A_1613 = arith.mulf %get3A_1612, %gather3A_1203 : vector<16xf32>
        %add3A_1614 = arith.constant 56 : i32
        %add3A_1615 = arith.addi %add3A_1614, %scan3A_1198 : i32
        %get3A_1616 = arith.index_cast %add3A_1615 : i32 to index
        %get3A_1617 = arith.constant 240 : index
        %get3A_1618 = tpu.vector_load %arg9[%get3A_1616, %get3A_1617] {strides = array<i32>} : memref<112x256xf32, #tpu.memory_space<vmem>>, vector<16xf32>,
        %mul3A_1619 = arith.mulf %get3A_1618, %gather3A_1208 : vector<16xf32>
        %add3A_1620 = arith.addf %mul3A_1613, %mul3A_1619 : vector<16xf32>
        %get3A_1621 = arith.index_cast %scan3A_1198 : i32 to index
        %get3A_1622 = arith.constant 240 : index
        %get3A_1623 = tpu.vector_load %arg10[%get3A_1621, %get3A_1622] {strides = array<i32>} : memref<112x256xf32, #tpu.memory_space<vmem>>, vector<16xf32>,
        %mul3A_1624 = arith.mulf %get3A_1623, %gather3A_1213 : vector<16xf32>
        %add3A_1625 = arith.addf %add3A_1620, %mul3A_1624 : vector<16xf32>
        %add3A_1626 = arith.constant 56 : i32
        %add3A_1627 = arith.addi %add3A_1626, %scan3A_1198 : i32
        %get3A_1628 = arith.index_cast %add3A_1627 : i32 to index
        %get3A_1629 = arith.constant 240 : index
        %get3A_1630 = tpu.vector_load %arg10[%get3A_1628, %get3A_1629] {strides = array<i32>} : memref<112x256xf32, #tpu.memory_space<vmem>>, vector<16xf32>,
        %mul3A_1631 = arith.mulf %get3A_1630, %gather3A_1218 : vector<16xf32>
        %add3A_1632 = arith.addf %add3A_1625, %mul3A_1631 : vector<16xf32>
        %add3A_1633 = arith.constant 11760 : i32
        %add3A_1634 = vector.broadcast %add3A_1633 : i32 to vector<16xi32>
        %add3A_1635 = arith.addi %add3A_1220, %add3A_1634 : vector<16xi32>
        tpu.vector_store_idx %arg16[%add3A_1635], %add3A_1632 : memref<12544xf32, #tpu.memory_space<vmem>>[vector<16xi32>], vector<16xf32>,
      }
      %scan3A_1181 = arith.constant 49 : i32
      %add3A_1182 = arith.addi %mul3A_2, %mul3A_15 : i32
      "tpu.region"() ({
        %run_scoped3A = tpu.sem_alloc : memref<!tpu.dma_semaphore, #tpu.memory_space<semaphore_mem>>
        %dma_start3A_1198 = arith.constant 0 : i32
        %dma_start3A_1199 = tpu.memref_slice %arg4[%add3A_1182, %dma_start3A_1198] : memref<1024x12544xf32, #tpu.memory_space<hbm>> -> memref<1x12544xf32, #tpu.memory_space<hbm>>
        %dma_start3A_1200 = tpu.memref_squeeze %dma_start3A_1199 : memref<1x12544xf32, #tpu.memory_space<hbm>> -> memref<12544xf32, #tpu.memory_space<hbm>>
        %dma_start3A_1201 = arith.constant 0 : i32
        %dma_start3A_1202 = tpu.memref_slice %arg4[%add3A_1182, %dma_start3A_1201] : memref<1024x12544xf32, #tpu.memory_space<hbm>> -> memref<1x12544xf32, #tpu.memory_space<hbm>>
        %dma_start3A_1203 = tpu.memref_squeeze %dma_start3A_1202 : memref<1x12544xf32, #tpu.memory_space<hbm>> -> memref<12544xf32, #tpu.memory_space<hbm>>
        tpu.enqueue_dma source(%arg16 : memref<12544xf32, #tpu.memory_space<vmem>>) target(%dma_start3A_1203 : memref<12544xf32, #tpu.memory_space<hbm>>) target_semaphore(%run_scoped3A : memref<!tpu.dma_semaphore, #tpu.memory_space<semaphore_mem>>)
        %dma_wait3A_1204 = arith.constant 0 : i32
        %dma_wait3A_1205 = tpu.memref_slice %arg4[%add3A_1182, %dma_wait3A_1204] : memref<1024x12544xf32, #tpu.memory_space<hbm>> -> memref<1x12544xf32, #tpu.memory_space<hbm>>
        %dma_wait3A_1206 = tpu.memref_squeeze %dma_wait3A_1205 : memref<1x12544xf32, #tpu.memory_space<hbm>> -> memref<12544xf32, #tpu.memory_space<hbm>>
        %dma_wait3A_1207 = arith.constant 0 : i32
        %dma_wait3A_1208 = tpu.memref_slice %arg4[%add3A_1182, %dma_wait3A_1207] : memref<1024x12544xf32, #tpu.memory_space<hbm>> -> memref<1x12544xf32, #tpu.memory_space<hbm>>
        %dma_wait3A_1209 = tpu.memref_squeeze %dma_wait3A_1208 : memref<1x12544xf32, #tpu.memory_space<hbm>> -> memref<12544xf32, #tpu.memory_space<hbm>>
        tpu.wait_dma2 semaphore(%run_scoped3A : memref<!tpu.dma_semaphore, #tpu.memory_space<semaphore_mem>>) src(%arg16 : memref<12544xf32, #tpu.memory_space<vmem>>) dst(%dma_wait3A_1209 : memref<12544xf32, #tpu.memory_space<hbm>>)
        tpu.yield
      }) : () -> ()
      %dma_wait3A_1183 = arith.constant 0 : i32
      %dma_wait3A_1184 = arith.constant 0 : i32
      %dma_wait3A_1185 = tpu.memref_slice %arg2[%dma_wait3A_1183, %dma_wait3A_1184] : memref<17216x256xf32, #tpu.memory_space<hbm>> -> memref<17216x256xf32, #tpu.memory_space<hbm>>
      tpu.wait_indirect_dma semaphore(%arg18 : memref<!tpu.dma_semaphore, #tpu.memory_space<semaphore_mem>>) src(%dma_wait3A_1185 : memref<17216x256xf32, #tpu.memory_space<hbm>>) dst(%arg14 : memref<112x256xf32, #tpu.memory_space<vmem>>)
      %dma_wait3A_1186 = arith.constant 0 : i32
      %dma_wait3A_1187 = arith.constant 0 : i32
      %dma_wait3A_1188 = tpu.memref_slice %arg2[%dma_wait3A_1186, %dma_wait3A_1187] : memref<17216x256xf32, #tpu.memory_space<hbm>> -> memref<17216x256xf32, #tpu.memory_space<hbm>>
      tpu.wait_indirect_dma semaphore(%arg18 : memref<!tpu.dma_semaphore, #tpu.memory_space<semaphore_mem>>) src(%dma_wait3A_1188 : memref<17216x256xf32, #tpu.memory_space<hbm>>) dst(%arg15 : memref<112x256xf32, #tpu.memory_space<vmem>>)
      %add3A_1189 = arith.constant 1 : i32
      %add3A_1190 = arith.addi %mul3A_15, %add3A_1189 : i32
      %scan3A_1191 = arith.constant 0 : i32
      %scan3A_1192 = arith.constant 0 : i32
      %scan3A_1193 = arith.constant 49 : i32
      %scan3A_1194 = arith.addi %scan3A_1192, %scan3A_1193 : i32
      %scan3A_1195 = arith.constant 1 : i32
      scf.for %scan3A_1198 = %scan3A_1192 to %scan3A_1194 step %scan3A_1195  : i32 {
        %broadcast_in_dim3A_1199 = vector.broadcast %scan3A_1198 : i32 to vector<16xi32>
        %add3A_1200 = arith.constant 0 : i32
        %add3A_1201 = vector.broadcast %add3A_1200 : i32 to vector<16xi32>
        %add3A_1202 = arith.addi %broadcast_in_dim3A_1199, %add3A_1201 : vector<16xi32>
        %gather3A_1203 = tpu.vector_load_idx %arg13[%add3A_1202] : memref<224xf32, #tpu.memory_space<vmem>>[vector<16xi32>], vector<16xf32>,
        %broadcast_in_dim3A_1204 = vector.broadcast %scan3A_1198 : i32 to vector<16xi32>
        %add3A_1205 = arith.constant 56 : i32
        %add3A_1206 = vector.broadcast %add3A_1205 : i32 to vector<16xi32>
        %add3A_1207 = arith.addi %broadcast_in_dim3A_1204, %add3A_1206 : vector<16xi32>
        %gather3A_1208 = tpu.vector_load_idx %arg13[%add3A_1207] : memref<224xf32, #tpu.memory_space<vmem>>[vector<16xi32>], vector<16xf32>,
        %broadcast_in_dim3A_1209 = vector.broadcast %scan3A_1198 : i32 to vector<16xi32>
        %add3A_1210 = arith.constant 112 : i32
        %add3A_1211 = vector.broadcast %add3A_1210 : i32 to vector<16xi32>
        %add3A_1212 = arith.addi %broadcast_in_dim3A_1209, %add3A_1211 : vector<16xi32>
        %gather3A_1213 = tpu.vector_load_idx %arg13[%add3A_1212] : memref<224xf32, #tpu.memory_space<vmem>>[vector<16xi32>], vector<16xf32>,
        %broadcast_in_dim3A_1214 = vector.broadcast %scan3A_1198 : i32 to vector<16xi32>
        %add3A_1215 = arith.constant 168 : i32
        %add3A_1216 = vector.broadcast %add3A_1215 : i32 to vector<16xi32>
        %add3A_1217 = arith.addi %broadcast_in_dim3A_1214, %add3A_1216 : vector<16xi32>
        %gather3A_1218 = tpu.vector_load_idx %arg13[%add3A_1217] : memref<224xf32, #tpu.memory_space<vmem>>[vector<16xi32>], vector<16xf32>,
        %add3A_1219 = vector.broadcast %scan3A_1198 : i32 to vector<16xi32>
        %add3A_1220 = arith.addi %mul3A_7, %add3A_1219 : vector<16xi32>
        %get3A = arith.index_cast %scan3A_1198 : i32 to index
        %get3A_1221 = arith.constant 0 : index
        %get3A_1222 = tpu.vector_load %arg14[%get3A, %get3A_1221] {strides = array<i32>} : memref<112x256xf32, #tpu.memory_space<vmem>>, vector<16xf32>,
        %mul3A_1223 = arith.mulf %get3A_1222, %gather3A_1203 : vector<16xf32>
        %add3A_1224 = arith.constant 56 : i32
        %add3A_1225 = arith.addi %add3A_1224, %scan3A_1198 : i32
        %get3A_1226 = arith.index_cast %add3A_1225 : i32 to index
        %get3A_1227 = arith.constant 0 : index
        %get3A_1228 = tpu.vector_load %arg14[%get3A_1226, %get3A_1227] {strides = array<i32>} : memref<112x256xf32, #tpu.memory_space<vmem>>, vector<16xf32>,
        %mul3A_1229 = arith.mulf %get3A_1228, %gather3A_1208 : vector<16xf32>
        %add3A_1230 = arith.addf %mul3A_1223, %mul3A_1229 : vector<16xf32>
        %get3A_1231 = arith.index_cast %scan3A_1198 : i32 to index
        %get3A_1232 = arith.constant 0 : index
        %get3A_1233 = tpu.vector_load %arg15[%get3A_1231, %get3A_1232] {strides = array<i32>} : memref<112x256xf32, #tpu.memory_space<vmem>>, vector<16xf32>,
        %mul3A_1234 = arith.mulf %get3A_1233, %gather3A_1213 : vector<16xf32>
        %add3A_1235 = arith.addf %add3A_1230, %mul3A_1234 : vector<16xf32>
        %add3A_1236 = arith.constant 56 : i32
        %add3A_1237 = arith.addi %add3A_1236, %scan3A_1198 : i32
        %get3A_1238 = arith.index_cast %add3A_1237 : i32 to index
        %get3A_1239 = arith.constant 0 : index
        %get3A_1240 = tpu.vector_load %arg15[%get3A_1238, %get3A_1239] {strides = array<i32>} : memref<112x256xf32, #tpu.memory_space<vmem>>, vector<16xf32>,
        %mul3A_1241 = arith.mulf %get3A_1240, %gather3A_1218 : vector<16xf32>
        %add3A_1242 = arith.addf %add3A_1235, %mul3A_1241 : vector<16xf32>
        %add3A_1243 = arith.constant 0 : i32
        %add3A_1244 = vector.broadcast %add3A_1243 : i32 to vector<16xi32>
        %add3A_1245 = arith.addi %add3A_1220, %add3A_1244 : vector<16xi32>
        tpu.vector_store_idx %arg16[%add3A_1245], %add3A_1242 : memref<12544xf32, #tpu.memory_space<vmem>>[vector<16xi32>], vector<16xf32>,
        %get3A_1246 = arith.index_cast %scan3A_1198 : i32 to index
        %get3A_1247 = arith.constant 16 : index
        %get3A_1248 = tpu.vector_load %arg14[%get3A_1246, %get3A_1247] {strides = array<i32>} : memref<112x256xf32, #tpu.memory_space<vmem>>, vector<16xf32>,
        %mul3A_1249 = arith.mulf %get3A_1248, %gather3A_1203 : vector<16xf32>
        %add3A_1250 = arith.constant 56 : i32
        %add3A_1251 = arith.addi %add3A_1250, %scan3A_1198 : i32
        %get3A_1252 = arith.index_cast %add3A_1251 : i32 to index
        %get3A_1253 = arith.constant 16 : index
        %get3A_1254 = tpu.vector_load %arg14[%get3A_1252, %get3A_1253] {strides = array<i32>} : memref<112x256xf32, #tpu.memory_space<vmem>>, vector<16xf32>,
        %mul3A_1255 = arith.mulf %get3A_1254, %gather3A_1208 : vector<16xf32>
        %add3A_1256 = arith.addf %mul3A_1249, %mul3A_1255 : vector<16xf32>
        %get3A_1257 = arith.index_cast %scan3A_1198 : i32 to index
        %get3A_1258 = arith.constant 16 : index
        %get3A_1259 = tpu.vector_load %arg15[%get3A_1257, %get3A_1258] {strides = array<i32>} : memref<112x256xf32, #tpu.memory_space<vmem>>, vector<16xf32>,
        %mul3A_1260 = arith.mulf %get3A_1259, %gather3A_1213 : vector<16xf32>
        %add3A_1261 = arith.addf %add3A_1256, %mul3A_1260 : vector<16xf32>
        %add3A_1262 = arith.constant 56 : i32
        %add3A_1263 = arith.addi %add3A_1262, %scan3A_1198 : i32
        %get3A_1264 = arith.index_cast %add3A_1263 : i32 to index
        %get3A_1265 = arith.constant 16 : index
        %get3A_1266 = tpu.vector_load %arg15[%get3A_1264, %get3A_1265] {strides = array<i32>} : memref<112x256xf32, #tpu.memory_space<vmem>>, vector<16xf32>,
        %mul3A_1267 = arith.mulf %get3A_1266, %gather3A_1218 : vector<16xf32>
        %add3A_1268 = arith.addf %add3A_1261, %mul3A_1267 : vector<16xf32>
        %add3A_1269 = arith.constant 784 : i32
        %add3A_1270 = vector.broadcast %add3A_1269 : i32 to vector<16xi32>
        %add3A_1271 = arith.addi %add3A_1220, %add3A_1270 : vector<16xi32>
        tpu.vector_store_idx %arg16[%add3A_1271], %add3A_1268 : memref<12544xf32, #tpu.memory_space<vmem>>[vector<16xi32>], vector<16xf32>,
        %get3A_1272 = arith.index_cast %scan3A_1198 : i32 to index
        %get3A_1273 = arith.constant 32 : index
        %get3A_1274 = tpu.vector_load %arg14[%get3A_1272, %get3A_1273] {strides = array<i32>} : memref<112x256xf32, #tpu.memory_space<vmem>>, vector<16xf32>,
        %mul3A_1275 = arith.mulf %get3A_1274, %gather3A_1203 : vector<16xf32>
        %add3A_1276 = arith.constant 56 : i32
        %add3A_1277 = arith.addi %add3A_1276, %scan3A_1198 : i32
        %get3A_1278 = arith.index_cast %add3A_1277 : i32 to index
        %get3A_1279 = arith.constant 32 : index
        %get3A_1280 = tpu.vector_load %arg14[%get3A_1278, %get3A_1279] {strides = array<i32>} : memref<112x256xf32, #tpu.memory_space<vmem>>, vector<16xf32>,
        %mul3A_1281 = arith.mulf %get3A_1280, %gather3A_1208 : vector<16xf32>
        %add3A_1282 = arith.addf %mul3A_1275, %mul3A_1281 : vector<16xf32>
        %get3A_1283 = arith.index_cast %scan3A_1198 : i32 to index
        %get3A_1284 = arith.constant 32 : index
        %get3A_1285 = tpu.vector_load %arg15[%get3A_1283, %get3A_1284] {strides = array<i32>} : memref<112x256xf32, #tpu.memory_space<vmem>>, vector<16xf32>,
        %mul3A_1286 = arith.mulf %get3A_1285, %gather3A_1213 : vector<16xf32>
        %add3A_1287 = arith.addf %add3A_1282, %mul3A_1286 : vector<16xf32>
        %add3A_1288 = arith.constant 56 : i32
        %add3A_1289 = arith.addi %add3A_1288, %scan3A_1198 : i32
        %get3A_1290 = arith.index_cast %add3A_1289 : i32 to index
        %get3A_1291 = arith.constant 32 : index
        %get3A_1292 = tpu.vector_load %arg15[%get3A_1290, %get3A_1291] {strides = array<i32>} : memref<112x256xf32, #tpu.memory_space<vmem>>, vector<16xf32>,
        %mul3A_1293 = arith.mulf %get3A_1292, %gather3A_1218 : vector<16xf32>
        %add3A_1294 = arith.addf %add3A_1287, %mul3A_1293 : vector<16xf32>
        %add3A_1295 = arith.constant 1568 : i32
        %add3A_1296 = vector.broadcast %add3A_1295 : i32 to vector<16xi32>
        %add3A_1297 = arith.addi %add3A_1220, %add3A_1296 : vector<16xi32>
        tpu.vector_store_idx %arg16[%add3A_1297], %add3A_1294 : memref<12544xf32, #tpu.memory_space<vmem>>[vector<16xi32>], vector<16xf32>,
        %get3A_1298 = arith.index_cast %scan3A_1198 : i32 to index
        %get3A_1299 = arith.constant 48 : index
        %get3A_1300 = tpu.vector_load %arg14[%get3A_1298, %get3A_1299] {strides = array<i32>} : memref<112x256xf32, #tpu.memory_space<vmem>>, vector<16xf32>,
        %mul3A_1301 = arith.mulf %get3A_1300, %gather3A_1203 : vector<16xf32>
        %add3A_1302 = arith.constant 56 : i32
        %add3A_1303 = arith.addi %add3A_1302, %scan3A_1198 : i32
        %get3A_1304 = arith.index_cast %add3A_1303 : i32 to index
        %get3A_1305 = arith.constant 48 : index
        %get3A_1306 = tpu.vector_load %arg14[%get3A_1304, %get3A_1305] {strides = array<i32>} : memref<112x256xf32, #tpu.memory_space<vmem>>, vector<16xf32>,
        %mul3A_1307 = arith.mulf %get3A_1306, %gather3A_1208 : vector<16xf32>
        %add3A_1308 = arith.addf %mul3A_1301, %mul3A_1307 : vector<16xf32>
        %get3A_1309 = arith.index_cast %scan3A_1198 : i32 to index
        %get3A_1310 = arith.constant 48 : index
        %get3A_1311 = tpu.vector_load %arg15[%get3A_1309, %get3A_1310] {strides = array<i32>} : memref<112x256xf32, #tpu.memory_space<vmem>>, vector<16xf32>,
        %mul3A_1312 = arith.mulf %get3A_1311, %gather3A_1213 : vector<16xf32>
        %add3A_1313 = arith.addf %add3A_1308, %mul3A_1312 : vector<16xf32>
        %add3A_1314 = arith.constant 56 : i32
        %add3A_1315 = arith.addi %add3A_1314, %scan3A_1198 : i32
        %get3A_1316 = arith.index_cast %add3A_1315 : i32 to index
        %get3A_1317 = arith.constant 48 : index
        %get3A_1318 = tpu.vector_load %arg15[%get3A_1316, %get3A_1317] {strides = array<i32>} : memref<112x256xf32, #tpu.memory_space<vmem>>, vector<16xf32>,
        %mul3A_1319 = arith.mulf %get3A_1318, %gather3A_1218 : vector<16xf32>
        %add3A_1320 = arith.addf %add3A_1313, %mul3A_1319 : vector<16xf32>
        %add3A_1321 = arith.constant 2352 : i32
        %add3A_1322 = vector.broadcast %add3A_1321 : i32 to vector<16xi32>
        %add3A_1323 = arith.addi %add3A_1220, %add3A_1322 : vector<16xi32>
        tpu.vector_store_idx %arg16[%add3A_1323], %add3A_1320 : memref<12544xf32, #tpu.memory_space<vmem>>[vector<16xi32>], vector<16xf32>,
        %get3A_1324 = arith.index_cast %scan3A_1198 : i32 to index
        %get3A_1325 = arith.constant 64 : index
        %get3A_1326 = tpu.vector_load %arg14[%get3A_1324, %get3A_1325] {strides = array<i32>} : memref<112x256xf32, #tpu.memory_space<vmem>>, vector<16xf32>,
        %mul3A_1327 = arith.mulf %get3A_1326, %gather3A_1203 : vector<16xf32>
        %add3A_1328 = arith.constant 56 : i32
        %add3A_1329 = arith.addi %add3A_1328, %scan3A_1198 : i32
        %get3A_1330 = arith.index_cast %add3A_1329 : i32 to index
        %get3A_1331 = arith.constant 64 : index
        %get3A_1332 = tpu.vector_load %arg14[%get3A_1330, %get3A_1331] {strides = array<i32>} : memref<112x256xf32, #tpu.memory_space<vmem>>, vector<16xf32>,
        %mul3A_1333 = arith.mulf %get3A_1332, %gather3A_1208 : vector<16xf32>
        %add3A_1334 = arith.addf %mul3A_1327, %mul3A_1333 : vector<16xf32>
        %get3A_1335 = arith.index_cast %scan3A_1198 : i32 to index
        %get3A_1336 = arith.constant 64 : index
        %get3A_1337 = tpu.vector_load %arg15[%get3A_1335, %get3A_1336] {strides = array<i32>} : memref<112x256xf32, #tpu.memory_space<vmem>>, vector<16xf32>,
        %mul3A_1338 = arith.mulf %get3A_1337, %gather3A_1213 : vector<16xf32>
        %add3A_1339 = arith.addf %add3A_1334, %mul3A_1338 : vector<16xf32>
        %add3A_1340 = arith.constant 56 : i32
        %add3A_1341 = arith.addi %add3A_1340, %scan3A_1198 : i32
        %get3A_1342 = arith.index_cast %add3A_1341 : i32 to index
        %get3A_1343 = arith.constant 64 : index
        %get3A_1344 = tpu.vector_load %arg15[%get3A_1342, %get3A_1343] {strides = array<i32>} : memref<112x256xf32, #tpu.memory_space<vmem>>, vector<16xf32>,
        %mul3A_1345 = arith.mulf %get3A_1344, %gather3A_1218 : vector<16xf32>
        %add3A_1346 = arith.addf %add3A_1339, %mul3A_1345 : vector<16xf32>
        %add3A_1347 = arith.constant 3136 : i32
        %add3A_1348 = vector.broadcast %add3A_1347 : i32 to vector<16xi32>
        %add3A_1349 = arith.addi %add3A_1220, %add3A_1348 : vector<16xi32>
        tpu.vector_store_idx %arg16[%add3A_1349], %add3A_1346 : memref<12544xf32, #tpu.memory_space<vmem>>[vector<16xi32>], vector<16xf32>,
        %get3A_1350 = arith.index_cast %scan3A_1198 : i32 to index
        %get3A_1351 = arith.constant 80 : index
        %get3A_1352 = tpu.vector_load %arg14[%get3A_1350, %get3A_1351] {strides = array<i32>} : memref<112x256xf32, #tpu.memory_space<vmem>>, vector<16xf32>,
        %mul3A_1353 = arith.mulf %get3A_1352, %gather3A_1203 : vector<16xf32>
        %add3A_1354 = arith.constant 56 : i32
        %add3A_1355 = arith.addi %add3A_1354, %scan3A_1198 : i32
        %get3A_1356 = arith.index_cast %add3A_1355 : i32 to index
        %get3A_1357 = arith.constant 80 : index
        %get3A_1358 = tpu.vector_load %arg14[%get3A_1356, %get3A_1357] {strides = array<i32>} : memref<112x256xf32, #tpu.memory_space<vmem>>, vector<16xf32>,
        %mul3A_1359 = arith.mulf %get3A_1358, %gather3A_1208 : vector<16xf32>
        %add3A_1360 = arith.addf %mul3A_1353, %mul3A_1359 : vector<16xf32>
        %get3A_1361 = arith.index_cast %scan3A_1198 : i32 to index
        %get3A_1362 = arith.constant 80 : index
        %get3A_1363 = tpu.vector_load %arg15[%get3A_1361, %get3A_1362] {strides = array<i32>} : memref<112x256xf32, #tpu.memory_space<vmem>>, vector<16xf32>,
        %mul3A_1364 = arith.mulf %get3A_1363, %gather3A_1213 : vector<16xf32>
        %add3A_1365 = arith.addf %add3A_1360, %mul3A_1364 : vector<16xf32>
        %add3A_1366 = arith.constant 56 : i32
        %add3A_1367 = arith.addi %add3A_1366, %scan3A_1198 : i32
        %get3A_1368 = arith.index_cast %add3A_1367 : i32 to index
        %get3A_1369 = arith.constant 80 : index
        %get3A_1370 = tpu.vector_load %arg15[%get3A_1368, %get3A_1369] {strides = array<i32>} : memref<112x256xf32, #tpu.memory_space<vmem>>, vector<16xf32>,
        %mul3A_1371 = arith.mulf %get3A_1370, %gather3A_1218 : vector<16xf32>
        %add3A_1372 = arith.addf %add3A_1365, %mul3A_1371 : vector<16xf32>
        %add3A_1373 = arith.constant 3920 : i32
        %add3A_1374 = vector.broadcast %add3A_1373 : i32 to vector<16xi32>
        %add3A_1375 = arith.addi %add3A_1220, %add3A_1374 : vector<16xi32>
        tpu.vector_store_idx %arg16[%add3A_1375], %add3A_1372 : memref<12544xf32, #tpu.memory_space<vmem>>[vector<16xi32>], vector<16xf32>,
        %get3A_1376 = arith.index_cast %scan3A_1198 : i32 to index
        %get3A_1377 = arith.constant 96 : index
        %get3A_1378 = tpu.vector_load %arg14[%get3A_1376, %get3A_1377] {strides = array<i32>} : memref<112x256xf32, #tpu.memory_space<vmem>>, vector<16xf32>,
        %mul3A_1379 = arith.mulf %get3A_1378, %gather3A_1203 : vector<16xf32>
        %add3A_1380 = arith.constant 56 : i32
        %add3A_1381 = arith.addi %add3A_1380, %scan3A_1198 : i32
        %get3A_1382 = arith.index_cast %add3A_1381 : i32 to index
        %get3A_1383 = arith.constant 96 : index
        %get3A_1384 = tpu.vector_load %arg14[%get3A_1382, %get3A_1383] {strides = array<i32>} : memref<112x256xf32, #tpu.memory_space<vmem>>, vector<16xf32>,
        %mul3A_1385 = arith.mulf %get3A_1384, %gather3A_1208 : vector<16xf32>
        %add3A_1386 = arith.addf %mul3A_1379, %mul3A_1385 : vector<16xf32>
        %get3A_1387 = arith.index_cast %scan3A_1198 : i32 to index
        %get3A_1388 = arith.constant 96 : index
        %get3A_1389 = tpu.vector_load %arg15[%get3A_1387, %get3A_1388] {strides = array<i32>} : memref<112x256xf32, #tpu.memory_space<vmem>>, vector<16xf32>,
        %mul3A_1390 = arith.mulf %get3A_1389, %gather3A_1213 : vector<16xf32>
        %add3A_1391 = arith.addf %add3A_1386, %mul3A_1390 : vector<16xf32>
        %add3A_1392 = arith.constant 56 : i32
        %add3A_1393 = arith.addi %add3A_1392, %scan3A_1198 : i32
        %get3A_1394 = arith.index_cast %add3A_1393 : i32 to index
        %get3A_1395 = arith.constant 96 : index
        %get3A_1396 = tpu.vector_load %arg15[%get3A_1394, %get3A_1395] {strides = array<i32>} : memref<112x256xf32, #tpu.memory_space<vmem>>, vector<16xf32>,
        %mul3A_1397 = arith.mulf %get3A_1396, %gather3A_1218 : vector<16xf32>
        %add3A_1398 = arith.addf %add3A_1391, %mul3A_1397 : vector<16xf32>
        %add3A_1399 = arith.constant 4704 : i32
        %add3A_1400 = vector.broadcast %add3A_1399 : i32 to vector<16xi32>
        %add3A_1401 = arith.addi %add3A_1220, %add3A_1400 : vector<16xi32>
        tpu.vector_store_idx %arg16[%add3A_1401], %add3A_1398 : memref<12544xf32, #tpu.memory_space<vmem>>[vector<16xi32>], vector<16xf32>,
        %get3A_1402 = arith.index_cast %scan3A_1198 : i32 to index
        %get3A_1403 = arith.constant 112 : index
        %get3A_1404 = tpu.vector_load %arg14[%get3A_1402, %get3A_1403] {strides = array<i32>} : memref<112x256xf32, #tpu.memory_space<vmem>>, vector<16xf32>,
        %mul3A_1405 = arith.mulf %get3A_1404, %gather3A_1203 : vector<16xf32>
        %add3A_1406 = arith.constant 56 : i32
        %add3A_1407 = arith.addi %add3A_1406, %scan3A_1198 : i32
        %get3A_1408 = arith.index_cast %add3A_1407 : i32 to index
        %get3A_1409 = arith.constant 112 : index
        %get3A_1410 = tpu.vector_load %arg14[%get3A_1408, %get3A_1409] {strides = array<i32>} : memref<112x256xf32, #tpu.memory_space<vmem>>, vector<16xf32>,
        %mul3A_1411 = arith.mulf %get3A_1410, %gather3A_1208 : vector<16xf32>
        %add3A_1412 = arith.addf %mul3A_1405, %mul3A_1411 : vector<16xf32>
        %get3A_1413 = arith.index_cast %scan3A_1198 : i32 to index
        %get3A_1414 = arith.constant 112 : index
        %get3A_1415 = tpu.vector_load %arg15[%get3A_1413, %get3A_1414] {strides = array<i32>} : memref<112x256xf32, #tpu.memory_space<vmem>>, vector<16xf32>,
        %mul3A_1416 = arith.mulf %get3A_1415, %gather3A_1213 : vector<16xf32>
        %add3A_1417 = arith.addf %add3A_1412, %mul3A_1416 : vector<16xf32>
        %add3A_1418 = arith.constant 56 : i32
        %add3A_1419 = arith.addi %add3A_1418, %scan3A_1198 : i32
        %get3A_1420 = arith.index_cast %add3A_1419 : i32 to index
        %get3A_1421 = arith.constant 112 : index
        %get3A_1422 = tpu.vector_load %arg15[%get3A_1420, %get3A_1421] {strides = array<i32>} : memref<112x256xf32, #tpu.memory_space<vmem>>, vector<16xf32>,
        %mul3A_1423 = arith.mulf %get3A_1422, %gather3A_1218 : vector<16xf32>
        %add3A_1424 = arith.addf %add3A_1417, %mul3A_1423 : vector<16xf32>
        %add3A_1425 = arith.constant 5488 : i32
        %add3A_1426 = vector.broadcast %add3A_1425 : i32 to vector<16xi32>
        %add3A_1427 = arith.addi %add3A_1220, %add3A_1426 : vector<16xi32>
        tpu.vector_store_idx %arg16[%add3A_1427], %add3A_1424 : memref<12544xf32, #tpu.memory_space<vmem>>[vector<16xi32>], vector<16xf32>,
        %get3A_1428 = arith.index_cast %scan3A_1198 : i32 to index
        %get3A_1429 = arith.constant 128 : index
        %get3A_1430 = tpu.vector_load %arg14[%get3A_1428, %get3A_1429] {strides = array<i32>} : memref<112x256xf32, #tpu.memory_space<vmem>>, vector<16xf32>,
        %mul3A_1431 = arith.mulf %get3A_1430, %gather3A_1203 : vector<16xf32>
        %add3A_1432 = arith.constant 56 : i32
        %add3A_1433 = arith.addi %add3A_1432, %scan3A_1198 : i32
        %get3A_1434 = arith.index_cast %add3A_1433 : i32 to index
        %get3A_1435 = arith.constant 128 : index
        %get3A_1436 = tpu.vector_load %arg14[%get3A_1434, %get3A_1435] {strides = array<i32>} : memref<112x256xf32, #tpu.memory_space<vmem>>, vector<16xf32>,
        %mul3A_1437 = arith.mulf %get3A_1436, %gather3A_1208 : vector<16xf32>
        %add3A_1438 = arith.addf %mul3A_1431, %mul3A_1437 : vector<16xf32>
        %get3A_1439 = arith.index_cast %scan3A_1198 : i32 to index
        %get3A_1440 = arith.constant 128 : index
        %get3A_1441 = tpu.vector_load %arg15[%get3A_1439, %get3A_1440] {strides = array<i32>} : memref<112x256xf32, #tpu.memory_space<vmem>>, vector<16xf32>,
        %mul3A_1442 = arith.mulf %get3A_1441, %gather3A_1213 : vector<16xf32>
        %add3A_1443 = arith.addf %add3A_1438, %mul3A_1442 : vector<16xf32>
        %add3A_1444 = arith.constant 56 : i32
        %add3A_1445 = arith.addi %add3A_1444, %scan3A_1198 : i32
        %get3A_1446 = arith.index_cast %add3A_1445 : i32 to index
        %get3A_1447 = arith.constant 128 : index
        %get3A_1448 = tpu.vector_load %arg15[%get3A_1446, %get3A_1447] {strides = array<i32>} : memref<112x256xf32, #tpu.memory_space<vmem>>, vector<16xf32>,
        %mul3A_1449 = arith.mulf %get3A_1448, %gather3A_1218 : vector<16xf32>
        %add3A_1450 = arith.addf %add3A_1443, %mul3A_1449 : vector<16xf32>
        %add3A_1451 = arith.constant 6272 : i32
        %add3A_1452 = vector.broadcast %add3A_1451 : i32 to vector<16xi32>
        %add3A_1453 = arith.addi %add3A_1220, %add3A_1452 : vector<16xi32>
        tpu.vector_store_idx %arg16[%add3A_1453], %add3A_1450 : memref<12544xf32, #tpu.memory_space<vmem>>[vector<16xi32>], vector<16xf32>,
        %get3A_1454 = arith.index_cast %scan3A_1198 : i32 to index
        %get3A_1455 = arith.constant 144 : index
        %get3A_1456 = tpu.vector_load %arg14[%get3A_1454, %get3A_1455] {strides = array<i32>} : memref<112x256xf32, #tpu.memory_space<vmem>>, vector<16xf32>,
        %mul3A_1457 = arith.mulf %get3A_1456, %gather3A_1203 : vector<16xf32>
        %add3A_1458 = arith.constant 56 : i32
        %add3A_1459 = arith.addi %add3A_1458, %scan3A_1198 : i32
        %get3A_1460 = arith.index_cast %add3A_1459 : i32 to index
        %get3A_1461 = arith.constant 144 : index
        %get3A_1462 = tpu.vector_load %arg14[%get3A_1460, %get3A_1461] {strides = array<i32>} : memref<112x256xf32, #tpu.memory_space<vmem>>, vector<16xf32>,
        %mul3A_1463 = arith.mulf %get3A_1462, %gather3A_1208 : vector<16xf32>
        %add3A_1464 = arith.addf %mul3A_1457, %mul3A_1463 : vector<16xf32>
        %get3A_1465 = arith.index_cast %scan3A_1198 : i32 to index
        %get3A_1466 = arith.constant 144 : index
        %get3A_1467 = tpu.vector_load %arg15[%get3A_1465, %get3A_1466] {strides = array<i32>} : memref<112x256xf32, #tpu.memory_space<vmem>>, vector<16xf32>,
        %mul3A_1468 = arith.mulf %get3A_1467, %gather3A_1213 : vector<16xf32>
        %add3A_1469 = arith.addf %add3A_1464, %mul3A_1468 : vector<16xf32>
        %add3A_1470 = arith.constant 56 : i32
        %add3A_1471 = arith.addi %add3A_1470, %scan3A_1198 : i32
        %get3A_1472 = arith.index_cast %add3A_1471 : i32 to index
        %get3A_1473 = arith.constant 144 : index
        %get3A_1474 = tpu.vector_load %arg15[%get3A_1472, %get3A_1473] {strides = array<i32>} : memref<112x256xf32, #tpu.memory_space<vmem>>, vector<16xf32>,
        %mul3A_1475 = arith.mulf %get3A_1474, %gather3A_1218 : vector<16xf32>
        %add3A_1476 = arith.addf %add3A_1469, %mul3A_1475 : vector<16xf32>
        %add3A_1477 = arith.constant 7056 : i32
        %add3A_1478 = vector.broadcast %add3A_1477 : i32 to vector<16xi32>
        %add3A_1479 = arith.addi %add3A_1220, %add3A_1478 : vector<16xi32>
        tpu.vector_store_idx %arg16[%add3A_1479], %add3A_1476 : memref<12544xf32, #tpu.memory_space<vmem>>[vector<16xi32>], vector<16xf32>,
        %get3A_1480 = arith.index_cast %scan3A_1198 : i32 to index
        %get3A_1481 = arith.constant 160 : index
        %get3A_1482 = tpu.vector_load %arg14[%get3A_1480, %get3A_1481] {strides = array<i32>} : memref<112x256xf32, #tpu.memory_space<vmem>>, vector<16xf32>,
        %mul3A_1483 = arith.mulf %get3A_1482, %gather3A_1203 : vector<16xf32>
        %add3A_1484 = arith.constant 56 : i32
        %add3A_1485 = arith.addi %add3A_1484, %scan3A_1198 : i32
        %get3A_1486 = arith.index_cast %add3A_1485 : i32 to index
        %get3A_1487 = arith.constant 160 : index
        %get3A_1488 = tpu.vector_load %arg14[%get3A_1486, %get3A_1487] {strides = array<i32>} : memref<112x256xf32, #tpu.memory_space<vmem>>, vector<16xf32>,
        %mul3A_1489 = arith.mulf %get3A_1488, %gather3A_1208 : vector<16xf32>
        %add3A_1490 = arith.addf %mul3A_1483, %mul3A_1489 : vector<16xf32>
        %get3A_1491 = arith.index_cast %scan3A_1198 : i32 to index
        %get3A_1492 = arith.constant 160 : index
        %get3A_1493 = tpu.vector_load %arg15[%get3A_1491, %get3A_1492] {strides = array<i32>} : memref<112x256xf32, #tpu.memory_space<vmem>>, vector<16xf32>,
        %mul3A_1494 = arith.mulf %get3A_1493, %gather3A_1213 : vector<16xf32>
        %add3A_1495 = arith.addf %add3A_1490, %mul3A_1494 : vector<16xf32>
        %add3A_1496 = arith.constant 56 : i32
        %add3A_1497 = arith.addi %add3A_1496, %scan3A_1198 : i32
        %get3A_1498 = arith.index_cast %add3A_1497 : i32 to index
        %get3A_1499 = arith.constant 160 : index
        %get3A_1500 = tpu.vector_load %arg15[%get3A_1498, %get3A_1499] {strides = array<i32>} : memref<112x256xf32, #tpu.memory_space<vmem>>, vector<16xf32>,
        %mul3A_1501 = arith.mulf %get3A_1500, %gather3A_1218 : vector<16xf32>
        %add3A_1502 = arith.addf %add3A_1495, %mul3A_1501 : vector<16xf32>
        %add3A_1503 = arith.constant 7840 : i32
        %add3A_1504 = vector.broadcast %add3A_1503 : i32 to vector<16xi32>
        %add3A_1505 = arith.addi %add3A_1220, %add3A_1504 : vector<16xi32>
        tpu.vector_store_idx %arg16[%add3A_1505], %add3A_1502 : memref<12544xf32, #tpu.memory_space<vmem>>[vector<16xi32>], vector<16xf32>,
        %get3A_1506 = arith.index_cast %scan3A_1198 : i32 to index
        %get3A_1507 = arith.constant 176 : index
        %get3A_1508 = tpu.vector_load %arg14[%get3A_1506, %get3A_1507] {strides = array<i32>} : memref<112x256xf32, #tpu.memory_space<vmem>>, vector<16xf32>,
        %mul3A_1509 = arith.mulf %get3A_1508, %gather3A_1203 : vector<16xf32>
        %add3A_1510 = arith.constant 56 : i32
        %add3A_1511 = arith.addi %add3A_1510, %scan3A_1198 : i32
        %get3A_1512 = arith.index_cast %add3A_1511 : i32 to index
        %get3A_1513 = arith.constant 176 : index
        %get3A_1514 = tpu.vector_load %arg14[%get3A_1512, %get3A_1513] {strides = array<i32>} : memref<112x256xf32, #tpu.memory_space<vmem>>, vector<16xf32>,
        %mul3A_1515 = arith.mulf %get3A_1514, %gather3A_1208 : vector<16xf32>
        %add3A_1516 = arith.addf %mul3A_1509, %mul3A_1515 : vector<16xf32>
        %get3A_1517 = arith.index_cast %scan3A_1198 : i32 to index
        %get3A_1518 = arith.constant 176 : index
        %get3A_1519 = tpu.vector_load %arg15[%get3A_1517, %get3A_1518] {strides = array<i32>} : memref<112x256xf32, #tpu.memory_space<vmem>>, vector<16xf32>,
        %mul3A_1520 = arith.mulf %get3A_1519, %gather3A_1213 : vector<16xf32>
        %add3A_1521 = arith.addf %add3A_1516, %mul3A_1520 : vector<16xf32>
        %add3A_1522 = arith.constant 56 : i32
        %add3A_1523 = arith.addi %add3A_1522, %scan3A_1198 : i32
        %get3A_1524 = arith.index_cast %add3A_1523 : i32 to index
        %get3A_1525 = arith.constant 176 : index
        %get3A_1526 = tpu.vector_load %arg15[%get3A_1524, %get3A_1525] {strides = array<i32>} : memref<112x256xf32, #tpu.memory_space<vmem>>, vector<16xf32>,
        %mul3A_1527 = arith.mulf %get3A_1526, %gather3A_1218 : vector<16xf32>
        %add3A_1528 = arith.addf %add3A_1521, %mul3A_1527 : vector<16xf32>
        %add3A_1529 = arith.constant 8624 : i32
        %add3A_1530 = vector.broadcast %add3A_1529 : i32 to vector<16xi32>
        %add3A_1531 = arith.addi %add3A_1220, %add3A_1530 : vector<16xi32>
        tpu.vector_store_idx %arg16[%add3A_1531], %add3A_1528 : memref<12544xf32, #tpu.memory_space<vmem>>[vector<16xi32>], vector<16xf32>,
        %get3A_1532 = arith.index_cast %scan3A_1198 : i32 to index
        %get3A_1533 = arith.constant 192 : index
        %get3A_1534 = tpu.vector_load %arg14[%get3A_1532, %get3A_1533] {strides = array<i32>} : memref<112x256xf32, #tpu.memory_space<vmem>>, vector<16xf32>,
        %mul3A_1535 = arith.mulf %get3A_1534, %gather3A_1203 : vector<16xf32>
        %add3A_1536 = arith.constant 56 : i32
        %add3A_1537 = arith.addi %add3A_1536, %scan3A_1198 : i32
        %get3A_1538 = arith.index_cast %add3A_1537 : i32 to index
        %get3A_1539 = arith.constant 192 : index
        %get3A_1540 = tpu.vector_load %arg14[%get3A_1538, %get3A_1539] {strides = array<i32>} : memref<112x256xf32, #tpu.memory_space<vmem>>, vector<16xf32>,
        %mul3A_1541 = arith.mulf %get3A_1540, %gather3A_1208 : vector<16xf32>
        %add3A_1542 = arith.addf %mul3A_1535, %mul3A_1541 : vector<16xf32>
        %get3A_1543 = arith.index_cast %scan3A_1198 : i32 to index
        %get3A_1544 = arith.constant 192 : index
        %get3A_1545 = tpu.vector_load %arg15[%get3A_1543, %get3A_1544] {strides = array<i32>} : memref<112x256xf32, #tpu.memory_space<vmem>>, vector<16xf32>,
        %mul3A_1546 = arith.mulf %get3A_1545, %gather3A_1213 : vector<16xf32>
        %add3A_1547 = arith.addf %add3A_1542, %mul3A_1546 : vector<16xf32>
        %add3A_1548 = arith.constant 56 : i32
        %add3A_1549 = arith.addi %add3A_1548, %scan3A_1198 : i32
        %get3A_1550 = arith.index_cast %add3A_1549 : i32 to index
        %get3A_1551 = arith.constant 192 : index
        %get3A_1552 = tpu.vector_load %arg15[%get3A_1550, %get3A_1551] {strides = array<i32>} : memref<112x256xf32, #tpu.memory_space<vmem>>, vector<16xf32>,
        %mul3A_1553 = arith.mulf %get3A_1552, %gather3A_1218 : vector<16xf32>
        %add3A_1554 = arith.addf %add3A_1547, %mul3A_1553 : vector<16xf32>
        %add3A_1555 = arith.constant 9408 : i32
        %add3A_1556 = vector.broadcast %add3A_1555 : i32 to vector<16xi32>
        %add3A_1557 = arith.addi %add3A_1220, %add3A_1556 : vector<16xi32>
        tpu.vector_store_idx %arg16[%add3A_1557], %add3A_1554 : memref<12544xf32, #tpu.memory_space<vmem>>[vector<16xi32>], vector<16xf32>,
        %get3A_1558 = arith.index_cast %scan3A_1198 : i32 to index
        %get3A_1559 = arith.constant 208 : index
        %get3A_1560 = tpu.vector_load %arg14[%get3A_1558, %get3A_1559] {strides = array<i32>} : memref<112x256xf32, #tpu.memory_space<vmem>>, vector<16xf32>,
        %mul3A_1561 = arith.mulf %get3A_1560, %gather3A_1203 : vector<16xf32>
        %add3A_1562 = arith.constant 56 : i32
        %add3A_1563 = arith.addi %add3A_1562, %scan3A_1198 : i32
        %get3A_1564 = arith.index_cast %add3A_1563 : i32 to index
        %get3A_1565 = arith.constant 208 : index
        %get3A_1566 = tpu.vector_load %arg14[%get3A_1564, %get3A_1565] {strides = array<i32>} : memref<112x256xf32, #tpu.memory_space<vmem>>, vector<16xf32>,
        %mul3A_1567 = arith.mulf %get3A_1566, %gather3A_1208 : vector<16xf32>
        %add3A_1568 = arith.addf %mul3A_1561, %mul3A_1567 : vector<16xf32>
        %get3A_1569 = arith.index_cast %scan3A_1198 : i32 to index
        %get3A_1570 = arith.constant 208 : index
        %get3A_1571 = tpu.vector_load %arg15[%get3A_1569, %get3A_1570] {strides = array<i32>} : memref<112x256xf32, #tpu.memory_space<vmem>>, vector<16xf32>,
        %mul3A_1572 = arith.mulf %get3A_1571, %gather3A_1213 : vector<16xf32>
        %add3A_1573 = arith.addf %add3A_1568, %mul3A_1572 : vector<16xf32>
        %add3A_1574 = arith.constant 56 : i32
        %add3A_1575 = arith.addi %add3A_1574, %scan3A_1198 : i32
        %get3A_1576 = arith.index_cast %add3A_1575 : i32 to index
        %get3A_1577 = arith.constant 208 : index
        %get3A_1578 = tpu.vector_load %arg15[%get3A_1576, %get3A_1577] {strides = array<i32>} : memref<112x256xf32, #tpu.memory_space<vmem>>, vector<16xf32>,
        %mul3A_1579 = arith.mulf %get3A_1578, %gather3A_1218 : vector<16xf32>
        %add3A_1580 = arith.addf %add3A_1573, %mul3A_1579 : vector<16xf32>
        %add3A_1581 = arith.constant 10192 : i32
        %add3A_1582 = vector.broadcast %add3A_1581 : i32 to vector<16xi32>
        %add3A_1583 = arith.addi %add3A_1220, %add3A_1582 : vector<16xi32>
        tpu.vector_store_idx %arg16[%add3A_1583], %add3A_1580 : memref<12544xf32, #tpu.memory_space<vmem>>[vector<16xi32>], vector<16xf32>,
        %get3A_1584 = arith.index_cast %scan3A_1198 : i32 to index
        %get3A_1585 = arith.constant 224 : index
        %get3A_1586 = tpu.vector_load %arg14[%get3A_1584, %get3A_1585] {strides = array<i32>} : memref<112x256xf32, #tpu.memory_space<vmem>>, vector<16xf32>,
        %mul3A_1587 = arith.mulf %get3A_1586, %gather3A_1203 : vector<16xf32>
        %add3A_1588 = arith.constant 56 : i32
        %add3A_1589 = arith.addi %add3A_1588, %scan3A_1198 : i32
        %get3A_1590 = arith.index_cast %add3A_1589 : i32 to index
        %get3A_1591 = arith.constant 224 : index
        %get3A_1592 = tpu.vector_load %arg14[%get3A_1590, %get3A_1591] {strides = array<i32>} : memref<112x256xf32, #tpu.memory_space<vmem>>, vector<16xf32>,
        %mul3A_1593 = arith.mulf %get3A_1592, %gather3A_1208 : vector<16xf32>
        %add3A_1594 = arith.addf %mul3A_1587, %mul3A_1593 : vector<16xf32>
        %get3A_1595 = arith.index_cast %scan3A_1198 : i32 to index
        %get3A_1596 = arith.constant 224 : index
        %get3A_1597 = tpu.vector_load %arg15[%get3A_1595, %get3A_1596] {strides = array<i32>} : memref<112x256xf32, #tpu.memory_space<vmem>>, vector<16xf32>,
        %mul3A_1598 = arith.mulf %get3A_1597, %gather3A_1213 : vector<16xf32>
        %add3A_1599 = arith.addf %add3A_1594, %mul3A_1598 : vector<16xf32>
        %add3A_1600 = arith.constant 56 : i32
        %add3A_1601 = arith.addi %add3A_1600, %scan3A_1198 : i32
        %get3A_1602 = arith.index_cast %add3A_1601 : i32 to index
        %get3A_1603 = arith.constant 224 : index
        %get3A_1604 = tpu.vector_load %arg15[%get3A_1602, %get3A_1603] {strides = array<i32>} : memref<112x256xf32, #tpu.memory_space<vmem>>, vector<16xf32>,
        %mul3A_1605 = arith.mulf %get3A_1604, %gather3A_1218 : vector<16xf32>
        %add3A_1606 = arith.addf %add3A_1599, %mul3A_1605 : vector<16xf32>
        %add3A_1607 = arith.constant 10976 : i32
        %add3A_1608 = vector.broadcast %add3A_1607 : i32 to vector<16xi32>
        %add3A_1609 = arith.addi %add3A_1220, %add3A_1608 : vector<16xi32>
        tpu.vector_store_idx %arg16[%add3A_1609], %add3A_1606 : memref<12544xf32, #tpu.memory_space<vmem>>[vector<16xi32>], vector<16xf32>,
        %get3A_1610 = arith.index_cast %scan3A_1198 : i32 to index
        %get3A_1611 = arith.constant 240 : index
        %get3A_1612 = tpu.vector_load %arg14[%get3A_1610, %get3A_1611] {strides = array<i32>} : memref<112x256xf32, #tpu.memory_space<vmem>>, vector<16xf32>,
        %mul3A_1613 = arith.mulf %get3A_1612, %gather3A_1203 : vector<16xf32>
        %add3A_1614 = arith.constant 56 : i32
        %add3A_1615 = arith.addi %add3A_1614, %scan3A_1198 : i32
        %get3A_1616 = arith.index_cast %add3A_1615 : i32 to index
        %get3A_1617 = arith.constant 240 : index
        %get3A_1618 = tpu.vector_load %arg14[%get3A_1616, %get3A_1617] {strides = array<i32>} : memref<112x256xf32, #tpu.memory_space<vmem>>, vector<16xf32>,
        %mul3A_1619 = arith.mulf %get3A_1618, %gather3A_1208 : vector<16xf32>
        %add3A_1620 = arith.addf %mul3A_1613, %mul3A_1619 : vector<16xf32>
        %get3A_1621 = arith.index_cast %scan3A_1198 : i32 to index
        %get3A_1622 = arith.constant 240 : index
        %get3A_1623 = tpu.vector_load %arg15[%get3A_1621, %get3A_1622] {strides = array<i32>} : memref<112x256xf32, #tpu.memory_space<vmem>>, vector<16xf32>,
        %mul3A_1624 = arith.mulf %get3A_1623, %gather3A_1213 : vector<16xf32>
        %add3A_1625 = arith.addf %add3A_1620, %mul3A_1624 : vector<16xf32>
        %add3A_1626 = arith.constant 56 : i32
        %add3A_1627 = arith.addi %add3A_1626, %scan3A_1198 : i32
        %get3A_1628 = arith.index_cast %add3A_1627 : i32 to index
        %get3A_1629 = arith.constant 240 : index
        %get3A_1630 = tpu.vector_load %arg15[%get3A_1628, %get3A_1629] {strides = array<i32>} : memref<112x256xf32, #tpu.memory_space<vmem>>, vector<16xf32>,
        %mul3A_1631 = arith.mulf %get3A_1630, %gather3A_1218 : vector<16xf32>
        %add3A_1632 = arith.addf %add3A_1625, %mul3A_1631 : vector<16xf32>
        %add3A_1633 = arith.constant 11760 : i32
        %add3A_1634 = vector.broadcast %add3A_1633 : i32 to vector<16xi32>
        %add3A_1635 = arith.addi %add3A_1220, %add3A_1634 : vector<16xi32>
        tpu.vector_store_idx %arg16[%add3A_1635], %add3A_1632 : memref<12544xf32, #tpu.memory_space<vmem>>[vector<16xi32>], vector<16xf32>,
      }
      %scan3A_1196 = arith.constant 49 : i32
      %add3A_1197 = arith.addi %mul3A_2, %add3A_1190 : i32
      "tpu.region"() ({
        %run_scoped3A = tpu.sem_alloc : memref<!tpu.dma_semaphore, #tpu.memory_space<semaphore_mem>>
        %dma_start3A_1198 = arith.constant 0 : i32
        %dma_start3A_1199 = tpu.memref_slice %arg4[%add3A_1197, %dma_start3A_1198] : memref<1024x12544xf32, #tpu.memory_space<hbm>> -> memref<1x12544xf32, #tpu.memory_space<hbm>>
        %dma_start3A_1200 = tpu.memref_squeeze %dma_start3A_1199 : memref<1x12544xf32, #tpu.memory_space<hbm>> -> memref<12544xf32, #tpu.memory_space<hbm>>
        %dma_start3A_1201 = arith.constant 0 : i32
        %dma_start3A_1202 = tpu.memref_slice %arg4[%add3A_1197, %dma_start3A_1201] : memref<1024x12544xf32, #tpu.memory_space<hbm>> -> memref<1x12544xf32, #tpu.memory_space<hbm>>
        %dma_start3A_1203 = tpu.memref_squeeze %dma_start3A_1202 : memref<1x12544xf32, #tpu.memory_space<hbm>> -> memref<12544xf32, #tpu.memory_space<hbm>>
        tpu.enqueue_dma source(%arg16 : memref<12544xf32, #tpu.memory_space<vmem>>) target(%dma_start3A_1203 : memref<12544xf32, #tpu.memory_space<hbm>>) target_semaphore(%run_scoped3A : memref<!tpu.dma_semaphore, #tpu.memory_space<semaphore_mem>>)
        %dma_wait3A_1204 = arith.constant 0 : i32
        %dma_wait3A_1205 = tpu.memref_slice %arg4[%add3A_1197, %dma_wait3A_1204] : memref<1024x12544xf32, #tpu.memory_space<hbm>> -> memref<1x12544xf32, #tpu.memory_space<hbm>>
        %dma_wait3A_1206 = tpu.memref_squeeze %dma_wait3A_1205 : memref<1x12544xf32, #tpu.memory_space<hbm>> -> memref<12544xf32, #tpu.memory_space<hbm>>
        %dma_wait3A_1207 = arith.constant 0 : i32
        %dma_wait3A_1208 = tpu.memref_slice %arg4[%add3A_1197, %dma_wait3A_1207] : memref<1024x12544xf32, #tpu.memory_space<hbm>> -> memref<1x12544xf32, #tpu.memory_space<hbm>>
        %dma_wait3A_1209 = tpu.memref_squeeze %dma_wait3A_1208 : memref<1x12544xf32, #tpu.memory_space<hbm>> -> memref<12544xf32, #tpu.memory_space<hbm>>
        tpu.wait_dma2 semaphore(%run_scoped3A : memref<!tpu.dma_semaphore, #tpu.memory_space<semaphore_mem>>) src(%arg16 : memref<12544xf32, #tpu.memory_space<vmem>>) dst(%dma_wait3A_1209 : memref<12544xf32, #tpu.memory_space<hbm>>)
        tpu.yield
      }) : () -> ()
    }
    %scan3A_12 = arith.constant 16 : i32
    return
  }
}

</mosaic_0001>

<sc_bundles>
// kernel: kernel.3.cloned.1.call-start
scs
__scs_entry_jumppad:
0x0: {  	(pc) =	sbr.rel $0x88, $3  }
0x1: {  	(tag) =	ssettag $0x0;
	lr =	simm.s32 $0x1  }
0x2: {  	[smem:$0x3F9F] =	sst lr;
	_ =	strace $0xD0000000  }
0x3: {  	_ = 	snop  }
0x4: {  	_ = 	snop  }
0x5: {  	_ = 	snop  }
0x6: {  	_ = 	snop  }
0x7: {  	_ = 	snop  }
__scs_overlays_trampoline_lowered:
0x8: {  	[smem:$0x3FAE] =	sst s0  }
0x9: {  	[smem:$0x3FAF] =	sst s1  }
0xa: {  	[smem:$0x3FB0] =	sst s2  }
0xb: {  	[smem:$0x3FB1] =	sst s3  }
0xc: {  	[smem:$0x3FB2] =	sst s4  }
0xd: {  	[smem:$0x3FB3] =	sst s5  }
0xe: {  	[smem:$0x3FB4] =	sst s6  }
0xf: {  	[smem:$0x3FB5] =	sst s7  }
0x10: {  	[smem:$0x3FB6] =	sst s8  }
0x11: {  	[smem:$0x3FB7] =	sst s9;
	s0 =	simm.s32 @!p0 $0x0  }
0x12: {  	s1 =	sld [smem:$0x3F9D];
	s0 =	simm.s32 @p0 $0x1  }
0x13: {  	[smem:$0x3FB8] =	sst s0;
	s0 =	simm.s32 @!p1 $0x0  }
0x14: {  	s2 =	sld [smem:$0x3F9C];
	s0 =	simm.s32 @p1 $0x1  }
0x15: {  	[smem:$0x3FB9] =	sst s0;
	s0 =	simm.s32 @!p2 $0x0  }
0x16: {  	s3 =	sld [smem:$0x3FDB];
	s0 =	simm.s32 @p2 $0x1  }
0x17: {  	s4 =	simm.s32 $0x1BF5;
	[smem:$0x3FBB] =	sst s0  }
0x18: {  	s0 =	sld [smem:$0x3F9E];
	_ =	swait.ge [sflag:s4], $0x0  }
0x19: {  	s7 =	sld [smem:$0x3F9F]  }
0x1a: {  	s8 =	sadd.s32 $0xFFFFE003, lr  }
0x1b: {  	s9 =	sadd.s32 $0xFFFFFEF7, lr;
	s5 =	simm.s32 $0xFFFFFFFF;
	p2 =	slt.u32 s8, $0xFFFFF086  }
0x1c: {  	p1 =	slt.u32 s9, $0xF7A;
	s5 =	simm.s32 @!p2 $0x0  }
0x1d: {  	s5 =	simm.s32 @p1 $0x1;
	p0 =	seq.s32 s7, s2  }
0x1e: {  	s7 =	smul.u32 @!p0 $0xF7A, s2;
	p2 =	seq.s32 @!p0 s5, $0x0  }
0x1f: {  	s9 =	smul.u32 $0xF7A, s1;
	s8 =	simm.s32 @!p0 $0x1BF5;
	p2 =	por !p2, p0  }
0x20: {  	[sflag:s8] =	ssyncset.s32 @!p0 $0xFFFFF086;
	s6 =	sadd.s32 @!p0 s3, s7;
	s7 =	simm.s32 @!p0 $0x108  }
0x21: {  	s3 =	sadd.s32 s3, s9;
	s6 =	sadd.s32 @!p0 $0x88, s6;
	s7 =	simm.s32 @p2 $0x1082  }
0x22: {  	[simem:s7], [sflag:s8] =	dma.local @!p0 [hbm:s6], $0xF7A  }
0x23: {  	s9 =	sor.u32 $0xD0000000, s2;
	s6 =	simm.s32 $0x108;
	_ =	swait.ge @!p0 [sflag:s8], $0x0  }
0x24: {  	s3 =	sadd.s32 $0x88, s3;
	s6 =	simm.s32 @!p1 $0x1082;
	[sflag:s4] =	ssyncset.s32 $0xFFFFF086  }
0x25: {  	[simem:s6], [sflag:s4] =	dma.local [hbm:s3], $0xF7A  }
0x26: {  	[smem:$0x3F9F] =	sst s1;
	(tag) =	ssettag s2;
	_ =	strace s9  }
0x27: {  	s1 =	sld [smem:$0x3FAF]  }
0x28: {  	s2 =	sld [smem:$0x3FB0]  }
0x29: {  	s4 =	sld [smem:$0x3FB2]  }
0x2a: {  	p0 =	seq.s32 s5, $0x0;
	s5 =	sld [smem:$0x3FB3]  }
0x2b: {  	s6 =	sld [smem:$0x3FB4]  }
0x2c: {  	s7 =	sld [smem:$0x3FB5]  }
0x2d: {  	s3 =	simm.s32 $0x108;
	s8 =	sld [smem:$0x3FB6]  }
0x2e: {  	s3 =	simm.s32 @!p0 $0x1082;
	s9 =	sld [smem:$0x3FB7]  }
0x2f: {  	lr =	sadd.s32 s0, s3;
	s0 =	sld [smem:$0x3FAE]  }
0x30: {  	s3 =	sld [smem:$0x3FB1]  }
0x31: {  	[smem:$0x3FBA] =	sst s10  }
0x32: {  	s10 =	sld [smem:$0x3FB8];
	_ =	sdelay $0x3  }
0x33: {  	p0 =	seq.s32 s10, $0x1;
	s10 =	sld [smem:$0x3FBA];
	_ =	sdelay $0x3  }
0x34: {  	[smem:$0x3FBA] =	sst s10  }
0x35: {  	s10 =	sld [smem:$0x3FB9];
	_ =	sdelay $0x3  }
0x36: {  	p1 =	seq.s32 s10, $0x1;
	s10 =	sld [smem:$0x3FBA];
	_ =	sdelay $0x3  }
0x37: {  	[smem:$0x3FBA] =	sst s10  }
0x38: {  	s10 =	sld [smem:$0x3FBB]  }
0x39: {  	_ = 	snop;
	(pc) =	sbr.ind lr, $3  }
0x3a: {  	_ = 	snop  }
0x3b: {  	_ = 	snop  }
0x3c: {  	p2 =	seq.s32 s10, $0x1;
	s10 =	sld [smem:$0x3FBA]  }
0x3d: {  	_ =	shalt  }
0x3e: {  	_ =	shalt  }
0x3f: {  	_ =	shalt  }
0x40: {  	_ =	shalt  }
0x41: {  	_ =	shalt  }
0x42: {  	_ =	shalt  }
0x43: {  	_ =	shalt  }
0x44: {  	_ =	shalt  }
0x45: {  	_ =	shalt  }
0x46: {  	_ =	shalt  }
0x47: {  	_ =	shalt  }
0x48: {  	_ =	shalt  }
0x49: {  	_ =	shalt  }
0x4a: {  	_ =	shalt  }
0x4b: {  	_ =	shalt  }
0x4c: {  	_ =	shalt  }
0x4d: {  	_ =	shalt  }
0x4e: {  	_ =	shalt  }
0x4f: {  	_ =	shalt  }
0x50: {  	_ =	shalt  }
0x51: {  	_ =	shalt  }
0x52: {  	_ =	shalt  }
0x53: {  	_ =	shalt  }
0x54: {  	_ =	shalt  }
0x55: {  	_ =	shalt  }
0x56: {  	_ =	shalt  }
0x57: {  	_ =	shalt  }
0x58: {  	_ =	shalt  }
0x59: {  	_ =	shalt  }
0x5a: {  	_ =	shalt  }
0x5b: {  	_ =	shalt  }
0x5c: {  	_ =	shalt  }
0x5d: {  	_ =	shalt  }
0x5e: {  	_ =	shalt  }
0x5f: {  	_ =	shalt  }
0x60: {  	_ =	shalt  }
0x61: {  	_ =	shalt  }
0x62: {  	_ =	shalt  }
0x63: {  	_ =	shalt  }
0x64: {  	_ =	shalt  }
0x65: {  	_ =	shalt  }
0x66: {  	_ =	shalt  }
0x67: {  	_ =	shalt  }
0x68: {  	_ =	shalt  }
0x69: {  	_ =	shalt  }
0x6a: {  	_ =	shalt  }
0x6b: {  	_ =	shalt  }
0x6c: {  	_ =	shalt  }
0x6d: {  	_ =	shalt  }
0x6e: {  	_ =	shalt  }
0x6f: {  	_ =	shalt  }
0x70: {  	_ =	shalt  }
0x71: {  	_ =	shalt  }
0x72: {  	_ =	shalt  }
0x73: {  	_ =	shalt  }
0x74: {  	_ =	shalt  }
0x75: {  	_ =	shalt  }
0x76: {  	_ =	shalt  }
0x77: {  	_ =	shalt  }
0x78: {  	_ =	shalt  }
0x79: {  	_ =	shalt  }
0x7a: {  	_ =	shalt  }
0x7b: {  	_ =	shalt  }
0x7c: {  	_ =	shalt  }
0x7d: {  	_ =	shalt  }
0x7e: {  	_ =	shalt  }
0x7f: {  	_ =	shalt  }
0x80: {  	_ =	shalt  }
0x81: {  	_ =	shalt  }
0x82: {  	_ =	shalt  }
0x83: {  	_ =	shalt  }
0x84: {  	_ =	shalt  }
0x85: {  	_ =	shalt  }
0x86: {  	_ =	shalt  }
0x87: {  	_ =	shalt  }
.Lfunc_end0:
.L_simem_size_0:
called_computation.1_lowered:
.L_overlay_start_0:
0x88: {  	s2 =	sld [smem:$0x3FD9]  }
0x89: {  	s3 =	sld [smem:$0x3FFE];
	_ =	sdelay $0x1  }
0x8a: {  	s1 =	srdreg.scid  }
0x8b: {  	s0 =	sand.u32 $0x1, s1  }
0x8c: {  	s17 =	sshll.u32 s0, $0xA;
	s2 =	sadd.s32 s3, s2  }
0x8d: {  	s2 =	sadd.s32 s2, s17  }
0x8e: {  	[smem:$0x3FC6] =	sst s2  }
0x8f: {  	_ = 	snop  }
0x90: {  	s2 =	sld [smem:$0x3FD0];
	(tm) =	ssettm $0x1  }
0x91: {  	s18 =	sld [smem:$0x3FFB];
	_ =	sdelay $0x3  }
0x92: {  	_ =	strace s18  }
0x93: {  	s3 =	sld [smem:$0x3FFC];
	_ =	sdelay $0x3  }
0x94: {  	_ =	strace s3  }
0x95: {  	s3 =	sld [smem:$0x3FFD];
	_ =	sdelay $0x3  }
0x96: {  	_ =	strace s3  }
0x97: {  	_ =	strace $0x8FFFFFFF  }
0x98: {  	s19 =	sld [smem:$0x3FDB];
	_ =	sdelay $0x1  }
0x99: {  	s4 =	simm.s32 $_scs_section_size  }
0x9a: {  	s5 =	simm.s32 $_size__tile_overlayer_lowered;
	s6 =	simm.s32 $_tile_overlayer_lowered  }
0x9b: {  	s22 =	simm.s32 $0x1BFF;
	s21 =	sshll.u32 s6, $0x1;
	s3 =	sadd.s32 s4, s19  }
0x9c: {  	s7 =	simm.s32 $0x0;
	s20 =	sshll.u32 s5, $0x1;
	s5 =	sadd.s32 s21, s3  }
0x9d: {  	[timem:s7], [sflag:s22] =	dma.local [hbm:s5], s20  }
0x9e: {  	_ =	swait.ge [sflag:s22], s20  }
0x9f: {  	s4 =	ssub.s32 $0x0, s20;
	[sflag:s22] =	ssyncset.done $0x0  }
0xa0: {  	[sflag:s22] =	ssyncadd.s32 s4;
	_ =	sdelay $0x1  }
0xa1: {  	s23 =	simm.s32 $0x1B8B  }
0xa2: {  	_ =	swait.ge [sflag:s23], $0x1  }
0xa3: {  	[sflag:s23] =	ssyncset.done $0x0  }
0xa4: {  	s25 =	simm.s32 $0x1B8E;
	s24 =	sld [smem:$0x3FFE];
	[sflag:s23] =	ssyncadd.s32 $0xFFFFFFFF  }
0xa5: {  	s26 =	simm.s32 $execute0_lowered;
	[smem:$0x3FD2] =	sst s25  }
0xa6: {  	s5 =	sshll.u32 s26, $0x1;
	_ =	strace $0x80000046;
	[dreg:$0x1] =	wrdreg $0xFFFFFFFF  }
0xa7: {  	s28 =	simm.s32 $_size_execute0_lowered;
	s3 =	sadd.s32 s3, s5;
	[dreg:$0x0] =	wrdreg $0x0  }
0xa8: {  	s5 =	sshll.u32 s28, $0x1;
	[dreg:$0x2] =	wrdreg s3  }
0xa9: {  	[dreg:$0x3] =	wrdreg s5  }
0xaa: {  	[dreg:$0x4] =	wrdreg $0xC0  }
0xab: {  	_ =	task [dreg:s7], $0x5FFFF  }
0xac: {  	[dreg:$0x1] =	wrdreg $0xFFFFFFFF  }
0xad: {  	[dreg:$0x0] =	wrdreg $0x60  }
0xae: {  	[dreg:$0x2] =	wrdreg s2  }
0xaf: {  	[dreg:$0x3] =	wrdreg s24  }
0xb0: {  	[dreg:$0x4] =	wrdreg $0x9  }
0xb1: {  	_ =	task.clear_ibuf [dreg:s7], $0x5FFFF;
	_ =	strace $0x90000046  }
0xb2: {  	s29 =	simm.s32 $0x9;
	_ =	strace $0x80000048  }
0xb3: {  	_ =	swait.ge [sflag:s29], $0x1  }
0xb4: {  	[sflag:s29] =	ssyncadd.s32 $0xFFFFFFFF  }
0xb5: {  	_ =	strace $0x90000048  }
0xb6: {  	_ =	sfence  }
0xb7: {  	s30 =	sld [smem:$0x0];
	_ =	sdelay $0x2  }
0xb8: {  	s31 =	sshll.u32 s1, $0xD;
	s1 =	sshrl.u32 s1, $0x2  }
0xb9: {  	s3 =	sand.u32 $0x4000, s31;
	s1 =	sadd.s32 s1, s30  }
0xba: {  	s0 =	sor.u32 s3, s0;
	s1 =	sshll.u32 s1, $0x11  }
0xbb: {  	s0 =	sor.u32 s1, s0  }
0xbc: {  	s0 =	sadd.s32 $0x8F2B, s0  }
0xbd: {  	[sflag:s0] =	ssyncadd.remote.s32 $0x1  }
0xbe: {  	_ =	sfence.sel $0xFFFF  }
0xbf: {  	[dreg:$0x0] =	wrdreg $0xFFFFFFFF;
	(pc) =	sbr.abs _section_cstart, $3  }
0xc0: {  	[dreg:$0x1] =	wrdreg $0xFFFFFFFF  }
0xc1: {  	_ =	task.clear_ibuf [dreg:s7], $0x2FFFF;
	_ =	strace $0x9FFFFFFF  }
0xc2: {  	(tm) =	ssettm $0x7FFFFFFF  }
0xc3: {  	_ =	shalt  }
tec
execute0_lowered:
.L_overlay_start_1:
0x0: {  	(tag) =	ssettag $0x1  }
0x1: {  	vm0 =	vcmask $0x1B00  }
0x2: {  	v0 =	vimm.f32 $3.333333430e-01;
	vm12 =	vcmask $0x300;
	v1 =	vimm.f32 $1.666666720e-01  }
0x3: {  	vm10 =	vcmask $0xB08;
	vm9 =	vcmask $0xF0C;
	v2 =	vimm.f32 $5.000000000e-01  }
0x4: {  	vm8 =	vcmask $0x1310;
	vm4 =	vcmask $0x1714;
	vm5 =	vcmask $0x1B18  }
0x5: {  	vm6 =	vcmask $0x1F1C;
	vm7 =	vcmask $0x2724;
	vm2 =	vcmask $0x2B28  }
0x6: {  	vm3 =	vcmask $0x2F2C;
	vm1 =	vcmask $0x3330;
	vm13 =	vcmask $0x371C  }
0x7: {  	v3 =	vimm.f32 $6.666666860e-01;
	vm11 =	vcmask $0x3734;
	v2 =	vsel vm12, $0x3EAAAAAB, v2  }
0x8: {  	v4 =	vimm.f32 $1.000000000e+00;
	vm14 =	vcmask $0xB00;
	v2 =	vsel vm10, $0x3F2AAAAB, v2  }
0x9: {  	vm15 =	vcmask $0x270C;
	v8 =	vimm.f32 $1.166666750e+00;
	v2 =	vsel vm9, $0x3F555556, v2  }
0xa: {  	v0 =	vsel vm0, $0x0, v0;
	v1 =	vsel vm12, $0x0, v1;
	v2 =	vsel vm8, $0x3F800000, v2  }
0xb: {  	vm0 =	vcmask $0x1300;
	v7 =	vsel vm12, $0x3F555556, v4;
	v2 =	vsel vm4, $0x0, v2  }
0xc: {  	v4 =	vsel vm14, $0x3F2AAAAB, v4;
	v1 =	vsel vm10, $0x3EAAAAAB, v1;
	v2 =	vsel vm5, $0x3E2AAAAB, v2  }
0xd: {  	v5 =	vsel vm0, $0x3EAAAAAB, v3;
	vm0 =	vmmov $0xffff;
	v2 =	vsel vm6, $0x3EAAAAAB, v2  }
0xe: {  	v0 =	vsel vm13, $0x3E2AAAAB, v0;
	vm13 =	vcmask $0x3B38;
	v2 =	vsel vm7, $0x3F2AAAAB, v2  }
0xf: {  	v7 =	vsel vm10, $0x0, v7;
	v4 =	vsel vm15, $0x3F555556, v4;
	v2 =	vsel vm2, $0x3F555556, v2  }
0x10: {  	v1 =	vsel vm9, $0x3F000000, v1;
	v7 =	vsel vm9, $0x3E2AAAAB, v7;
	v2 =	vsel vm3, $0x3F800000, v2  }
0x11: {  	v1 =	vsel vm8, $0x3F2AAAAB, v1;
	v7 =	vsel vm8, $0x3EAAAAAB, v7;
	v2 =	vsel vm1, $0x0, v2  }
0x12: {  	v1 =	vsel vm4, $0x3F555556, v1;
	v3 =	vsel vm11, $0x3E2AAAAB, v2;
	v2 =	vimm.f32 $8.333333730e-01  }
0x13: {  	v7 =	vsel vm4, $0x3F000000, v7;
	v1 =	vsel vm5, $0x3F800000, v1;
	v6 =	vsel vm12, $0x3F2AAAAB, v2  }
0x14: {  	v7 =	vsel vm5, $0x3F2AAAAB, v7;
	v1 =	vsel vm6, $0x0, v1;
	v6 =	vsel vm10, $0x3F800000, v6  }
0x15: {  	s0 =	rddreg [dreg:$0x0];
	v7 =	vsel vm6, $0x3F555556, v7;
	v1 =	vsel vm7, $0x3EAAAAAB, v1;
	v6 =	vsel vm9, $0x0, v6  }
0x16: {  	s1 =	rddreg [dreg:$0x1];
	s2 =	srdreg.scid;
	s7 =	simm.s32 $0x1A580;
	v7 =	vsel vm7, $0x0, v7;
	v1 =	vsel vm2, $0x3F000000, v1;
	v6 =	vsel vm8, $0x3E2AAAAB, v6  }
0x17: {  	s4 =	simm.s32 $0x0;
	s3 =	stileid.u32;
	s8 =	simm.s32 $0x3;
	v7 =	vsel vm2, $0x3E2AAAAB, v7;
	v1 =	vsel vm3, $0x3F2AAAAB, v1;
	v6 =	vsel vm4, $0x3EAAAAAB, v6  }
0x18: {  	s10 =	simm.s32 $0x1;
	s9 =	simm.s32 $0x1AD80;
	s11 =	simm.s32 $0x1B580;
	v7 =	vsel vm3, $0x3EAAAAAB, v7;
	v1 =	vsel vm1, $0x3F555556, v1;
	v6 =	vsel vm5, $0x3F000000, v6  }
0x19: {  	s12 =	simm.s32 $0x1BD80;
	s13 =	simm.s32 $0x280;
	s14 =	simm.s32 $0x1C580;
	v7 =	vsel vm1, $0x3F000000, v7;
	v1 =	vsel vm11, $0x3F800000, v1;
	v6 =	vsel vm6, $0x3F2AAAAB, v6  }
0x1a: {  	s15 =	simm.s32 $0x80;
	s16 =	simm.s32 $0x400;
	s17 =	simm.s32 $0x2;
	v9 =	vsel vm11, $0x3F2AAAAB, v7;
	v1 =	vsel vm13, $0x0, v1;
	v6 =	vsel vm7, $0x3F800000, v6  }
0x1b: {  	s18 =	simm.s32 $0xE480;
	s20 =	simm.s32 $0x0;
	s2 =	sand.u32 $0x1, s2;
	v2 =	vimm.f32 $0.0e+00;
	v3 =	vsel vm13, $0x3EAAAAAB, v3;
	v6 =	vsel vm2, $0x0, v6  }
0x1c: {  	[smem:$0x7FF] =	sst s4;
	s3 =	sshll.u32 s3, $0x6;
	s29 =	sshll.u32 s2, $0x5;
	vm12 =	vcmask $0x2F14;
	v9 =	vsel vm13, $0x3F555556, v9;
	v6 =	vsel vm3, $0x3E2AAAAB, v6  }
0x1d: {  	s5 =	sadd.s32 $0xC00, s1;
	s2 =	ssub.s32 $0x2, s2;
	s4 =	sor.u32 s29, s3;
	v5 =	vsel vm12, $0x3F000000, v5;
	vm2 =	vcmask $0x700;
	v6 =	vsel vm1, $0x3EAAAAAB, v6  }
0x1e: {  	_ =	strace $0x80000047;
	s6 =	sshrl.u32 s2, $0x1;
	s3 =	sadd.s32 s4, s1;
	v8 =	vsel vm2, $0x3F555556, v8;
	vm1 =	vcmask $0x2308;
	v6 =	vsel vm11, $0x3F000000, v6  }
0x1f: {  	s30 =	ssub.s32 s2, s6;
	s2 =	simm.s32 $0x18D80;
	s31 =	sadd.s32 $0x800, s3;
	v7 =	vsel vm1, $0x3F800000, v8;
	vm1 =	vcmask $0x2300;
	v8 =	vlaneseq.u32  }
0x20: {  	s6 =	simm.s32 $0x19D80;
	s1 =	smax.u32 s30, $0x1;
	[dreg:$0x3] =	wrdreg s31;
	v6 =	vsel vm13, $0x3F2AAAAB, v6;
	v10 =	vsel vm1, $0x3F800000, v2;
	v12 =	vshrl.u32 v8, $0x3  }
0x21: {  	s3 =	simm.s32 $0x19580;
	[dreg:$0x4] =	wrdreg s1;
	s1 =	simm.s32 $0x18580;
	v11 =	vand.u32 $0x7, v8;
	v13 =	vor.u32 $0x8, v8;
	v12 =	vmul.u32 $0x8, v12  }
.LBB2_1:
0x22: {  	[dreg:$0x5] =	wrdreg s20  }
0x23: {  	s19 =	simm.s32 $0x0;
	s31 =	rddreg [dreg:$0x3]  }
0x24: {  	[tilespmem:s19], [sflag:$0x3] =	stream.linear.gather [hbm4b:s31+s19], $0x100, $0x38;
	[tilespmem:$0x1F680] =	vst v63  }
0x25: {  	_ =	swait.ge [sflag:s8], $0x100  }
0x26: {  	[sflag:s8] =	ssyncset.done $0x0  }
0x27: {  	s19 =	simm.s32 $0x0;
	[sflag:s8] =	ssyncadd.s32 $0xFFFFFF00  }
.LBB2_2:
0x28: {  	s20 =	sshll.u32 s19, $0x4  }
0x29: {  	s21 =	sor.u32 $0x1, s20  }
0x2a: {  	s25 =	sor.u32 $0x2, s20;
	v14 =	vmov s21  }
0x2b: {  	s28 =	sor.u32 $0x4, s20;
	v15 =	vmov s25;
	v14 =	vbroadcast v14, $0x0  }
0x2c: {  	s26 =	sor.u32 $0x3, s20;
	v17 =	vmov s28;
	v15 =	vbroadcast v15, $0x0  }
0x2d: {  	v16 =	vmov s26;
	v17 =	vbroadcast v17, $0x0  }
0x2e: {  	v16 =	vbroadcast v16, $0x0;
	_ =	sdelay $0x1  }
0x2f: {  	s21 =	simm.s32 $0x0  }
0x30: {  	v14 =	vld.idx.msk [tilespmem:v14+s21+$0x0], $0xffff  }
0x31: {  	v15 =	vld.idx.msk [tilespmem:v15+s21+$0x0], $0xffff  }
0x32: {  	v18 =	vmov s20;
	v17 =	vld.idx.msk [tilespmem:v17+s21+$0x0], $0xffff  }
0x33: {  	v18 =	vbroadcast v18, $0x0;
	v16 =	vld.idx.msk [tilespmem:v16+s21+$0x0], $0xffff;
	_ =	sdelay $0x3  }
0x34: {  	v17 =	vsub.f32 v17, v15  }
0x35: {  	v16 =	vsub.f32 v16, v14  }
0x36: {  	v18 =	vld.idx.msk [tilespmem:v18+s21+$0x0], $0xffff;
	v19 =	vmul.f32 v0, v17  }
0x37: {  	v20 =	vmul.f32 v1, v16  }
0x38: {  	v19 =	vadd.f32 v19, v15  }
0x39: {  	v20 =	vadd.f32 v20, v14  }
0x3a: {  	v19 =	vmul.f32 $6.250000000e-02, v19  }
0x3b: {  	v18 =	vtrunc.f32 v18;
	v20 =	vmul.f32 $6.250000000e-02, v20  }
0x3c: {  	v18 =	vcvt.f32.s32 v18;
	v21 =	vtrunc.f32 v19  }
0x3d: {  	v22 =	vtrunc.f32 v20;
	v21 =	vcvt.f32.s32 v21  }
0x3e: {  	v18 =	vshll.u32 v18, $0xC;
	v47 =	vmul.f32 v4, v17;
	v22 =	vcvt.f32.s32 v22  }
0x3f: {  	vm1 =	vle.f32 v19, $6.300000000e+01;
	vm2 =	vle.f32 v20, $6.300000000e+01;
	v23 =	vcvt.s32.f32 v21  }
0x40: {  	vm1 =	vmand vm2, vm1;
	v24 =	vcvt.s32.f32 v22;
	v21 =	vshll.u32 v21, $0x6  }
0x41: {  	v22 =	vadd.s32 v22, v18;
	v23 =	vsub.f32 v19, v23;
	v19 =	vmul.f32 v5, v17  }
0x42: {  	v21 =	vadd.s32 v21, v22;
	v24 =	vsub.f32 v20, v24;
	v20 =	vmul.f32 v3, v16  }
0x43: {  	v25 =	vsel vm1, $0x3F800000, v2;
	vm1 =	vgt.s32 v21, $0x0;
	v19 =	vadd.f32 v19, v15  }
0x44: {  	v21 =	vnsel vm1, $0x0, v21;
	v20 =	vadd.f32 v20, v14;
	v22 =	vsub.f32 $1.000000000e+00, v23  }
0x45: {  	v23 =	vmul.f32 v25, v23;
	v21 =	vmin.u32 v21, $0x42FE;
	v19 =	vmul.f32 $6.250000000e-02, v19  }
0x46: {  	v20 =	vmul.f32 $6.250000000e-02, v20;
	v22 =	vmul.f32 v22, v25;
	v25 =	vsub.f32 $1.000000000e+00, v24  }
0x47: {  	v17 =	vmul.f32 v7, v17;
	v28 =	vadd.s32 $0x1, v21;
	v26 =	vtrunc.f32 v19  }
0x48: {  	v30 =	vadd.s32 $0x40, v21;
	v27 =	vtrunc.f32 v20;
	v29 =	vmul.f32 v22, v25  }
0x49: {  	v33 =	vadd.s32 $0x41, v21;
	v26 =	vcvt.f32.s32 v26;
	v27 =	vcvt.f32.s32 v27  }
0x4a: {  	v22 =	vmul.f32 v22, v24;
	vm1 =	vle.f32 v19, $6.300000000e+01;
	vm2 =	vle.f32 v20, $6.300000000e+01  }
0x4b: {  	vm1 =	vmand vm2, vm1;
	v31 =	vcvt.s32.f32 v26;
	v32 =	vcvt.s32.f32 v27  }
0x4c: {  	[tilespmem:$0x180] =	vst v21;
	v25 =	vmul.f32 v23, v25;
	v23 =	vmul.f32 v23, v24;
	v21 =	vsel vm1, $0x3F800000, v2  }
0x4d: {  	v24 =	vsub.f32 v19, v31;
	v31 =	vsub.f32 v20, v32;
	v19 =	vmul.f32 v6, v16  }
0x4e: {  	v20 =	vshll.u32 v26, $0x6;
	v26 =	vadd.s32 v27, v18;
	v27 =	vadd.f32 v47, v15  }
0x4f: {  	v16 =	vmul.f32 v9, v16;
	v15 =	vadd.f32 v17, v15;
	v20 =	vadd.s32 v20, v26  }
0x50: {  	v19 =	vadd.f32 v19, v14;
	vm2 =	vgt.s32 v20, $0x0;
	v26 =	vsub.f32 $1.000000000e+00, v24  }
0x51: {  	[tilespmem:$0x200] =	vst v30;
	v27 =	vmul.f32 $6.250000000e-02, v27;
	v30 =	vsub.f32 $1.000000000e+00, v31;
	v14 =	vadd.f32 v16, v14  }
0x52: {  	[tilespmem:$0x1B8] =	vst v28;
	v15 =	vmul.f32 $6.250000000e-02, v15;
	v20 =	vnsel vm2, $0x0, v20;
	v19 =	vmul.f32 $6.250000000e-02, v19  }
0x53: {  	[tilespmem:$0x238] =	vst v33;
	v20 =	vmin.u32 v20, $0x42FE;
	v26 =	vmul.f32 v26, v21;
	v28 =	vtrunc.f32 v27  }
0x54: {  	[tilespmem:$0x280] =	vst v29;
	v21 =	vmul.f32 v21, v24;
	vm1 =	vle.f32 v27, $6.300000000e+01;
	v14 =	vmul.f32 $6.250000000e-02, v14  }
0x55: {  	[tilespmem:$0x2B8] =	vst v22;
	v28 =	vcvt.f32.s32 v28;
	v49 =	vadd.s32 $0x1, v20;
	v48 =	vtrunc.f32 v19  }
0x56: {  	[tilespmem:$0x2F0] =	vst v25;
	v29 =	vadd.s32 $0x40, v20;
	v50 =	vmul.f32 v26, v30;
	v26 =	vmul.f32 v26, v31  }
0x57: {  	[tilespmem:$0x328] =	vst v23;
	v22 =	vadd.s32 $0x41, v20;
	v24 =	vcvt.f32.s32 v48;
	v34 =	vcvt.s32.f32 v28  }
0x58: {  	[tilespmem:$0x190] =	vst v20;
	v25 =	vmul.f32 v21, v30;
	v21 =	vmul.f32 v21, v31;
	vm2 =	vle.f32 v19, $6.300000000e+01  }
0x59: {  	[tilespmem:$0x1C8] =	vst v49;
	vm1 =	vmand vm2, vm1;
	v35 =	vcvt.s32.f32 v24;
	v30 =	vsub.f32 v27, v34  }
0x5a: {  	vm2 =	vle.f32 v14, $6.300000000e+01;
	[tilespmem:$0x300] =	vst v25;
	v25 =	vtrunc.f32 v14;
	v20 =	vadd.s32 v24, v18  }
0x5b: {  	[tilespmem:$0x210] =	vst v29;
	v23 =	vsub.f32 v19, v35;
	v19 =	vshll.u32 v28, $0x6;
	v24 =	vsub.f32 $1.000000000e+00, v30  }
0x5c: {  	[tilespmem:$0x248] =	vst v22;
	v27 =	vsel vm1, $0x3F800000, v2;
	v25 =	vcvt.f32.s32 v25;
	v19 =	vadd.s32 v19, v20  }
0x5d: {  	[tilespmem:$0x290] =	vst v50;
	v16 =	vmul.f32 v27, v30;
	v17 =	vmul.f32 v24, v27;
	vm1 =	vgt.s32 v19, $0x0  }
0x5e: {  	[tilespmem:$0x2C8] =	vst v26;
	v20 =	vsub.f32 $1.000000000e+00, v23;
	v24 =	vtrunc.f32 v15;
	v19 =	vnsel vm1, $0x0, v19  }
0x5f: {  	[tilespmem:$0x338] =	vst v21;
	v18 =	vadd.s32 v25, v18;
	v24 =	vcvt.f32.s32 v24;
	v19 =	vmin.u32 v19, $0x42FE  }
0x60: {  	v22 =	vmul.f32 v17, v20;
	v17 =	vmul.f32 v17, v23;
	v21 =	vadd.s32 $0x1, v19;
	[tilespmem:$0x1A0] =	vst v19  }
0x61: {  	v20 =	vmul.f32 v16, v20;
	v16 =	vmul.f32 v16, v23;
	v23 =	vld [tilespmem:$0x180];
	v26 =	vadd.s32 $0x40, v19;
	[tilespmem:$0x1D8] =	vst v21  }
0x62: {  	v19 =	vadd.s32 $0x41, v19;
	v21 =	vcvt.s32.f32 v24;
	[tilespmem:$0x220] =	vst v26;
	v24 =	vshll.u32 v24, $0x6  }
0x63: {  	vm1 =	vle.f32 v15, $6.300000000e+01;
	v26 =	vcvt.s32.f32 v25;
	[tilespmem:$0x258] =	vst v19;
	v18 =	vadd.s32 v24, v18  }
0x64: {  	vm1 =	vmand vm2, vm1;
	[tilespmem:$0x2A0] =	vst v22;
	v15 =	vsub.f32 v15, v21;
	vm2 =	vgt.s32 v18, $0x0  }
0x65: {  	[tilespmem:$0x2D8] =	vst v17;
	v17 =	vnsel vm1, $0x0, v10;
	v14 =	vsub.f32 v14, v26;
	v18 =	vnsel vm2, $0x0, v18  }
0x66: {  	[tilespmem:$0x310] =	vst v20;
	v20 =	vshll.u32 v23, $0x1;
	v21 =	vand.u32 $0x7, v23;
	v19 =	vsub.f32 $1.000000000e+00, v15  }
0x67: {  	[tilespmem:$0x348] =	vst v16;
	v18 =	vmin.u32 v18, $0x42FE;
	v20 =	vand.u32 $0xFFFFFFF0, v20;
	v22 =	vsub.f32 $1.000000000e+00, v14  }
0x68: {  	v16 =	vadd.s32 $0x1, v18;
	[tilespmem:$0x1A8] =	vst v18;
	v20 =	vor.u32 v21, v20;
	v19 =	vmul.f32 v19, v17  }
0x69: {  	[tilespmem:$0x1E0] =	vst v16;
	v16 =	vadd.s32 $0x40, v18;
	v21 =	vperm.xlane v20, v11  }
0x6a: {  	v15 =	vmul.f32 v17, v15;
	[tilespmem:$0x228] =	vst v16;
	v16 =	vadd.s32 $0x41, v18;
	v17 =	vmul.f32 v19, v22  }
0x6b: {  	[tilespmem:$0x260] =	vst v16;
	v16 =	vmul.f32 v19, v14;
	v18 =	vadd.s32 v12, v21;
	v19 =	vperm.xlane v20, v13  }
0x6c: {  	v14 =	vmul.f32 v15, v14;
	[tilespmem:$0x2A8] =	vst v17  }
0x6d: {  	v17 =	vmul.f32 v15, v22;
	[tilespmem:$0x2E0] =	vst v16;
	v15 =	vadd.s32 v12, v19  }
0x6e: {  	[tilespmem:$0x350] =	vst v14  }
0x6f: {  	s29 =	simm.s32 $0x380;
	[tilespmem:$0x318] =	vst v17  }
0x70: {  	[tilespmem:s29], [sflag:$0x1] =	stream.indirect_vreg.gather [hbm4b:s0+s21], $0x80, v18, vm0, $0xb8;
	[tilespmem:$0x1F680] =	vst v63  }
0x71: {  	s30 =	simm.s32 $0xB80  }
0x72: {  	[tilespmem:s30], [sflag:$0x1] =	stream.indirect_vreg.gather [hbm4b:s0+s21], $0x80, v15, vm0, $0xb8;
	[tilespmem:$0x1F680] =	vst v63  }
0x73: {  	v14 =	vld [tilespmem:$0x190];
	_ =	sdelay $0x4  }
0x74: {  	v15 =	vshll.u32 v14, $0x1  }
0x75: {  	v14 =	vand.u32 $0x7, v14;
	v15 =	vand.u32 $0xFFFFFFF0, v15  }
0x76: {  	v14 =	vor.u32 v14, v15  }
0x77: {  	v15 =	vperm.xlane v14, v11;
	_ =	sdelay $0x1  }
0x78: {  	v14 =	vperm.xlane v14, v13;
	v15 =	vadd.s32 v12, v15;
	_ =	sdelay $0x1  }
0x79: {  	v14 =	vadd.s32 v12, v14;
	_ =	sdelay $0x1  }
0x7a: {  	s31 =	simm.s32 $0x1380  }
0x7b: {  	[tilespmem:s31], [sflag:$0x1] =	stream.indirect_vreg.gather [hbm4b:s0+s21], $0x80, v15, vm0, $0xb8;
	[tilespmem:$0x1F680] =	vst v63  }
0x7c: {  	s22 =	simm.s32 $0x1B80  }
0x7d: {  	[tilespmem:s22], [sflag:$0x1] =	stream.indirect_vreg.gather [hbm4b:s0+s21], $0x80, v14, vm0, $0xb8;
	[tilespmem:$0x1F680] =	vst v63  }
0x7e: {  	v14 =	vld [tilespmem:$0x1A0];
	_ =	sdelay $0x4  }
0x7f: {  	v15 =	vshll.u32 v14, $0x1  }
0x80: {  	v14 =	vand.u32 $0x7, v14;
	v15 =	vand.u32 $0xFFFFFFF0, v15  }
0x81: {  	v14 =	vor.u32 v14, v15  }
0x82: {  	v15 =	vperm.xlane v14, v11;
	_ =	sdelay $0x1  }
0x83: {  	v14 =	vperm.xlane v14, v13;
	v15 =	vadd.s32 v12, v15;
	_ =	sdelay $0x1  }
0x84: {  	v14 =	vadd.s32 v12, v14;
	_ =	sdelay $0x1  }
0x85: {  	s23 =	simm.s32 $0x2380  }
0x86: {  	[tilespmem:s23], [sflag:$0x1] =	stream.indirect_vreg.gather [hbm4b:s0+s21], $0x80, v15, vm0, $0xb8;
	[tilespmem:$0x1F680] =	vst v63  }
0x87: {  	s24 =	simm.s32 $0x2B80  }
0x88: {  	[tilespmem:s24], [sflag:$0x1] =	stream.indirect_vreg.gather [hbm4b:s0+s21], $0x80, v14, vm0, $0xb8;
	[tilespmem:$0x1F680] =	vst v63  }
0x89: {  	v14 =	vld [tilespmem:$0x1B0];
	_ =	sdelay $0x4  }
0x8a: {  	v15 =	vshll.u32 v14, $0x1  }
0x8b: {  	v14 =	vand.u32 $0x7, v14;
	v15 =	vand.u32 $0xFFFFFFF0, v15  }
0x8c: {  	v14 =	vor.u32 v14, v15  }
0x8d: {  	v15 =	vperm.xlane v14, v11;
	_ =	sdelay $0x1  }
0x8e: {  	v14 =	vperm.xlane v14, v13;
	v15 =	vadd.s32 v12, v15;
	_ =	sdelay $0x1  }
0x8f: {  	v14 =	vadd.s32 v12, v14;
	_ =	sdelay $0x1  }
0x90: {  	s25 =	simm.s32 $0x3380  }
0x91: {  	[tilespmem:s25], [sflag:$0x1] =	stream.indirect_vreg.gather [hbm4b:s0+s21], $0x80, v15, vm0, $0xb8;
	[tilespmem:$0x1F680] =	vst v63  }
0x92: {  	s26 =	simm.s32 $0x3B80  }
0x93: {  	[tilespmem:s26], [sflag:$0x1] =	stream.indirect_vreg.gather [hbm4b:s0+s21], $0x80, v14, vm0, $0xb8;
	[tilespmem:$0x1F680] =	vst v63  }
0x94: {  	v14 =	vld [tilespmem:$0x1C0];
	_ =	sdelay $0x4  }
0x95: {  	v15 =	vshll.u32 v14, $0x1  }
0x96: {  	v14 =	vand.u32 $0x7, v14;
	v15 =	vand.u32 $0xFFFFFFF0, v15  }
0x97: {  	v14 =	vor.u32 v14, v15  }
0x98: {  	v15 =	vperm.xlane v14, v11;
	_ =	sdelay $0x1  }
0x99: {  	v14 =	vperm.xlane v14, v13;
	v15 =	vadd.s32 v12, v15;
	_ =	sdelay $0x1  }
0x9a: {  	v14 =	vadd.s32 v12, v14;
	_ =	sdelay $0x1  }
0x9b: {  	s28 =	simm.s32 $0x4380  }
0x9c: {  	[tilespmem:s28], [sflag:$0x1] =	stream.indirect_vreg.gather [hbm4b:s0+s21], $0x80, v15, vm0, $0xb8;
	[tilespmem:$0x1F680] =	vst v63  }
0x9d: {  	s29 =	simm.s32 $0x4B80  }
0x9e: {  	[tilespmem:s29], [sflag:$0x1] =	stream.indirect_vreg.gather [hbm4b:s0+s21], $0x80, v14, vm0, $0xb8;
	[tilespmem:$0x1F680] =	vst v63  }
0x9f: {  	v14 =	vld [tilespmem:$0x1D0];
	_ =	sdelay $0x4  }
0xa0: {  	v15 =	vshll.u32 v14, $0x1  }
0xa1: {  	v14 =	vand.u32 $0x7, v14;
	v15 =	vand.u32 $0xFFFFFFF0, v15  }
0xa2: {  	v14 =	vor.u32 v14, v15  }
0xa3: {  	v15 =	vperm.xlane v14, v11;
	_ =	sdelay $0x1  }
0xa4: {  	v14 =	vperm.xlane v14, v13;
	v15 =	vadd.s32 v12, v15;
	_ =	sdelay $0x1  }
0xa5: {  	v14 =	vadd.s32 v12, v14;
	_ =	sdelay $0x1  }
0xa6: {  	s30 =	simm.s32 $0x5380  }
0xa7: {  	[tilespmem:s30], [sflag:$0x1] =	stream.indirect_vreg.gather [hbm4b:s0+s21], $0x80, v15, vm0, $0xb8;
	[tilespmem:$0x1F680] =	vst v63  }
0xa8: {  	s31 =	simm.s32 $0x5B80  }
0xa9: {  	[tilespmem:s31], [sflag:$0x1] =	stream.indirect_vreg.gather [hbm4b:s0+s21], $0x80, v14, vm0, $0xb8;
	[tilespmem:$0x1F680] =	vst v63  }
0xaa: {  	v14 =	vld [tilespmem:$0x1E0];
	_ =	sdelay $0x4  }
0xab: {  	v15 =	vshll.u32 v14, $0x1  }
0xac: {  	v14 =	vand.u32 $0x7, v14;
	v15 =	vand.u32 $0xFFFFFFF0, v15  }
0xad: {  	v14 =	vor.u32 v14, v15  }
0xae: {  	v15 =	vperm.xlane v14, v11;
	_ =	sdelay $0x1  }
0xaf: {  	v14 =	vperm.xlane v14, v13;
	v15 =	vadd.s32 v12, v15;
	_ =	sdelay $0x1  }
0xb0: {  	v14 =	vadd.s32 v12, v14;
	_ =	sdelay $0x1  }
0xb1: {  	s22 =	simm.s32 $0x6380  }
0xb2: {  	[tilespmem:s22], [sflag:$0x1] =	stream.indirect_vreg.gather [hbm4b:s0+s21], $0x80, v15, vm0, $0xb8;
	[tilespmem:$0x1F680] =	vst v63  }
0xb3: {  	s23 =	simm.s32 $0x6B80  }
0xb4: {  	[tilespmem:s23], [sflag:$0x1] =	stream.indirect_vreg.gather [hbm4b:s0+s21], $0x80, v14, vm0, $0xb8;
	[tilespmem:$0x1F680] =	vst v63  }
0xb5: {  	v14 =	vld [tilespmem:$0x200];
	_ =	sdelay $0x4  }
0xb6: {  	v15 =	vshll.u32 v14, $0x1  }
0xb7: {  	v14 =	vand.u32 $0x7, v14;
	v15 =	vand.u32 $0xFFFFFFF0, v15  }
0xb8: {  	v14 =	vor.u32 v14, v15  }
0xb9: {  	v15 =	vperm.xlane v14, v11;
	_ =	sdelay $0x1  }
0xba: {  	v14 =	vperm.xlane v14, v13;
	v15 =	vadd.s32 v12, v15;
	_ =	sdelay $0x1  }
0xbb: {  	v14 =	vadd.s32 v12, v14;
	_ =	sdelay $0x1  }
0xbc: {  	s24 =	simm.s32 $0x7380  }
0xbd: {  	[tilespmem:s24], [sflag:$0x1] =	stream.indirect_vreg.gather [hbm4b:s0+s21], $0x80, v15, vm0, $0xb8;
	[tilespmem:$0x1F680] =	vst v63  }
0xbe: {  	s25 =	simm.s32 $0x7B80  }
0xbf: {  	[tilespmem:s25], [sflag:$0x1] =	stream.indirect_vreg.gather [hbm4b:s0+s21], $0x80, v14, vm0, $0xb8;
	[tilespmem:$0x1F680] =	vst v63  }
0xc0: {  	v14 =	vld [tilespmem:$0x210];
	_ =	sdelay $0x4  }
0xc1: {  	v15 =	vshll.u32 v14, $0x1  }
0xc2: {  	v14 =	vand.u32 $0x7, v14;
	v15 =	vand.u32 $0xFFFFFFF0, v15  }
0xc3: {  	v14 =	vor.u32 v14, v15  }
0xc4: {  	v15 =	vperm.xlane v14, v11;
	_ =	sdelay $0x1  }
0xc5: {  	v14 =	vperm.xlane v14, v13;
	v15 =	vadd.s32 v12, v15;
	_ =	sdelay $0x1  }
0xc6: {  	v14 =	vadd.s32 v12, v14;
	_ =	sdelay $0x1  }
0xc7: {  	s26 =	simm.s32 $0x8380  }
0xc8: {  	[tilespmem:s26], [sflag:$0x1] =	stream.indirect_vreg.gather [hbm4b:s0+s21], $0x80, v15, vm0, $0xb8;
	[tilespmem:$0x1F680] =	vst v63  }
0xc9: {  	s28 =	simm.s32 $0x8B80  }
0xca: {  	[tilespmem:s28], [sflag:$0x1] =	stream.indirect_vreg.gather [hbm4b:s0+s21], $0x80, v14, vm0, $0xb8;
	[tilespmem:$0x1F680] =	vst v63  }
0xcb: {  	v14 =	vld [tilespmem:$0x220];
	_ =	sdelay $0x4  }
0xcc: {  	v15 =	vshll.u32 v14, $0x1  }
0xcd: {  	v14 =	vand.u32 $0x7, v14;
	v15 =	vand.u32 $0xFFFFFFF0, v15  }
0xce: {  	v14 =	vor.u32 v14, v15  }
0xcf: {  	v15 =	vperm.xlane v14, v11;
	_ =	sdelay $0x1  }
0xd0: {  	v14 =	vperm.xlane v14, v13;
	v15 =	vadd.s32 v12, v15;
	_ =	sdelay $0x1  }
0xd1: {  	v14 =	vadd.s32 v12, v14;
	_ =	sdelay $0x1  }
0xd2: {  	s29 =	simm.s32 $0x9380  }
0xd3: {  	[tilespmem:s29], [sflag:$0x1] =	stream.indirect_vreg.gather [hbm4b:s0+s21], $0x80, v15, vm0, $0xb8;
	[tilespmem:$0x1F680] =	vst v63  }
0xd4: {  	s30 =	simm.s32 $0x9B80  }
0xd5: {  	[tilespmem:s30], [sflag:$0x1] =	stream.indirect_vreg.gather [hbm4b:s0+s21], $0x80, v14, vm0, $0xb8;
	[tilespmem:$0x1F680] =	vst v63  }
0xd6: {  	v14 =	vld [tilespmem:$0x230];
	_ =	sdelay $0x4  }
0xd7: {  	v15 =	vshll.u32 v14, $0x1  }
0xd8: {  	v14 =	vand.u32 $0x7, v14;
	v15 =	vand.u32 $0xFFFFFFF0, v15  }
0xd9: {  	v14 =	vor.u32 v14, v15  }
0xda: {  	v15 =	vperm.xlane v14, v11;
	_ =	sdelay $0x1  }
0xdb: {  	v14 =	vperm.xlane v14, v13;
	v15 =	vadd.s32 v12, v15;
	_ =	sdelay $0x1  }
0xdc: {  	v14 =	vadd.s32 v12, v14;
	_ =	sdelay $0x1  }
0xdd: {  	s31 =	simm.s32 $0xA380  }
0xde: {  	[tilespmem:s31], [sflag:$0x1] =	stream.indirect_vreg.gather [hbm4b:s0+s21], $0x80, v15, vm0, $0xb8;
	[tilespmem:$0x1F680] =	vst v63  }
0xdf: {  	s22 =	simm.s32 $0xAB80  }
0xe0: {  	[tilespmem:s22], [sflag:$0x1] =	stream.indirect_vreg.gather [hbm4b:s0+s21], $0x80, v14, vm0, $0xb8;
	[tilespmem:$0x1F680] =	vst v63  }
0xe1: {  	v14 =	vld [tilespmem:$0x240];
	_ =	sdelay $0x4  }
0xe2: {  	v15 =	vshll.u32 v14, $0x1  }
0xe3: {  	v14 =	vand.u32 $0x7, v14;
	v15 =	vand.u32 $0xFFFFFFF0, v15  }
0xe4: {  	v14 =	vor.u32 v14, v15  }
0xe5: {  	v15 =	vperm.xlane v14, v11;
	_ =	sdelay $0x1  }
0xe6: {  	v14 =	vperm.xlane v14, v13;
	v15 =	vadd.s32 v12, v15;
	_ =	sdelay $0x1  }
0xe7: {  	v14 =	vadd.s32 v12, v14;
	_ =	sdelay $0x1  }
0xe8: {  	s23 =	simm.s32 $0xB380  }
0xe9: {  	[tilespmem:s23], [sflag:$0x1] =	stream.indirect_vreg.gather [hbm4b:s0+s21], $0x80, v15, vm0, $0xb8;
	[tilespmem:$0x1F680] =	vst v63  }
0xea: {  	s24 =	simm.s32 $0xBB80  }
0xeb: {  	[tilespmem:s24], [sflag:$0x1] =	stream.indirect_vreg.gather [hbm4b:s0+s21], $0x80, v14, vm0, $0xb8;
	[tilespmem:$0x1F680] =	vst v63  }
0xec: {  	v14 =	vld [tilespmem:$0x250];
	_ =	sdelay $0x4  }
0xed: {  	v15 =	vshll.u32 v14, $0x1  }
0xee: {  	v14 =	vand.u32 $0x7, v14;
	v15 =	vand.u32 $0xFFFFFFF0, v15  }
0xef: {  	v14 =	vor.u32 v14, v15  }
0xf0: {  	v15 =	vperm.xlane v14, v11;
	_ =	sdelay $0x1  }
0xf1: {  	v14 =	vperm.xlane v14, v13;
	v15 =	vadd.s32 v12, v15;
	_ =	sdelay $0x1  }
0xf2: {  	v14 =	vadd.s32 v12, v14;
	_ =	sdelay $0x1  }
0xf3: {  	s25 =	simm.s32 $0xC380  }
0xf4: {  	[tilespmem:s25], [sflag:$0x1] =	stream.indirect_vreg.gather [hbm4b:s0+s21], $0x80, v15, vm0, $0xb8;
	[tilespmem:$0x1F680] =	vst v63  }
0xf5: {  	s26 =	simm.s32 $0xCB80  }
0xf6: {  	[tilespmem:s26], [sflag:$0x1] =	stream.indirect_vreg.gather [hbm4b:s0+s21], $0x80, v14, vm0, $0xb8;
	[tilespmem:$0x1F680] =	vst v63  }
0xf7: {  	v14 =	vld [tilespmem:$0x260];
	_ =	sdelay $0x4  }
0xf8: {  	v15 =	vshll.u32 v14, $0x1  }
0xf9: {  	v14 =	vand.u32 $0x7, v14;
	v15 =	vand.u32 $0xFFFFFFF0, v15  }
0xfa: {  	v14 =	vor.u32 v14, v15  }
0xfb: {  	v15 =	vperm.xlane v14, v11;
	_ =	sdelay $0x1  }
0xfc: {  	v14 =	vperm.xlane v14, v13;
	v15 =	vadd.s32 v12, v15;
	_ =	sdelay $0x1  }
0xfd: {  	v14 =	vadd.s32 v12, v14  }
0xfe: {  	s20 =	sshllo.u32 s19, $0x1  }
0xff: {  	s28 =	simm.s32 $0xD380;
	s22 =	sshll.u32 s20, $0x3  }
0x100: {  	[tilespmem:s28], [sflag:$0x1] =	stream.indirect_vreg.gather [hbm4b:s0+s21], $0x80, v15, vm0, $0xb8;
	[tilespmem:$0x1F680] =	vst v63  }
0x101: {  	s29 =	simm.s32 $0xDB80;
	s30 =	sor.u32 $0x2, s22;
	s23 =	sor.u32 $0x1, s22  }
0x102: {  	[tilespmem:s29], [sflag:$0x1] =	stream.indirect_vreg.gather [hbm4b:s0+s21], $0x80, v14, vm0, $0xb8;
	v14 =	vmov s23;
	[tilespmem:$0x1F680] =	vst v63  }
0x103: {  	s24 =	sor.u32 $0x4, s22;
	v15 =	vmov s30;
	_ =	swait.ge [sflag:s10], $0x7000;
	v14 =	vbroadcast v14, $0x0  }
0x104: {  	s31 =	sor.u32 $0x3, s22;
	v17 =	vmov s24;
	v15 =	vbroadcast v15, $0x0;
	[sflag:s10] =	ssyncset.done $0x0  }
0x105: {  	v16 =	vmov s31;
	v17 =	vbroadcast v17, $0x0;
	[sflag:s10] =	ssyncadd.s32 $0xFFFF9000  }
0x106: {  	v16 =	vbroadcast v16, $0x0;
	_ =	swait.ge [sflag:s10], $0x7000  }
0x107: {  	[sflag:s10] =	ssyncset.done $0x0  }
0x108: {  	[sflag:s10] =	ssyncadd.s32 $0xFFFF9000  }
0x109: {  	v14 =	vld.idx.msk [tilespmem:v14+s21+$0x0], $0xffff  }
0x10a: {  	v15 =	vld.idx.msk [tilespmem:v15+s21+$0x0], $0xffff  }
0x10b: {  	v18 =	vmov s22;
	v17 =	vld.idx.msk [tilespmem:v17+s21+$0x0], $0xffff  }
0x10c: {  	v18 =	vbroadcast v18, $0x0;
	v16 =	vld.idx.msk [tilespmem:v16+s21+$0x0], $0xffff;
	_ =	sdelay $0x3  }
0x10d: {  	v17 =	vsub.f32 v17, v15  }
0x10e: {  	v16 =	vsub.f32 v16, v14  }
0x10f: {  	v18 =	vld.idx.msk [tilespmem:v18+s21+$0x0], $0xffff;
	v19 =	vmul.f32 v0, v17  }
0x110: {  	v20 =	vmul.f32 v1, v16  }
0x111: {  	v19 =	vadd.f32 v19, v15  }
0x112: {  	v20 =	vadd.f32 v20, v14  }
0x113: {  	v19 =	vmul.f32 $6.250000000e-02, v19  }
0x114: {  	v18 =	vtrunc.f32 v18;
	v20 =	vmul.f32 $6.250000000e-02, v20  }
0x115: {  	v18 =	vcvt.f32.s32 v18;
	v21 =	vtrunc.f32 v19  }
0x116: {  	v22 =	vtrunc.f32 v20;
	v21 =	vcvt.f32.s32 v21  }
0x117: {  	v53 =	vmul.f32 v4, v17;
	v18 =	vshll.u32 v18, $0xC;
	v22 =	vcvt.f32.s32 v22  }
0x118: {  	vm1 =	vle.f32 v19, $6.300000000e+01;
	vm2 =	vle.f32 v20, $6.300000000e+01;
	v23 =	vcvt.s32.f32 v21  }
0x119: {  	vm1 =	vmand vm2, vm1;
	v24 =	vcvt.s32.f32 v22;
	v21 =	vshll.u32 v21, $0x6  }
0x11a: {  	v22 =	vadd.s32 v22, v18;
	v23 =	vsub.f32 v19, v23;
	v19 =	vmul.f32 v5, v17  }
0x11b: {  	v21 =	vadd.s32 v21, v22;
	v24 =	vsub.f32 v20, v24;
	v20 =	vmul.f32 v3, v16  }
0x11c: {  	v25 =	vsel vm1, $0x3F800000, v2;
	vm1 =	vgt.s32 v21, $0x0;
	v19 =	vadd.f32 v19, v15  }
0x11d: {  	v21 =	vnsel vm1, $0x0, v21;
	v20 =	vadd.f32 v20, v14;
	v22 =	vsub.f32 $1.000000000e+00, v23  }
0x11e: {  	v23 =	vmul.f32 v25, v23;
	v21 =	vmin.u32 v21, $0x42FE;
	v19 =	vmul.f32 $6.250000000e-02, v19  }
0x11f: {  	v20 =	vmul.f32 $6.250000000e-02, v20;
	v22 =	vmul.f32 v22, v25;
	v25 =	vsub.f32 $1.000000000e+00, v24  }
0x120: {  	v17 =	vmul.f32 v7, v17;
	v28 =	vadd.s32 $0x1, v21;
	v26 =	vtrunc.f32 v19  }
0x121: {  	v30 =	vadd.s32 $0x40, v21;
	v27 =	vtrunc.f32 v20;
	v29 =	vmul.f32 v22, v25  }
0x122: {  	v52 =	vadd.s32 $0x41, v21;
	v26 =	vcvt.f32.s32 v26;
	v27 =	vcvt.f32.s32 v27  }
0x123: {  	v22 =	vmul.f32 v22, v24;
	vm1 =	vle.f32 v19, $6.300000000e+01;
	vm2 =	vle.f32 v20, $6.300000000e+01  }
0x124: {  	vm1 =	vmand vm2, vm1;
	v31 =	vcvt.s32.f32 v26;
	v51 =	vcvt.s32.f32 v27  }
0x125: {  	[tilespmem:$0xE380] =	vst v21;
	v25 =	vmul.f32 v23, v25;
	v23 =	vmul.f32 v23, v24;
	v21 =	vsel vm1, $0x3F800000, v2  }
0x126: {  	v24 =	vsub.f32 v19, v31;
	v31 =	vsub.f32 v20, v51;
	v19 =	vmul.f32 v6, v16  }
0x127: {  	v20 =	vshll.u32 v26, $0x6;
	v26 =	vadd.s32 v27, v18;
	v27 =	vadd.f32 v53, v15  }
0x128: {  	v16 =	vmul.f32 v9, v16;
	v15 =	vadd.f32 v17, v15;
	v20 =	vadd.s32 v20, v26  }
0x129: {  	v19 =	vadd.f32 v19, v14;
	vm2 =	vgt.s32 v20, $0x0;
	v26 =	vsub.f32 $1.000000000e+00, v24  }
0x12a: {  	[tilespmem:$0xE400] =	vst v30;
	v27 =	vmul.f32 $6.250000000e-02, v27;
	v30 =	vsub.f32 $1.000000000e+00, v31;
	v14 =	vadd.f32 v16, v14  }
0x12b: {  	[tilespmem:$0xE3B8] =	vst v28;
	v15 =	vmul.f32 $6.250000000e-02, v15;
	v20 =	vnsel vm2, $0x0, v20;
	v19 =	vmul.f32 $6.250000000e-02, v19  }
0x12c: {  	[tilespmem:$0xE438] =	vst v52;
	v20 =	vmin.u32 v20, $0x42FE;
	v26 =	vmul.f32 v26, v21;
	v28 =	vtrunc.f32 v27  }
0x12d: {  	[tilespmem:$0xE480] =	vst v29;
	v21 =	vmul.f32 v21, v24;
	vm1 =	vle.f32 v27, $6.300000000e+01;
	v14 =	vmul.f32 $6.250000000e-02, v14  }
0x12e: {  	[tilespmem:$0xE4B8] =	vst v22;
	v28 =	vcvt.f32.s32 v28;
	v55 =	vadd.s32 $0x1, v20;
	v54 =	vtrunc.f32 v19  }
0x12f: {  	[tilespmem:$0xE4F0] =	vst v25;
	v29 =	vadd.s32 $0x40, v20;
	v56 =	vmul.f32 v26, v30;
	v26 =	vmul.f32 v26, v31  }
0x130: {  	[tilespmem:$0xE528] =	vst v23;
	v22 =	vadd.s32 $0x41, v20;
	v24 =	vcvt.f32.s32 v54;
	v57 =	vcvt.s32.f32 v28  }
0x131: {  	[tilespmem:$0xE390] =	vst v20;
	v25 =	vmul.f32 v21, v30;
	v21 =	vmul.f32 v21, v31;
	vm2 =	vle.f32 v19, $6.300000000e+01  }
0x132: {  	[tilespmem:$0xE3C8] =	vst v55;
	vm1 =	vmand vm2, vm1;
	v58 =	vcvt.s32.f32 v24;
	v30 =	vsub.f32 v27, v57  }
0x133: {  	vm2 =	vle.f32 v14, $6.300000000e+01;
	[tilespmem:$0xE500] =	vst v25;
	v25 =	vtrunc.f32 v14;
	v20 =	vadd.s32 v24, v18  }
0x134: {  	[tilespmem:$0xE410] =	vst v29;
	v23 =	vsub.f32 v19, v58;
	v19 =	vshll.u32 v28, $0x6;
	v24 =	vsub.f32 $1.000000000e+00, v30  }
0x135: {  	[tilespmem:$0xE448] =	vst v22;
	v27 =	vsel vm1, $0x3F800000, v2;
	v25 =	vcvt.f32.s32 v25;
	v19 =	vadd.s32 v19, v20  }
0x136: {  	[tilespmem:$0xE490] =	vst v56;
	v16 =	vmul.f32 v27, v30;
	v17 =	vmul.f32 v24, v27;
	vm1 =	vgt.s32 v19, $0x0  }
0x137: {  	[tilespmem:$0xE4C8] =	vst v26;
	v20 =	vsub.f32 $1.000000000e+00, v23;
	v24 =	vtrunc.f32 v15;
	v19 =	vnsel vm1, $0x0, v19  }
0x138: {  	[tilespmem:$0xE538] =	vst v21;
	v18 =	vadd.s32 v25, v18;
	v24 =	vcvt.f32.s32 v24;
	v19 =	vmin.u32 v19, $0x42FE  }
0x139: {  	v22 =	vmul.f32 v17, v20;
	v17 =	vmul.f32 v17, v23;
	v21 =	vadd.s32 $0x1, v19;
	[tilespmem:$0xE3A0] =	vst v19  }
0x13a: {  	v20 =	vmul.f32 v16, v20;
	v16 =	vmul.f32 v16, v23;
	v23 =	vld [tilespmem:$0xE380];
	v26 =	vadd.s32 $0x40, v19;
	[tilespmem:$0xE3D8] =	vst v21  }
0x13b: {  	v19 =	vadd.s32 $0x41, v19;
	v21 =	vcvt.s32.f32 v24;
	[tilespmem:$0xE420] =	vst v26;
	v24 =	vshll.u32 v24, $0x6  }
0x13c: {  	vm1 =	vle.f32 v15, $6.300000000e+01;
	v26 =	vcvt.s32.f32 v25;
	[tilespmem:$0xE458] =	vst v19;
	v18 =	vadd.s32 v24, v18  }
0x13d: {  	vm1 =	vmand vm2, vm1;
	[tilespmem:$0xE4A0] =	vst v22;
	v15 =	vsub.f32 v15, v21;
	vm2 =	vgt.s32 v18, $0x0  }
0x13e: {  	[tilespmem:$0xE4D8] =	vst v17;
	v17 =	vnsel vm1, $0x0, v10;
	v14 =	vsub.f32 v14, v26;
	v18 =	vnsel vm2, $0x0, v18  }
0x13f: {  	[tilespmem:$0xE510] =	vst v20;
	v20 =	vshll.u32 v23, $0x1;
	v21 =	vand.u32 $0x7, v23;
	v19 =	vsub.f32 $1.000000000e+00, v15  }
0x140: {  	[tilespmem:$0xE548] =	vst v16;
	v18 =	vmin.u32 v18, $0x42FE;
	v20 =	vand.u32 $0xFFFFFFF0, v20;
	v22 =	vsub.f32 $1.000000000e+00, v14  }
0x141: {  	v16 =	vadd.s32 $0x1, v18;
	[tilespmem:$0xE3A8] =	vst v18;
	v20 =	vor.u32 v21, v20;
	v19 =	vmul.f32 v19, v17  }
0x142: {  	[tilespmem:$0xE3E0] =	vst v16;
	v16 =	vadd.s32 $0x40, v18;
	v21 =	vperm.xlane v20, v11  }
0x143: {  	v15 =	vmul.f32 v17, v15;
	[tilespmem:$0xE428] =	vst v16;
	v16 =	vadd.s32 $0x41, v18;
	v17 =	vmul.f32 v19, v22  }
0x144: {  	[tilespmem:$0xE460] =	vst v16;
	v16 =	vmul.f32 v19, v14;
	v18 =	vadd.s32 v12, v21;
	v19 =	vperm.xlane v20, v13  }
0x145: {  	v14 =	vmul.f32 v15, v14;
	[tilespmem:$0xE4A8] =	vst v17  }
0x146: {  	v17 =	vmul.f32 v15, v22;
	[tilespmem:$0xE4E0] =	vst v16;
	v15 =	vadd.s32 v12, v19  }
0x147: {  	[tilespmem:$0xE550] =	vst v14  }
0x148: {  	s25 =	simm.s32 $0xE580;
	[tilespmem:$0xE518] =	vst v17  }
0x149: {  	[tilespmem:s25], [sflag:$0x2] =	stream.indirect_vreg.gather [hbm4b:s0+s21], $0x80, v18, vm0, $0xb8;
	[tilespmem:$0x1F680] =	vst v63  }
0x14a: {  	s26 =	simm.s32 $0xED80  }
0x14b: {  	[tilespmem:s26], [sflag:$0x2] =	stream.indirect_vreg.gather [hbm4b:s0+s21], $0x80, v15, vm0, $0xb8;
	[tilespmem:$0x1F680] =	vst v63  }
0x14c: {  	v14 =	vld [tilespmem:$0xE390];
	_ =	sdelay $0x4  }
0x14d: {  	v15 =	vshll.u32 v14, $0x1  }
0x14e: {  	v14 =	vand.u32 $0x7, v14;
	v15 =	vand.u32 $0xFFFFFFF0, v15  }
0x14f: {  	v14 =	vor.u32 v14, v15  }
0x150: {  	v15 =	vperm.xlane v14, v11;
	_ =	sdelay $0x1  }
0x151: {  	v14 =	vperm.xlane v14, v13;
	v15 =	vadd.s32 v12, v15;
	_ =	sdelay $0x1  }
0x152: {  	v14 =	vadd.s32 v12, v14;
	_ =	sdelay $0x1  }
0x153: {  	s28 =	simm.s32 $0xF580  }
0x154: {  	[tilespmem:s28], [sflag:$0x2] =	stream.indirect_vreg.gather [hbm4b:s0+s21], $0x80, v15, vm0, $0xb8;
	[tilespmem:$0x1F680] =	vst v63  }
0x155: {  	s29 =	simm.s32 $0xFD80  }
0x156: {  	[tilespmem:s29], [sflag:$0x2] =	stream.indirect_vreg.gather [hbm4b:s0+s21], $0x80, v14, vm0, $0xb8;
	[tilespmem:$0x1F680] =	vst v63  }
0x157: {  	v14 =	vld [tilespmem:$0xE3A0];
	_ =	sdelay $0x4  }
0x158: {  	v15 =	vshll.u32 v14, $0x1  }
0x159: {  	v14 =	vand.u32 $0x7, v14;
	v15 =	vand.u32 $0xFFFFFFF0, v15  }
0x15a: {  	v14 =	vor.u32 v14, v15  }
0x15b: {  	v15 =	vperm.xlane v14, v11;
	_ =	sdelay $0x1  }
0x15c: {  	v14 =	vperm.xlane v14, v13;
	v15 =	vadd.s32 v12, v15;
	_ =	sdelay $0x1  }
0x15d: {  	v14 =	vadd.s32 v12, v14;
	_ =	sdelay $0x1  }
0x15e: {  	s30 =	simm.s32 $0x10580  }
0x15f: {  	[tilespmem:s30], [sflag:$0x2] =	stream.indirect_vreg.gather [hbm4b:s0+s21], $0x80, v15, vm0, $0xb8;
	[tilespmem:$0x1F680] =	vst v63  }
0x160: {  	s31 =	simm.s32 $0x10D80  }
0x161: {  	[tilespmem:s31], [sflag:$0x2] =	stream.indirect_vreg.gather [hbm4b:s0+s21], $0x80, v14, vm0, $0xb8;
	[tilespmem:$0x1F680] =	vst v63  }
0x162: {  	v14 =	vld [tilespmem:$0xE3B0];
	_ =	sdelay $0x4  }
0x163: {  	v15 =	vshll.u32 v14, $0x1  }
0x164: {  	v14 =	vand.u32 $0x7, v14;
	v15 =	vand.u32 $0xFFFFFFF0, v15  }
0x165: {  	v14 =	vor.u32 v14, v15  }
0x166: {  	v15 =	vperm.xlane v14, v11;
	_ =	sdelay $0x1  }
0x167: {  	v14 =	vperm.xlane v14, v13;
	v15 =	vadd.s32 v12, v15;
	_ =	sdelay $0x1  }
0x168: {  	v14 =	vadd.s32 v12, v14;
	_ =	sdelay $0x1  }
0x169: {  	s23 =	simm.s32 $0x11580  }
0x16a: {  	[tilespmem:s23], [sflag:$0x2] =	stream.indirect_vreg.gather [hbm4b:s0+s21], $0x80, v15, vm0, $0xb8;
	[tilespmem:$0x1F680] =	vst v63  }
0x16b: {  	s24 =	simm.s32 $0x11D80  }
0x16c: {  	[tilespmem:s24], [sflag:$0x2] =	stream.indirect_vreg.gather [hbm4b:s0+s21], $0x80, v14, vm0, $0xb8;
	[tilespmem:$0x1F680] =	vst v63  }
0x16d: {  	v14 =	vld [tilespmem:$0xE3C0];
	_ =	sdelay $0x4  }
0x16e: {  	v15 =	vshll.u32 v14, $0x1  }
0x16f: {  	v14 =	vand.u32 $0x7, v14;
	v15 =	vand.u32 $0xFFFFFFF0, v15  }
0x170: {  	v14 =	vor.u32 v14, v15  }
0x171: {  	v15 =	vperm.xlane v14, v11;
	_ =	sdelay $0x1  }
0x172: {  	v14 =	vperm.xlane v14, v13;
	v15 =	vadd.s32 v12, v15;
	_ =	sdelay $0x1  }
0x173: {  	v14 =	vadd.s32 v12, v14;
	_ =	sdelay $0x1  }
0x174: {  	s25 =	simm.s32 $0x12580  }
0x175: {  	[tilespmem:s25], [sflag:$0x2] =	stream.indirect_vreg.gather [hbm4b:s0+s21], $0x80, v15, vm0, $0xb8;
	[tilespmem:$0x1F680] =	vst v63  }
0x176: {  	s26 =	simm.s32 $0x12D80  }
0x177: {  	[tilespmem:s26], [sflag:$0x2] =	stream.indirect_vreg.gather [hbm4b:s0+s21], $0x80, v14, vm0, $0xb8;
	[tilespmem:$0x1F680] =	vst v63  }
0x178: {  	v14 =	vld [tilespmem:$0xE3D0];
	_ =	sdelay $0x4  }
0x179: {  	v15 =	vshll.u32 v14, $0x1  }
0x17a: {  	v14 =	vand.u32 $0x7, v14;
	v15 =	vand.u32 $0xFFFFFFF0, v15  }
0x17b: {  	v14 =	vor.u32 v14, v15  }
0x17c: {  	v15 =	vperm.xlane v14, v11;
	_ =	sdelay $0x1  }
0x17d: {  	v14 =	vperm.xlane v14, v13;
	v15 =	vadd.s32 v12, v15;
	_ =	sdelay $0x1  }
0x17e: {  	v14 =	vadd.s32 v12, v14;
	_ =	sdelay $0x1  }
0x17f: {  	s28 =	simm.s32 $0x13580  }
0x180: {  	[tilespmem:s28], [sflag:$0x2] =	stream.indirect_vreg.gather [hbm4b:s0+s21], $0x80, v15, vm0, $0xb8;
	[tilespmem:$0x1F680] =	vst v63  }
0x181: {  	s29 =	simm.s32 $0x13D80  }
0x182: {  	[tilespmem:s29], [sflag:$0x2] =	stream.indirect_vreg.gather [hbm4b:s0+s21], $0x80, v14, vm0, $0xb8;
	[tilespmem:$0x1F680] =	vst v63  }
0x183: {  	v14 =	vld [tilespmem:$0xE3E0];
	_ =	sdelay $0x4  }
0x184: {  	v15 =	vshll.u32 v14, $0x1  }
0x185: {  	v14 =	vand.u32 $0x7, v14;
	v15 =	vand.u32 $0xFFFFFFF0, v15  }
0x186: {  	v14 =	vor.u32 v14, v15  }
0x187: {  	v15 =	vperm.xlane v14, v11;
	_ =	sdelay $0x1  }
0x188: {  	v14 =	vperm.xlane v14, v13;
	v15 =	vadd.s32 v12, v15;
	_ =	sdelay $0x1  }
0x189: {  	v14 =	vadd.s32 v12, v14;
	_ =	sdelay $0x1  }
0x18a: {  	s30 =	simm.s32 $0x14580  }
0x18b: {  	[tilespmem:s30], [sflag:$0x2] =	stream.indirect_vreg.gather [hbm4b:s0+s21], $0x80, v15, vm0, $0xb8;
	[tilespmem:$0x1F680] =	vst v63  }
0x18c: {  	s31 =	simm.s32 $0x14D80  }
0x18d: {  	[tilespmem:s31], [sflag:$0x2] =	stream.indirect_vreg.gather [hbm4b:s0+s21], $0x80, v14, vm0, $0xb8;
	[tilespmem:$0x1F680] =	vst v63  }
0x18e: {  	v14 =	vld [tilespmem:$0xE400];
	_ =	sdelay $0x4  }
0x18f: {  	v15 =	vshll.u32 v14, $0x1  }
0x190: {  	v14 =	vand.u32 $0x7, v14;
	v15 =	vand.u32 $0xFFFFFFF0, v15  }
0x191: {  	v14 =	vor.u32 v14, v15  }
0x192: {  	v15 =	vperm.xlane v14, v11;
	_ =	sdelay $0x1  }
0x193: {  	v14 =	vperm.xlane v14, v13;
	v15 =	vadd.s32 v12, v15;
	_ =	sdelay $0x1  }
0x194: {  	v14 =	vadd.s32 v12, v14;
	_ =	sdelay $0x1  }
0x195: {  	s23 =	simm.s32 $0x15580  }
0x196: {  	[tilespmem:s23], [sflag:$0x2] =	stream.indirect_vreg.gather [hbm4b:s0+s21], $0x80, v15, vm0, $0xb8;
	[tilespmem:$0x1F680] =	vst v63  }
0x197: {  	s24 =	simm.s32 $0x15D80  }
0x198: {  	[tilespmem:s24], [sflag:$0x2] =	stream.indirect_vreg.gather [hbm4b:s0+s21], $0x80, v14, vm0, $0xb8;
	[tilespmem:$0x1F680] =	vst v63  }
0x199: {  	v14 =	vld [tilespmem:$0xE410];
	_ =	sdelay $0x4  }
0x19a: {  	v15 =	vshll.u32 v14, $0x1  }
0x19b: {  	v14 =	vand.u32 $0x7, v14;
	v15 =	vand.u32 $0xFFFFFFF0, v15  }
0x19c: {  	v14 =	vor.u32 v14, v15  }
0x19d: {  	v15 =	vperm.xlane v14, v11;
	_ =	sdelay $0x1  }
0x19e: {  	v14 =	vperm.xlane v14, v13;
	v15 =	vadd.s32 v12, v15;
	_ =	sdelay $0x1  }
0x19f: {  	v14 =	vadd.s32 v12, v14;
	_ =	sdelay $0x1  }
0x1a0: {  	s25 =	simm.s32 $0x16580  }
0x1a1: {  	[tilespmem:s25], [sflag:$0x2] =	stream.indirect_vreg.gather [hbm4b:s0+s21], $0x80, v15, vm0, $0xb8;
	[tilespmem:$0x1F680] =	vst v63  }
0x1a2: {  	s26 =	simm.s32 $0x16D80  }
0x1a3: {  	[tilespmem:s26], [sflag:$0x2] =	stream.indirect_vreg.gather [hbm4b:s0+s21], $0x80, v14, vm0, $0xb8;
	[tilespmem:$0x1F680] =	vst v63  }
0x1a4: {  	v14 =	vld [tilespmem:$0xE420];
	_ =	sdelay $0x4  }
0x1a5: {  	v15 =	vshll.u32 v14, $0x1  }
0x1a6: {  	v14 =	vand.u32 $0x7, v14;
	v15 =	vand.u32 $0xFFFFFFF0, v15  }
0x1a7: {  	v14 =	vor.u32 v14, v15  }
0x1a8: {  	v15 =	vperm.xlane v14, v11;
	_ =	sdelay $0x1  }
0x1a9: {  	v14 =	vperm.xlane v14, v13;
	v15 =	vadd.s32 v12, v15;
	_ =	sdelay $0x1  }
0x1aa: {  	v14 =	vadd.s32 v12, v14;
	_ =	sdelay $0x1  }
0x1ab: {  	s28 =	simm.s32 $0x17580  }
0x1ac: {  	[tilespmem:s28], [sflag:$0x2] =	stream.indirect_vreg.gather [hbm4b:s0+s21], $0x80, v15, vm0, $0xb8;
	[tilespmem:$0x1F680] =	vst v63  }
0x1ad: {  	s29 =	simm.s32 $0x17D80  }
0x1ae: {  	[tilespmem:s29], [sflag:$0x2] =	stream.indirect_vreg.gather [hbm4b:s0+s21], $0x80, v14, vm0, $0xb8;
	[tilespmem:$0x1F680] =	vst v63  }
0x1af: {  	v14 =	vld [tilespmem:$0xE430];
	_ =	sdelay $0x4  }
0x1b0: {  	v15 =	vshll.u32 v14, $0x1  }
0x1b1: {  	v14 =	vand.u32 $0x7, v14;
	v15 =	vand.u32 $0xFFFFFFF0, v15  }
0x1b2: {  	v14 =	vor.u32 v14, v15  }
0x1b3: {  	v15 =	vperm.xlane v14, v11;
	_ =	sdelay $0x1  }
0x1b4: {  	v14 =	vperm.xlane v14, v13;
	v15 =	vadd.s32 v12, v15;
	_ =	sdelay $0x1  }
0x1b5: {  	v14 =	vadd.s32 v12, v14;
	_ =	sdelay $0x2  }
0x1b6: {  	[tilespmem:s1], [sflag:$0x2] =	stream.indirect_vreg.gather [hbm4b:s0+s21], $0x80, v15, vm0, $0xb8;
	[tilespmem:$0x1F680] =	vst v63  }
0x1b7: {  	_ = 	snop  }
0x1b8: {  	[tilespmem:s2], [sflag:$0x2] =	stream.indirect_vreg.gather [hbm4b:s0+s21], $0x80, v14, vm0, $0xb8;
	[tilespmem:$0x1F680] =	vst v63  }
0x1b9: {  	v14 =	vld [tilespmem:$0xE440];
	_ =	sdelay $0x4  }
0x1ba: {  	v15 =	vshll.u32 v14, $0x1  }
0x1bb: {  	v14 =	vand.u32 $0x7, v14;
	v15 =	vand.u32 $0xFFFFFFF0, v15  }
0x1bc: {  	v14 =	vor.u32 v14, v15  }
0x1bd: {  	v15 =	vperm.xlane v14, v11;
	_ =	sdelay $0x1  }
0x1be: {  	v14 =	vperm.xlane v14, v13;
	v15 =	vadd.s32 v12, v15;
	_ =	sdelay $0x1  }
0x1bf: {  	v14 =	vadd.s32 v12, v14;
	_ =	sdelay $0x2  }
0x1c0: {  	[tilespmem:s3], [sflag:$0x2] =	stream.indirect_vreg.gather [hbm4b:s0+s21], $0x80, v15, vm0, $0xb8;
	[tilespmem:$0x1F680] =	vst v63  }
0x1c1: {  	_ = 	snop  }
0x1c2: {  	[tilespmem:s6], [sflag:$0x2] =	stream.indirect_vreg.gather [hbm4b:s0+s21], $0x80, v14, vm0, $0xb8;
	[tilespmem:$0x1F680] =	vst v63  }
0x1c3: {  	v14 =	vld [tilespmem:$0xE450];
	_ =	sdelay $0x4  }
0x1c4: {  	v15 =	vshll.u32 v14, $0x1  }
0x1c5: {  	v14 =	vand.u32 $0x7, v14;
	v15 =	vand.u32 $0xFFFFFFF0, v15  }
0x1c6: {  	v14 =	vor.u32 v14, v15  }
0x1c7: {  	v15 =	vperm.xlane v14, v11;
	_ =	sdelay $0x1  }
0x1c8: {  	v14 =	vperm.xlane v14, v13;
	v15 =	vadd.s32 v12, v15;
	_ =	sdelay $0x1  }
0x1c9: {  	v14 =	vadd.s32 v12, v14;
	_ =	sdelay $0x2  }
0x1ca: {  	[tilespmem:s7], [sflag:$0x2] =	stream.indirect_vreg.gather [hbm4b:s0+s21], $0x80, v15, vm0, $0xb8;
	[tilespmem:$0x1F680] =	vst v63  }
0x1cb: {  	_ = 	snop  }
0x1cc: {  	[tilespmem:s9], [sflag:$0x2] =	stream.indirect_vreg.gather [hbm4b:s0+s21], $0x80, v14, vm0, $0xb8;
	[tilespmem:$0x1F680] =	vst v63  }
0x1cd: {  	v14 =	vld [tilespmem:$0xE460];
	_ =	sdelay $0x4  }
0x1ce: {  	v15 =	vshll.u32 v14, $0x1  }
0x1cf: {  	v14 =	vand.u32 $0x7, v14;
	v15 =	vand.u32 $0xFFFFFFF0, v15  }
0x1d0: {  	v14 =	vor.u32 v14, v15  }
0x1d1: {  	v15 =	vperm.xlane v14, v11;
	_ =	sdelay $0x1  }
0x1d2: {  	v14 =	vperm.xlane v14, v13;
	v15 =	vadd.s32 v12, v15;
	_ =	sdelay $0x1  }
0x1d3: {  	v14 =	vadd.s32 v12, v14;
	_ =	sdelay $0x2  }
0x1d4: {  	[tilespmem:s11], [sflag:$0x2] =	stream.indirect_vreg.gather [hbm4b:s0+s21], $0x80, v15, vm0, $0xb8;
	[tilespmem:$0x1F680] =	vst v63  }
0x1d5: {  	v15 =	vmov s21  }
0x1d6: {  	[tilespmem:s12], [sflag:$0x2] =	stream.indirect_vreg.gather [hbm4b:s0+s21], $0x80, v14, vm0, $0xb8;
	v14 =	vadd.s32 $0x38, v15;
	[tilespmem:$0x1F680] =	vst v63  }
0x1d7: {  	s30 =	sand.u32 $0x3800, s21;
	s31 =	sand.u32 $0x380, s21  }
0x1d8: {  	s22 =	sor.u32 s31, s30;
	v16 =	vadd.s32 $0x70, v15  }
0x1d9: {  	v17 =	vld [tilespmem:s22+$0x3B80]  }
0x1da: {  	v30 =	vld.idx.msk [tilespmem:v15+s13+$0x0], $0xffff;
	v15 =	vadd.s32 $0xA8, v15  }
0x1db: {  	v31 =	vld.idx.msk [tilespmem:v14+s13+$0x0], $0xffff  }
0x1dc: {  	v14 =	vld [tilespmem:s22+$0x380]  }
0x1dd: {  	v33 =	vld.idx.msk [tilespmem:v16+s13+$0x0], $0xffff  }
0x1de: {  	v16 =	vld [tilespmem:s22+$0x7380]  }
0x1df: {  	v32 =	vld.idx.msk [tilespmem:v15+s13+$0x0], $0xffff  }
0x1e0: {  	v15 =	vld [tilespmem:s22+$0xAB80]  }
0x1e1: {  	v18 =	vmul.f32 v14, v30;
	v17 =	vmul.f32 v17, v31  }
0x1e2: {  	v14 =	vmul.u32 $0x31, v8  }
0x1e3: {  	v16 =	vmul.f32 v16, v33;
	v17 =	vadd.f32 v17, v18  }
0x1e4: {  	v18 =	vadd.s32 s21, v14  }
0x1e5: {  	v15 =	vmul.f32 v15, v32;
	v16 =	vadd.f32 v16, v17;
	_ =	sdelay $0x1  }
0x1e6: {  	v15 =	vadd.f32 v15, v16;
	_ =	sdelay $0x1  }
0x1e7: {  	[tilespmem:v18+s14+$0x0] =	vst.idx.msk $0xffff, v15  }
0x1e8: {  	v15 =	vld [tilespmem:s22+$0x390]  }
0x1e9: {  	v16 =	vld [tilespmem:s22+$0x3B90];
	_ =	sdelay $0x1  }
0x1ea: {  	v17 =	vld [tilespmem:s22+$0x7390];
	_ =	sdelay $0x1  }
0x1eb: {  	v18 =	vld [tilespmem:s22+$0xAB90]  }
0x1ec: {  	v19 =	vmul.f32 v15, v30;
	v16 =	vmul.f32 v16, v31;
	_ =	sdelay $0x1  }
0x1ed: {  	v15 =	vadd.s32 $0x310, v14;
	v17 =	vmul.f32 v17, v33;
	v16 =	vadd.f32 v16, v19  }
0x1ee: {  	v19 =	vadd.s32 s21, v15  }
0x1ef: {  	v18 =	vmul.f32 v18, v32;
	v16 =	vadd.f32 v17, v16;
	_ =	sdelay $0x1  }
0x1f0: {  	v16 =	vadd.f32 v18, v16;
	_ =	sdelay $0x1  }
0x1f1: {  	[tilespmem:v19+s14+$0x0] =	vst.idx.msk $0xffff, v16  }
0x1f2: {  	v16 =	vld [tilespmem:s22+$0x3A0]  }
0x1f3: {  	v17 =	vld [tilespmem:s22+$0x3BA0];
	_ =	sdelay $0x1  }
0x1f4: {  	v18 =	vld [tilespmem:s22+$0x73A0];
	_ =	sdelay $0x1  }
0x1f5: {  	v19 =	vld [tilespmem:s22+$0xABA0]  }
0x1f6: {  	v20 =	vmul.f32 v16, v30;
	v17 =	vmul.f32 v17, v31;
	_ =	sdelay $0x1  }
0x1f7: {  	v16 =	vadd.s32 $0x620, v14;
	v18 =	vmul.f32 v18, v33;
	v17 =	vadd.f32 v17, v20  }
0x1f8: {  	v20 =	vadd.s32 s21, v16  }
0x1f9: {  	v17 =	vadd.f32 v18, v17;
	v18 =	vmul.f32 v19, v32;
	_ =	sdelay $0x1  }
0x1fa: {  	v17 =	vadd.f32 v18, v17;
	_ =	sdelay $0x1  }
0x1fb: {  	[tilespmem:v20+s14+$0x0] =	vst.idx.msk $0xffff, v17  }
0x1fc: {  	v17 =	vld [tilespmem:s22+$0x3B0]  }
0x1fd: {  	v18 =	vld [tilespmem:s22+$0x3BB0];
	_ =	sdelay $0x1  }
0x1fe: {  	v19 =	vld [tilespmem:s22+$0x73B0];
	_ =	sdelay $0x1  }
0x1ff: {  	v20 =	vld [tilespmem:s22+$0xABB0]  }
0x200: {  	v21 =	vmul.f32 v17, v30;
	v18 =	vmul.f32 v18, v31;
	_ =	sdelay $0x1  }
0x201: {  	v17 =	vadd.s32 $0x930, v14;
	v19 =	vmul.f32 v19, v33;
	v18 =	vadd.f32 v18, v21  }
0x202: {  	v21 =	vadd.s32 s21, v17  }
0x203: {  	v18 =	vadd.f32 v19, v18;
	v19 =	vmul.f32 v20, v32;
	_ =	sdelay $0x1  }
0x204: {  	v18 =	vadd.f32 v19, v18;
	_ =	sdelay $0x1  }
0x205: {  	[tilespmem:v21+s14+$0x0] =	vst.idx.msk $0xffff, v18  }
0x206: {  	v18 =	vld [tilespmem:s22+$0x3BC0]  }
0x207: {  	v19 =	vld [tilespmem:s22+$0x3C0];
	_ =	sdelay $0x1  }
0x208: {  	v20 =	vld [tilespmem:s22+$0x73C0];
	_ =	sdelay $0x1  }
0x209: {  	v21 =	vld [tilespmem:s22+$0xABC0]  }
0x20a: {  	v22 =	vmul.f32 v18, v31;
	v19 =	vmul.f32 v19, v30;
	_ =	sdelay $0x1  }
0x20b: {  	v18 =	vadd.s32 $0xC40, v14;
	v20 =	vmul.f32 v20, v33;
	v19 =	vadd.f32 v22, v19  }
0x20c: {  	v22 =	vadd.s32 s21, v18  }
0x20d: {  	v21 =	vmul.f32 v21, v32;
	v19 =	vadd.f32 v20, v19;
	_ =	sdelay $0x1  }
0x20e: {  	v19 =	vadd.f32 v21, v19;
	_ =	sdelay $0x1  }
0x20f: {  	[tilespmem:v22+s14+$0x0] =	vst.idx.msk $0xffff, v19  }
0x210: {  	v19 =	vld [tilespmem:s22+$0x3D0]  }
0x211: {  	v20 =	vld [tilespmem:s22+$0x3BD0];
	_ =	sdelay $0x1  }
0x212: {  	v21 =	vld [tilespmem:s22+$0x73D0];
	_ =	sdelay $0x1  }
0x213: {  	v22 =	vld [tilespmem:s22+$0xABD0]  }
0x214: {  	v23 =	vmul.f32 v19, v30;
	v20 =	vmul.f32 v20, v31;
	_ =	sdelay $0x1  }
0x215: {  	v19 =	vadd.s32 $0xF50, v14;
	v21 =	vmul.f32 v21, v33;
	v20 =	vadd.f32 v20, v23  }
0x216: {  	v23 =	vadd.s32 s21, v19  }
0x217: {  	v22 =	vmul.f32 v22, v32;
	v20 =	vadd.f32 v21, v20;
	_ =	sdelay $0x1  }
0x218: {  	v20 =	vadd.f32 v22, v20;
	_ =	sdelay $0x1  }
0x219: {  	[tilespmem:v23+s14+$0x0] =	vst.idx.msk $0xffff, v20  }
0x21a: {  	v20 =	vld [tilespmem:s22+$0x3E0]  }
0x21b: {  	v21 =	vld [tilespmem:s22+$0x3BE0];
	_ =	sdelay $0x1  }
0x21c: {  	v22 =	vld [tilespmem:s22+$0x73E0];
	_ =	sdelay $0x1  }
0x21d: {  	v23 =	vld [tilespmem:s22+$0xABE0]  }
0x21e: {  	v24 =	vmul.f32 v20, v30;
	v21 =	vmul.f32 v21, v31;
	_ =	sdelay $0x1  }
0x21f: {  	v20 =	vadd.s32 $0x1260, v14;
	v22 =	vmul.f32 v22, v33;
	v21 =	vadd.f32 v21, v24  }
0x220: {  	v24 =	vadd.s32 s21, v20  }
0x221: {  	v23 =	vmul.f32 v23, v32;
	v21 =	vadd.f32 v22, v21;
	_ =	sdelay $0x1  }
0x222: {  	v21 =	vadd.f32 v23, v21;
	_ =	sdelay $0x1  }
0x223: {  	[tilespmem:v24+s14+$0x0] =	vst.idx.msk $0xffff, v21  }
0x224: {  	v21 =	vld [tilespmem:s22+$0x3F0]  }
0x225: {  	v22 =	vld [tilespmem:s22+$0x3BF0];
	_ =	sdelay $0x1  }
0x226: {  	v23 =	vld [tilespmem:s22+$0x73F0];
	_ =	sdelay $0x1  }
0x227: {  	v24 =	vld [tilespmem:s22+$0xABF0]  }
0x228: {  	v25 =	vmul.f32 v21, v30;
	v22 =	vmul.f32 v22, v31;
	_ =	sdelay $0x1  }
0x229: {  	v21 =	vadd.s32 $0x1570, v14;
	v23 =	vmul.f32 v23, v33;
	v22 =	vadd.f32 v22, v25  }
0x22a: {  	v25 =	vadd.s32 s21, v21  }
0x22b: {  	v24 =	vmul.f32 v24, v32;
	v22 =	vadd.f32 v23, v22;
	_ =	sdelay $0x1  }
0x22c: {  	v22 =	vadd.f32 v24, v22;
	_ =	sdelay $0x1  }
0x22d: {  	[tilespmem:v25+s14+$0x0] =	vst.idx.msk $0xffff, v22  }
0x22e: {  	v22 =	vld [tilespmem:s22+$0x3F80]  }
0x22f: {  	v23 =	vld [tilespmem:s22+$0x780];
	_ =	sdelay $0x1  }
0x230: {  	v24 =	vld [tilespmem:s22+$0x7780];
	_ =	sdelay $0x1  }
0x231: {  	v25 =	vld [tilespmem:s22+$0xAF80]  }
0x232: {  	v26 =	vmul.f32 v22, v31;
	v23 =	vmul.f32 v23, v30;
	_ =	sdelay $0x1  }
0x233: {  	v22 =	vadd.s32 $0x1880, v14;
	v24 =	vmul.f32 v24, v33;
	v23 =	vadd.f32 v26, v23  }
0x234: {  	v26 =	vadd.s32 s21, v22  }
0x235: {  	v25 =	vmul.f32 v25, v32;
	v23 =	vadd.f32 v24, v23;
	_ =	sdelay $0x1  }
0x236: {  	v23 =	vadd.f32 v25, v23;
	_ =	sdelay $0x1  }
0x237: {  	[tilespmem:v26+s14+$0x0] =	vst.idx.msk $0xffff, v23  }
0x238: {  	v23 =	vld [tilespmem:s22+$0x790]  }
0x239: {  	v24 =	vld [tilespmem:s22+$0x3F90];
	_ =	sdelay $0x1  }
0x23a: {  	v25 =	vld [tilespmem:s22+$0x7790];
	_ =	sdelay $0x1  }
0x23b: {  	v26 =	vld [tilespmem:s22+$0xAF90]  }
0x23c: {  	v27 =	vmul.f32 v23, v30;
	v24 =	vmul.f32 v24, v31;
	_ =	sdelay $0x1  }
0x23d: {  	v23 =	vadd.s32 $0x1B90, v14;
	v25 =	vmul.f32 v25, v33;
	v24 =	vadd.f32 v24, v27  }
0x23e: {  	v27 =	vadd.s32 s21, v23  }
0x23f: {  	v26 =	vmul.f32 v26, v32;
	v24 =	vadd.f32 v25, v24;
	_ =	sdelay $0x1  }
0x240: {  	v24 =	vadd.f32 v26, v24;
	_ =	sdelay $0x1  }
0x241: {  	[tilespmem:v27+s14+$0x0] =	vst.idx.msk $0xffff, v24  }
0x242: {  	v24 =	vld [tilespmem:s22+$0x7A0]  }
0x243: {  	v25 =	vld [tilespmem:s22+$0x3FA0];
	_ =	sdelay $0x1  }
0x244: {  	v26 =	vld [tilespmem:s22+$0x77A0];
	_ =	sdelay $0x1  }
0x245: {  	v27 =	vld [tilespmem:s22+$0xAFA0]  }
0x246: {  	v28 =	vmul.f32 v24, v30;
	v25 =	vmul.f32 v25, v31;
	_ =	sdelay $0x1  }
0x247: {  	v24 =	vadd.s32 $0x1EA0, v14;
	v26 =	vmul.f32 v26, v33;
	v25 =	vadd.f32 v25, v28  }
0x248: {  	v28 =	vadd.s32 s21, v24  }
0x249: {  	v27 =	vmul.f32 v27, v32;
	v25 =	vadd.f32 v26, v25;
	_ =	sdelay $0x1  }
0x24a: {  	v25 =	vadd.f32 v27, v25;
	_ =	sdelay $0x1  }
0x24b: {  	[tilespmem:v28+s14+$0x0] =	vst.idx.msk $0xffff, v25  }
0x24c: {  	v25 =	vld [tilespmem:s22+$0x7B0]  }
0x24d: {  	v26 =	vld [tilespmem:s22+$0x3FB0];
	_ =	sdelay $0x1  }
0x24e: {  	v27 =	vld [tilespmem:s22+$0x77B0];
	_ =	sdelay $0x1  }
0x24f: {  	v28 =	vld [tilespmem:s22+$0xAFB0]  }
0x250: {  	v29 =	vmul.f32 v25, v30;
	v26 =	vmul.f32 v26, v31;
	_ =	sdelay $0x1  }
0x251: {  	v25 =	vadd.s32 $0x21B0, v14;
	v27 =	vmul.f32 v27, v33;
	v26 =	vadd.f32 v26, v29  }
0x252: {  	v29 =	vadd.s32 s21, v25  }
0x253: {  	v28 =	vmul.f32 v28, v32;
	v26 =	vadd.f32 v27, v26;
	_ =	sdelay $0x1  }
0x254: {  	v26 =	vadd.f32 v28, v26;
	_ =	sdelay $0x1  }
0x255: {  	[tilespmem:v29+s14+$0x0] =	vst.idx.msk $0xffff, v26  }
0x256: {  	v26 =	vld [tilespmem:s22+$0x7C0]  }
0x257: {  	v27 =	vld [tilespmem:s22+$0x3FC0];
	_ =	sdelay $0x1  }
0x258: {  	v28 =	vld [tilespmem:s22+$0x77C0];
	_ =	sdelay $0x1  }
0x259: {  	v29 =	vld [tilespmem:s22+$0xAFC0]  }
0x25a: {  	v59 =	vmul.f32 v26, v30;
	v27 =	vmul.f32 v27, v31;
	_ =	sdelay $0x1  }
0x25b: {  	v26 =	vadd.s32 $0x24C0, v14;
	v28 =	vmul.f32 v28, v33;
	v27 =	vadd.f32 v27, v59  }
0x25c: {  	v60 =	vadd.s32 s21, v26  }
0x25d: {  	v29 =	vmul.f32 v29, v32;
	v27 =	vadd.f32 v28, v27;
	_ =	sdelay $0x1  }
0x25e: {  	v27 =	vadd.f32 v29, v27;
	_ =	sdelay $0x1  }
0x25f: {  	[tilespmem:v60+s14+$0x0] =	vst.idx.msk $0xffff, v27  }
0x260: {  	v27 =	vld [tilespmem:s22+$0x7D0]  }
0x261: {  	v28 =	vld [tilespmem:s22+$0x3FD0];
	_ =	sdelay $0x1  }
0x262: {  	v29 =	vld [tilespmem:s22+$0x77D0];
	_ =	sdelay $0x1  }
0x263: {  	v34 =	vld [tilespmem:s22+$0xAFD0]  }
0x264: {  	v27 =	vmul.f32 v27, v30;
	v61 =	vmul.f32 v28, v31;
	_ =	sdelay $0x1  }
0x265: {  	v28 =	vadd.s32 $0x27D0, v14;
	v29 =	vmul.f32 v29, v33;
	v27 =	vadd.f32 v61, v27  }
0x266: {  	v62 =	vadd.s32 s21, v28  }
0x267: {  	v34 =	vmul.f32 v34, v32;
	v27 =	vadd.f32 v29, v27;
	_ =	sdelay $0x1  }
0x268: {  	v27 =	vadd.f32 v34, v27;
	_ =	sdelay $0x1  }
0x269: {  	[tilespmem:v62+s14+$0x0] =	vst.idx.msk $0xffff, v27  }
0x26a: {  	v27 =	vld [tilespmem:s22+$0x7E0]  }
0x26b: {  	v29 =	vld [tilespmem:s22+$0x3FE0];
	_ =	sdelay $0x1  }
0x26c: {  	v63 =	vld [tilespmem:s22+$0x77E0];
	_ =	sdelay $0x1  }
0x26d: {  	v35 =	vld [tilespmem:s22+$0xAFE0]  }
0x26e: {  	v27 =	vmul.f32 v27, v30;
	v29 =	vmul.f32 v29, v31;
	_ =	sdelay $0x1  }
0x26f: {  	v36 =	vmul.f32 v63, v33;
	v37 =	vadd.f32 v29, v27;
	v29 =	vadd.s32 $0x2AE0, v14  }
0x270: {  	s23 =	sshll.u32 s19, $0x1;
	v34 =	vadd.s32 s21, v29  }
0x271: {  	s24 =	simm.s32 $0x0;
	s25 =	simm.s32 $0x1;
	s26 =	simm.s32 $0x0;
	v35 =	vmul.f32 v35, v32;
	v27 =	vadd.s32 $0x2DF0, v14;
	v36 =	vadd.f32 v36, v37  }
.LBB2_3:
0x272: {  	_ = 	snop  }
0x273: {  	p0 =	sne.s32 s25, $0x30;
	s21 =	sadd.s32 $0x80, s21;
	s26 =	sadd.s32 $0x100, s26;
	v35 =	vadd.f32 v35, v36  }
0x274: {  	s28 =	smov.u32 s25;
	s25 =	sadd.s32 $0x1, s25  }
0x275: {  	[tilespmem:v34+s14+$0x0] =	vst.idx.msk $0xffff, v35  }
0x276: {  	v34 =	vld [tilespmem:s22+$0x7F0]  }
0x277: {  	v35 =	vld [tilespmem:s22+$0x3FF0]  }
0x278: {  	v36 =	vld [tilespmem:s22+$0x77F0]  }
0x279: {  	v37 =	vld [tilespmem:s22+$0xAFF0];
	_ =	sdelay $0x1  }
0x27a: {  	v30 =	vmul.f32 v34, v30  }
0x27b: {  	v31 =	vmul.f32 v35, v31  }
0x27c: {  	v33 =	vmul.f32 v36, v33  }
0x27d: {  	v30 =	vadd.f32 v31, v30;
	v31 =	vmul.f32 v37, v32;
	v32 =	vadd.s32 s24, v27;
	s24 =	smov.u32 s28;
	_ =	sdelay $0x1  }
0x27e: {  	v30 =	vadd.f32 v33, v30  }
0x27f: {  	v33 =	vmov s24  }
0x280: {  	v34 =	vadd.s32 $0x38, v33;
	v35 =	vadd.s32 $0x70, v33;
	v30 =	vadd.f32 v31, v30  }
0x281: {  	s22 =	sand.u32 $0x3800, s26;
	s28 =	sand.u32 $0x380, s21  }
0x282: {  	s22 =	sor.u32 s28, s22;
	[tilespmem:v32+s14+$0x0] =	vst.idx.msk $0xffff, v30  }
0x283: {  	v36 =	vld [tilespmem:s22+$0x3B80]  }
0x284: {  	v32 =	vadd.s32 $0xA8, v33;
	v30 =	vld.idx.msk [tilespmem:v33+s13+$0x0], $0xffff  }
0x285: {  	v31 =	vld.idx.msk [tilespmem:v34+s13+$0x0], $0xffff  }
0x286: {  	v34 =	vld [tilespmem:s22+$0x380]  }
0x287: {  	v33 =	vld.idx.msk [tilespmem:v35+s13+$0x0], $0xffff  }
0x288: {  	v35 =	vld [tilespmem:s22+$0x7380]  }
0x289: {  	v32 =	vld.idx.msk [tilespmem:v32+s13+$0x0], $0xffff  }
0x28a: {  	v37 =	vld [tilespmem:s22+$0xAB80]  }
0x28b: {  	v36 =	vmul.f32 v36, v31;
	v34 =	vmul.f32 v34, v30;
	_ =	sdelay $0x1  }
0x28c: {  	v34 =	vadd.f32 v36, v34;
	v35 =	vmul.f32 v35, v33  }
0x28d: {  	v36 =	vadd.s32 s24, v14  }
0x28e: {  	v34 =	vadd.f32 v35, v34;
	v35 =	vmul.f32 v37, v32;
	_ =	sdelay $0x1  }
0x28f: {  	v34 =	vadd.f32 v35, v34;
	_ =	sdelay $0x1  }
0x290: {  	[tilespmem:v36+s14+$0x0] =	vst.idx.msk $0xffff, v34  }
0x291: {  	v34 =	vld [tilespmem:s22+$0x390]  }
0x292: {  	v35 =	vld [tilespmem:s22+$0x3B90]  }
0x293: {  	v36 =	vld [tilespmem:s22+$0x7390];
	_ =	sdelay $0x1  }
0x294: {  	v37 =	vld [tilespmem:s22+$0xAB90]  }
0x295: {  	v34 =	vmul.f32 v34, v30  }
0x296: {  	v35 =	vmul.f32 v35, v31  }
0x297: {  	v36 =	vmul.f32 v36, v33  }
0x298: {  	v34 =	vadd.f32 v35, v34;
	v35 =	vadd.s32 s24, v15  }
0x299: {  	v37 =	vmul.f32 v37, v32  }
0x29a: {  	v34 =	vadd.f32 v36, v34;
	_ =	sdelay $0x1  }
0x29b: {  	v34 =	vadd.f32 v37, v34;
	_ =	sdelay $0x1  }
0x29c: {  	[tilespmem:v35+s14+$0x0] =	vst.idx.msk $0xffff, v34  }
0x29d: {  	v34 =	vld [tilespmem:s22+$0x73A0]  }
0x29e: {  	v35 =	vld [tilespmem:s22+$0x3A0]  }
0x29f: {  	v36 =	vld [tilespmem:s22+$0x3BA0];
	_ =	sdelay $0x3  }
0x2a0: {  	v34 =	vmul.f32 v34, v33;
	v35 =	vmul.f32 v35, v30;
	v37 =	vld [tilespmem:s22+$0xABA0]  }
0x2a1: {  	v36 =	vmul.f32 v36, v31;
	_ =	sdelay $0x1  }
0x2a2: {  	v35 =	vadd.f32 v36, v35  }
0x2a3: {  	v36 =	vadd.s32 s24, v16  }
0x2a4: {  	v34 =	vadd.f32 v34, v35;
	v35 =	vmul.f32 v37, v32;
	_ =	sdelay $0x1  }
0x2a5: {  	v34 =	vadd.f32 v35, v34;
	_ =	sdelay $0x1  }
0x2a6: {  	[tilespmem:v36+s14+$0x0] =	vst.idx.msk $0xffff, v34  }
0x2a7: {  	v34 =	vld [tilespmem:s22+$0x3B0]  }
0x2a8: {  	v35 =	vld [tilespmem:s22+$0x3BB0];
	_ =	sdelay $0x1  }
0x2a9: {  	v36 =	vld [tilespmem:s22+$0x73B0];
	_ =	sdelay $0x1  }
0x2aa: {  	v34 =	vmul.f32 v34, v30;
	v37 =	vld [tilespmem:s22+$0xABB0]  }
0x2ab: {  	v35 =	vmul.f32 v35, v31;
	_ =	sdelay $0x1  }
0x2ac: {  	v34 =	vadd.f32 v35, v34;
	v35 =	vmul.f32 v36, v33  }
0x2ad: {  	v36 =	vadd.s32 s24, v17  }
0x2ae: {  	v34 =	vadd.f32 v35, v34;
	v35 =	vmul.f32 v37, v32;
	_ =	sdelay $0x1  }
0x2af: {  	v34 =	vadd.f32 v35, v34;
	_ =	sdelay $0x1  }
0x2b0: {  	[tilespmem:v36+s14+$0x0] =	vst.idx.msk $0xffff, v34  }
0x2b1: {  	v34 =	vld [tilespmem:s22+$0x3BC0]  }
0x2b2: {  	v35 =	vld [tilespmem:s22+$0x3C0]  }
0x2b3: {  	v36 =	vld [tilespmem:s22+$0x73C0]  }
0x2b4: {  	v37 =	vld [tilespmem:s22+$0xABC0];
	_ =	sdelay $0x1  }
0x2b5: {  	v34 =	vmul.f32 v34, v31  }
0x2b6: {  	v35 =	vmul.f32 v35, v30  }
0x2b7: {  	v36 =	vmul.f32 v36, v33  }
0x2b8: {  	v34 =	vadd.f32 v34, v35;
	v35 =	vmul.f32 v37, v32  }
0x2b9: {  	v37 =	vadd.s32 s24, v18  }
0x2ba: {  	v34 =	vadd.f32 v36, v34;
	_ =	sdelay $0x1  }
0x2bb: {  	v34 =	vadd.f32 v35, v34;
	_ =	sdelay $0x1  }
0x2bc: {  	[tilespmem:v37+s14+$0x0] =	vst.idx.msk $0xffff, v34  }
0x2bd: {  	v34 =	vld [tilespmem:s22+$0x3D0]  }
0x2be: {  	v35 =	vld [tilespmem:s22+$0x3BD0]  }
0x2bf: {  	v36 =	vld [tilespmem:s22+$0x73D0]  }
0x2c0: {  	v37 =	vld [tilespmem:s22+$0xABD0];
	_ =	sdelay $0x1  }
0x2c1: {  	v34 =	vmul.f32 v34, v30  }
0x2c2: {  	v35 =	vmul.f32 v35, v31  }
0x2c3: {  	v36 =	vmul.f32 v36, v33  }
0x2c4: {  	v34 =	vadd.f32 v35, v34;
	v35 =	vadd.s32 s24, v19  }
0x2c5: {  	v37 =	vmul.f32 v37, v32  }
0x2c6: {  	v34 =	vadd.f32 v36, v34;
	_ =	sdelay $0x1  }
0x2c7: {  	v34 =	vadd.f32 v37, v34;
	_ =	sdelay $0x1  }
0x2c8: {  	[tilespmem:v35+s14+$0x0] =	vst.idx.msk $0xffff, v34  }
0x2c9: {  	v34 =	vld [tilespmem:s22+$0xABE0]  }
0x2ca: {  	v35 =	vld [tilespmem:s22+$0x3E0]  }
0x2cb: {  	v36 =	vld [tilespmem:s22+$0x3BE0]  }
0x2cc: {  	v37 =	vld [tilespmem:s22+$0x73E0];
	_ =	sdelay $0x1  }
0x2cd: {  	v34 =	vmul.f32 v34, v32  }
0x2ce: {  	v35 =	vmul.f32 v35, v30  }
0x2cf: {  	v36 =	vmul.f32 v36, v31  }
0x2d0: {  	v37 =	vmul.f32 v37, v33  }
0x2d1: {  	v35 =	vadd.f32 v36, v35  }
0x2d2: {  	v36 =	vadd.s32 s24, v20  }
0x2d3: {  	v35 =	vadd.f32 v37, v35;
	_ =	sdelay $0x1  }
0x2d4: {  	v34 =	vadd.f32 v34, v35;
	_ =	sdelay $0x1  }
0x2d5: {  	[tilespmem:v36+s14+$0x0] =	vst.idx.msk $0xffff, v34  }
0x2d6: {  	v34 =	vld [tilespmem:s22+$0x3F0]  }
0x2d7: {  	v35 =	vld [tilespmem:s22+$0x3BF0]  }
0x2d8: {  	v36 =	vld [tilespmem:s22+$0x73F0]  }
0x2d9: {  	v37 =	vld [tilespmem:s22+$0xABF0];
	_ =	sdelay $0x1  }
0x2da: {  	v34 =	vmul.f32 v34, v30  }
0x2db: {  	v35 =	vmul.f32 v35, v31  }
0x2dc: {  	v36 =	vmul.f32 v36, v33  }
0x2dd: {  	v34 =	vadd.f32 v35, v34;
	v35 =	vmul.f32 v37, v32  }
0x2de: {  	v37 =	vadd.s32 s24, v21  }
0x2df: {  	v34 =	vadd.f32 v36, v34;
	_ =	sdelay $0x1  }
0x2e0: {  	v34 =	vadd.f32 v35, v34;
	_ =	sdelay $0x1  }
0x2e1: {  	[tilespmem:v37+s14+$0x0] =	vst.idx.msk $0xffff, v34  }
0x2e2: {  	v34 =	vld [tilespmem:s22+$0x3F80]  }
0x2e3: {  	v35 =	vld [tilespmem:s22+$0x780]  }
0x2e4: {  	v36 =	vld [tilespmem:s22+$0x7780]  }
0x2e5: {  	v37 =	vld [tilespmem:s22+$0xAF80];
	_ =	sdelay $0x1  }
0x2e6: {  	v34 =	vmul.f32 v34, v31  }
0x2e7: {  	v35 =	vmul.f32 v35, v30  }
0x2e8: {  	v36 =	vmul.f32 v36, v33  }
0x2e9: {  	v34 =	vadd.f32 v34, v35;
	v35 =	vmul.f32 v37, v32  }
0x2ea: {  	v37 =	vadd.s32 s24, v22  }
0x2eb: {  	v34 =	vadd.f32 v36, v34;
	_ =	sdelay $0x1  }
0x2ec: {  	v34 =	vadd.f32 v35, v34;
	_ =	sdelay $0x1  }
0x2ed: {  	[tilespmem:v37+s14+$0x0] =	vst.idx.msk $0xffff, v34  }
0x2ee: {  	v34 =	vld [tilespmem:s22+$0x790]  }
0x2ef: {  	v35 =	vld [tilespmem:s22+$0x3F90]  }
0x2f0: {  	v36 =	vld [tilespmem:s22+$0x7790]  }
0x2f1: {  	v37 =	vld [tilespmem:s22+$0xAF90];
	_ =	sdelay $0x1  }
0x2f2: {  	v34 =	vmul.f32 v34, v30  }
0x2f3: {  	v35 =	vmul.f32 v35, v31  }
0x2f4: {  	v36 =	vmul.f32 v36, v33  }
0x2f5: {  	v34 =	vadd.f32 v35, v34;
	v35 =	vmul.f32 v37, v32  }
0x2f6: {  	v37 =	vadd.s32 s24, v23  }
0x2f7: {  	v34 =	vadd.f32 v36, v34;
	_ =	sdelay $0x1  }
0x2f8: {  	v34 =	vadd.f32 v35, v34;
	_ =	sdelay $0x1  }
0x2f9: {  	[tilespmem:v37+s14+$0x0] =	vst.idx.msk $0xffff, v34  }
0x2fa: {  	v34 =	vld [tilespmem:s22+$0x7A0]  }
0x2fb: {  	v35 =	vld [tilespmem:s22+$0x3FA0]  }
0x2fc: {  	v36 =	vld [tilespmem:s22+$0x77A0]  }
0x2fd: {  	v37 =	vld [tilespmem:s22+$0xAFA0];
	_ =	sdelay $0x1  }
0x2fe: {  	v34 =	vmul.f32 v34, v30  }
0x2ff: {  	v35 =	vmul.f32 v35, v31;
	_ =	sdelay $0x1  }
0x300: {  	v34 =	vadd.f32 v35, v34;
	v35 =	vmul.f32 v36, v33;
	v36 =	vmul.f32 v37, v32  }
0x301: {  	v37 =	vadd.s32 s24, v24  }
0x302: {  	v34 =	vadd.f32 v35, v34;
	_ =	sdelay $0x1  }
0x303: {  	v34 =	vadd.f32 v36, v34;
	_ =	sdelay $0x1  }
0x304: {  	[tilespmem:v37+s14+$0x0] =	vst.idx.msk $0xffff, v34  }
0x305: {  	v34 =	vld [tilespmem:s22+$0x7B0]  }
0x306: {  	v35 =	vld [tilespmem:s22+$0x3FB0]  }
0x307: {  	v36 =	vld [tilespmem:s22+$0x77B0]  }
0x308: {  	v37 =	vld [tilespmem:s22+$0xAFB0];
	_ =	sdelay $0x1  }
0x309: {  	v34 =	vmul.f32 v34, v30  }
0x30a: {  	v35 =	vmul.f32 v35, v31;
	_ =	sdelay $0x1  }
0x30b: {  	v34 =	vadd.f32 v35, v34;
	v35 =	vmul.f32 v36, v33;
	v36 =	vmul.f32 v37, v32  }
0x30c: {  	v37 =	vadd.s32 s24, v25  }
0x30d: {  	v34 =	vadd.f32 v35, v34;
	_ =	sdelay $0x1  }
0x30e: {  	v34 =	vadd.f32 v36, v34;
	_ =	sdelay $0x1  }
0x30f: {  	[tilespmem:v37+s14+$0x0] =	vst.idx.msk $0xffff, v34  }
0x310: {  	v34 =	vld [tilespmem:s22+$0x7C0]  }
0x311: {  	v35 =	vld [tilespmem:s22+$0x3FC0]  }
0x312: {  	v36 =	vld [tilespmem:s22+$0x77C0]  }
0x313: {  	v37 =	vld [tilespmem:s22+$0xAFC0];
	_ =	sdelay $0x1  }
0x314: {  	v34 =	vmul.f32 v34, v30  }
0x315: {  	v35 =	vmul.f32 v35, v31  }
0x316: {  	v36 =	vmul.f32 v36, v33  }
0x317: {  	v34 =	vadd.f32 v35, v34;
	v35 =	vmul.f32 v37, v32  }
0x318: {  	v37 =	vadd.s32 s24, v26  }
0x319: {  	v34 =	vadd.f32 v36, v34;
	_ =	sdelay $0x1  }
0x31a: {  	v34 =	vadd.f32 v35, v34;
	_ =	sdelay $0x1  }
0x31b: {  	[tilespmem:v37+s14+$0x0] =	vst.idx.msk $0xffff, v34  }
0x31c: {  	v34 =	vld [tilespmem:s22+$0x7D0]  }
0x31d: {  	v35 =	vld [tilespmem:s22+$0x3FD0]  }
0x31e: {  	v36 =	vld [tilespmem:s22+$0x77D0]  }
0x31f: {  	v37 =	vld [tilespmem:s22+$0xAFD0];
	_ =	sdelay $0x1  }
0x320: {  	v34 =	vmul.f32 v34, v30  }
0x321: {  	v35 =	vmul.f32 v35, v31  }
0x322: {  	v36 =	vmul.f32 v36, v33  }
0x323: {  	v34 =	vadd.f32 v35, v34;
	v35 =	vmul.f32 v37, v32  }
0x324: {  	v37 =	vadd.s32 s24, v28  }
0x325: {  	v34 =	vadd.f32 v36, v34;
	_ =	sdelay $0x1  }
0x326: {  	v34 =	vadd.f32 v35, v34;
	_ =	sdelay $0x1  }
0x327: {  	[tilespmem:v37+s14+$0x0] =	vst.idx.msk $0xffff, v34  }
0x328: {  	v34 =	vld [tilespmem:s22+$0x7E0]  }
0x329: {  	v35 =	vld [tilespmem:s22+$0x3FE0]  }
0x32a: {  	v36 =	vld [tilespmem:s22+$0x77E0]  }
0x32b: {  	v37 =	vld [tilespmem:s22+$0xAFE0];
	_ =	sdelay $0x1  }
0x32c: {  	v34 =	vmul.f32 v34, v30  }
.Ltmp0:
0x32d: {  	v35 =	vmul.f32 v35, v31;
	(pc) =	sbr.rel @p0 .LBB2_3-.Ltmp0, $4  }
0x32e: {  	v36 =	vmul.f32 v36, v33  }
0x32f: {  	v38 =	vadd.f32 v35, v34;
	v35 =	vmul.f32 v37, v32  }
0x330: {  	v34 =	vadd.s32 s24, v29  }
0x331: {  	v36 =	vadd.f32 v36, v38  }
0x332: {  	_ =	sdelay $0x1  }
0x333: {  	v35 =	vadd.f32 v35, v36;
	_ =	sdelay $0x1  }
0x334: {  	[tilespmem:v34+s14+$0x0] =	vst.idx.msk $0xffff, v35  }
0x335: {  	v34 =	vld [tilespmem:s22+$0x7F0]  }
0x336: {  	v35 =	vld [tilespmem:s22+$0x3FF0];
	_ =	sdelay $0x1  }
0x337: {  	v57 =	vld [tilespmem:s22+$0x77F0];
	_ =	sdelay $0x1  }
0x338: {  	v37 =	vld [tilespmem:s22+$0xAFF0]  }
0x339: {  	v30 =	vmul.f32 v34, v30;
	v31 =	vmul.f32 v35, v31;
	_ =	sdelay $0x1  }
0x33a: {  	s21 =	sor.u32 s4, s23;
	v33 =	vmul.f32 v57, v33;
	v30 =	vadd.f32 v31, v30  }
0x33b: {  	s21 =	sshrl.u32 s21, $0x3;
	v31 =	vadd.s32 s24, v27  }
0x33c: {  	s29 =	sshll.u32 s19, $0x8;
	s21 =	smul.u32 $0x18800, s21;
	v32 =	vmul.f32 v37, v32;
	v30 =	vadd.f32 v33, v30  }
0x33d: {  	s22 =	sand.u32 $0x300, s29  }
0x33e: {  	s22 =	sor.u32 s22, s21;
	v30 =	vadd.f32 v32, v30  }
0x33f: {  	s22 =	sshrl.u32 s22, $0x3  }
0x340: {  	s22 =	sadd.s32 s5, s22;
	[tilespmem:v31+s14+$0x0] =	vst.idx.msk $0xffff, v30  }
0x341: {  	[hbm4b:s22+s15] =	stream.strided.scatter [tilespmem:s14], [sflag:$0x3], $0x3100, s16, s15, $0x38;
	[tilespmem:$0x1F680] =	vst v63  }
0x342: {  	_ =	swait.ge [sflag:s8], $0x3100  }
0x343: {  	[sflag:s8] =	ssyncset.done $0x0  }
0x344: {  	[sflag:s8] =	ssyncadd.s32 $0xFFFFCF00  }
0x345: {  	s23 =	simm.s32 $0x0;
	_ =	swait.ge [sflag:s17], $0x7000  }
0x346: {  	v31 =	vmov s23;
	[sflag:s17] =	ssyncset.done $0x0  }
0x347: {  	[sflag:s17] =	ssyncadd.s32 $0xFFFF9000  }
0x348: {  	_ =	swait.ge [sflag:s17], $0x7000  }
0x349: {  	v58 =	vadd.s32 $0x38, v31;
	[sflag:s17] =	ssyncset.done $0x0  }
0x34a: {  	s30 =	sand.u32 $0x3800, s23;
	s31 =	sand.u32 $0x380, s23;
	v59 =	vadd.s32 $0x70, v31;
	[sflag:s17] =	ssyncadd.s32 $0xFFFF9000  }
0x34b: {  	s22 =	sor.u32 s31, s30;
	v30 =	vld.idx.msk [tilespmem:v31+s18+$0x0], $0xffff  }
0x34c: {  	v60 =	vadd.s32 $0xA8, v31;
	s24 =	sadd.s32 $0x3800, s22;
	v61 =	vld [tilespmem:s22+$0xE580]  }
0x34d: {  	v62 =	vld [tilespmem:s24+$0xE580]  }
0x34e: {  	v31 =	vld.idx.msk [tilespmem:v58+s18+$0x0], $0xffff  }
0x34f: {  	v32 =	vld.idx.msk [tilespmem:v59+s18+$0x0], $0xffff  }
0x350: {  	v63 =	vld [tilespmem:s22+$0x15580]  }
0x351: {  	v33 =	vld.idx.msk [tilespmem:v60+s18+$0x0], $0xffff  }
0x352: {  	v40 =	vld [tilespmem:s22+$0x18D80]  }
0x353: {  	v35 =	vmul.f32 v61, v30;
	v36 =	vmul.f32 v62, v31;
	_ =	sdelay $0x1  }
0x354: {  	v37 =	vmul.f32 v63, v32;
	v35 =	vadd.f32 v36, v35  }
0x355: {  	v41 =	vadd.s32 s23, v14  }
0x356: {  	v34 =	vmul.f32 v40, v33;
	v35 =	vadd.f32 v37, v35;
	_ =	sdelay $0x1  }
0x357: {  	v34 =	vadd.f32 v34, v35;
	_ =	sdelay $0x1  }
0x358: {  	[tilespmem:v41+s14+$0x0] =	vst.idx.msk $0xffff, v34  }
0x359: {  	v34 =	vld [tilespmem:s22+$0xE590]  }
0x35a: {  	v42 =	vld [tilespmem:s24+$0xE590];
	_ =	sdelay $0x1  }
0x35b: {  	v36 =	vld [tilespmem:s22+$0x15590];
	_ =	sdelay $0x1  }
0x35c: {  	v43 =	vld [tilespmem:s22+$0x18D90]  }
0x35d: {  	v34 =	vmul.f32 v34, v30;
	v35 =	vmul.f32 v42, v31;
	_ =	sdelay $0x1  }
0x35e: {  	v44 =	vmul.f32 v36, v32;
	v34 =	vadd.f32 v35, v34  }
0x35f: {  	v45 =	vadd.s32 s23, v15  }
0x360: {  	v46 =	vmul.f32 v43, v33;
	v34 =	vadd.f32 v44, v34;
	_ =	sdelay $0x1  }
0x361: {  	v34 =	vadd.f32 v46, v34;
	_ =	sdelay $0x1  }
0x362: {  	[tilespmem:v45+s14+$0x0] =	vst.idx.msk $0xffff, v34  }
0x363: {  	v34 =	vld [tilespmem:s22+$0xE5A0]  }
0x364: {  	v47 =	vld [tilespmem:s24+$0xE5A0];
	_ =	sdelay $0x1  }
0x365: {  	v36 =	vld [tilespmem:s22+$0x155A0];
	_ =	sdelay $0x1  }
0x366: {  	v48 =	vld [tilespmem:s22+$0x18DA0]  }
0x367: {  	v34 =	vmul.f32 v34, v30;
	v35 =	vmul.f32 v47, v31;
	_ =	sdelay $0x1  }
0x368: {  	v49 =	vmul.f32 v36, v32;
	v34 =	vadd.f32 v35, v34  }
0x369: {  	v50 =	vadd.s32 s23, v16  }
0x36a: {  	v51 =	vmul.f32 v48, v33;
	v34 =	vadd.f32 v49, v34;
	_ =	sdelay $0x1  }
0x36b: {  	v34 =	vadd.f32 v51, v34;
	_ =	sdelay $0x1  }
0x36c: {  	[tilespmem:v50+s14+$0x0] =	vst.idx.msk $0xffff, v34  }
0x36d: {  	v34 =	vld [tilespmem:s22+$0xE5B0]  }
0x36e: {  	v52 =	vld [tilespmem:s24+$0xE5B0];
	_ =	sdelay $0x1  }
0x36f: {  	v36 =	vld [tilespmem:s22+$0x155B0];
	_ =	sdelay $0x1  }
0x370: {  	v53 =	vld [tilespmem:s22+$0x18DB0]  }
0x371: {  	v34 =	vmul.f32 v34, v30;
	v35 =	vmul.f32 v52, v31;
	_ =	sdelay $0x1  }
0x372: {  	v54 =	vmul.f32 v36, v32;
	v34 =	vadd.f32 v35, v34  }
0x373: {  	v55 =	vadd.s32 s23, v17  }
0x374: {  	v56 =	vmul.f32 v53, v33;
	v34 =	vadd.f32 v54, v34;
	_ =	sdelay $0x1  }
0x375: {  	v34 =	vadd.f32 v56, v34;
	_ =	sdelay $0x1  }
0x376: {  	[tilespmem:v55+s14+$0x0] =	vst.idx.msk $0xffff, v34  }
0x377: {  	v34 =	vld [tilespmem:s24+$0xE5C0]  }
0x378: {  	v57 =	vld [tilespmem:s22+$0xE5C0];
	_ =	sdelay $0x1  }
0x379: {  	v36 =	vld [tilespmem:s22+$0x155C0];
	_ =	sdelay $0x1  }
0x37a: {  	v58 =	vld [tilespmem:s22+$0x18DC0]  }
0x37b: {  	v34 =	vmul.f32 v34, v31;
	v35 =	vmul.f32 v57, v30;
	_ =	sdelay $0x1  }
0x37c: {  	v36 =	vmul.f32 v36, v32;
	v34 =	vadd.f32 v34, v35  }
0x37d: {  	v59 =	vadd.s32 s23, v18  }
0x37e: {  	v37 =	vmul.f32 v58, v33;
	v34 =	vadd.f32 v36, v34;
	_ =	sdelay $0x1  }
0x37f: {  	v34 =	vadd.f32 v37, v34;
	_ =	sdelay $0x1  }
0x380: {  	[tilespmem:v59+s14+$0x0] =	vst.idx.msk $0xffff, v34  }
0x381: {  	v34 =	vld [tilespmem:s22+$0xE5D0]  }
0x382: {  	v35 =	vld [tilespmem:s24+$0xE5D0];
	_ =	sdelay $0x1  }
0x383: {  	v60 =	vld [tilespmem:s22+$0x155D0];
	_ =	sdelay $0x1  }
0x384: {  	v61 =	vld [tilespmem:s22+$0x18DD0]  }
0x385: {  	v34 =	vmul.f32 v34, v30;
	v35 =	vmul.f32 v35, v31;
	_ =	sdelay $0x1  }
0x386: {  	v36 =	vmul.f32 v60, v32;
	v34 =	vadd.f32 v35, v34  }
0x387: {  	v62 =	vadd.s32 s23, v19  }
0x388: {  	v37 =	vmul.f32 v61, v33;
	v34 =	vadd.f32 v36, v34;
	_ =	sdelay $0x1  }
0x389: {  	v34 =	vadd.f32 v37, v34;
	_ =	sdelay $0x1  }
0x38a: {  	[tilespmem:v62+s14+$0x0] =	vst.idx.msk $0xffff, v34  }
0x38b: {  	v34 =	vld [tilespmem:s22+$0xE5E0]  }
0x38c: {  	v35 =	vld [tilespmem:s24+$0xE5E0];
	_ =	sdelay $0x1  }
0x38d: {  	v63 =	vld [tilespmem:s22+$0x155E0];
	_ =	sdelay $0x1  }
0x38e: {  	v40 =	vld [tilespmem:s22+$0x18DE0]  }
0x38f: {  	v34 =	vmul.f32 v34, v30;
	v35 =	vmul.f32 v35, v31;
	_ =	sdelay $0x1  }
0x390: {  	v36 =	vmul.f32 v63, v32;
	v34 =	vadd.f32 v35, v34  }
0x391: {  	v41 =	vadd.s32 s23, v20  }
0x392: {  	v37 =	vmul.f32 v40, v33;
	v34 =	vadd.f32 v36, v34;
	_ =	sdelay $0x1  }
0x393: {  	v34 =	vadd.f32 v37, v34;
	_ =	sdelay $0x1  }
0x394: {  	[tilespmem:v41+s14+$0x0] =	vst.idx.msk $0xffff, v34  }
0x395: {  	v34 =	vld [tilespmem:s22+$0xE5F0]  }
0x396: {  	v35 =	vld [tilespmem:s24+$0xE5F0];
	_ =	sdelay $0x1  }
0x397: {  	v42 =	vld [tilespmem:s22+$0x155F0];
	_ =	sdelay $0x1  }
0x398: {  	v43 =	vld [tilespmem:s22+$0x18DF0]  }
0x399: {  	v34 =	vmul.f32 v34, v30;
	v35 =	vmul.f32 v35, v31;
	_ =	sdelay $0x1  }
0x39a: {  	v36 =	vmul.f32 v42, v32;
	v34 =	vadd.f32 v35, v34  }
0x39b: {  	v44 =	vadd.s32 s23, v21  }
0x39c: {  	v37 =	vmul.f32 v43, v33;
	v34 =	vadd.f32 v36, v34;
	_ =	sdelay $0x1  }
0x39d: {  	v34 =	vadd.f32 v37, v34;
	_ =	sdelay $0x1  }
0x39e: {  	[tilespmem:v44+s14+$0x0] =	vst.idx.msk $0xffff, v34  }
0x39f: {  	s28 =	sadd.s32 $0x3C00, s22;
	v34 =	vld [tilespmem:s22+$0xE980]  }
0x3a0: {  	v35 =	vld [tilespmem:s28+$0xE580];
	_ =	sdelay $0x1  }
0x3a1: {  	v45 =	vld [tilespmem:s22+$0x15980];
	_ =	sdelay $0x1  }
0x3a2: {  	v46 =	vld [tilespmem:s22+$0x19180]  }
0x3a3: {  	v34 =	vmul.f32 v34, v30;
	v35 =	vmul.f32 v35, v31;
	_ =	sdelay $0x1  }
0x3a4: {  	v36 =	vmul.f32 v45, v32;
	v34 =	vadd.f32 v35, v34  }
0x3a5: {  	v47 =	vadd.s32 s23, v22  }
0x3a6: {  	v37 =	vmul.f32 v46, v33;
	v34 =	vadd.f32 v36, v34;
	_ =	sdelay $0x1  }
0x3a7: {  	v34 =	vadd.f32 v37, v34;
	_ =	sdelay $0x1  }
0x3a8: {  	[tilespmem:v47+s14+$0x0] =	vst.idx.msk $0xffff, v34  }
0x3a9: {  	v34 =	vld [tilespmem:s22+$0xE990]  }
0x3aa: {  	v35 =	vld [tilespmem:s28+$0xE590];
	_ =	sdelay $0x1  }
0x3ab: {  	v48 =	vld [tilespmem:s22+$0x15990];
	_ =	sdelay $0x1  }
0x3ac: {  	v49 =	vld [tilespmem:s22+$0x19190]  }
0x3ad: {  	v34 =	vmul.f32 v34, v30;
	v35 =	vmul.f32 v35, v31;
	_ =	sdelay $0x1  }
0x3ae: {  	v36 =	vmul.f32 v48, v32;
	v34 =	vadd.f32 v35, v34  }
0x3af: {  	v50 =	vadd.s32 s23, v23  }
0x3b0: {  	v37 =	vmul.f32 v49, v33;
	v34 =	vadd.f32 v36, v34;
	_ =	sdelay $0x1  }
0x3b1: {  	v34 =	vadd.f32 v37, v34;
	_ =	sdelay $0x1  }
0x3b2: {  	[tilespmem:v50+s14+$0x0] =	vst.idx.msk $0xffff, v34  }
0x3b3: {  	v34 =	vld [tilespmem:s22+$0xE9A0]  }
0x3b4: {  	v35 =	vld [tilespmem:s28+$0xE5A0];
	_ =	sdelay $0x1  }
0x3b5: {  	v51 =	vld [tilespmem:s22+$0x159A0];
	_ =	sdelay $0x1  }
0x3b6: {  	v52 =	vld [tilespmem:s22+$0x191A0]  }
0x3b7: {  	v34 =	vmul.f32 v34, v30;
	v35 =	vmul.f32 v35, v31;
	_ =	sdelay $0x1  }
0x3b8: {  	v36 =	vmul.f32 v51, v32;
	v34 =	vadd.f32 v35, v34  }
0x3b9: {  	v53 =	vadd.s32 s23, v24  }
0x3ba: {  	v37 =	vmul.f32 v52, v33;
	v34 =	vadd.f32 v36, v34;
	_ =	sdelay $0x1  }
0x3bb: {  	v34 =	vadd.f32 v37, v34;
	_ =	sdelay $0x1  }
0x3bc: {  	[tilespmem:v53+s14+$0x0] =	vst.idx.msk $0xffff, v34  }
0x3bd: {  	v34 =	vld [tilespmem:s22+$0xE9B0]  }
0x3be: {  	v35 =	vld [tilespmem:s28+$0xE5B0];
	_ =	sdelay $0x1  }
0x3bf: {  	v54 =	vld [tilespmem:s22+$0x159B0];
	_ =	sdelay $0x1  }
0x3c0: {  	v55 =	vld [tilespmem:s22+$0x191B0]  }
0x3c1: {  	v34 =	vmul.f32 v34, v30;
	v35 =	vmul.f32 v35, v31;
	_ =	sdelay $0x1  }
0x3c2: {  	v56 =	vmul.f32 v54, v32;
	v34 =	vadd.f32 v35, v34  }
0x3c3: {  	v57 =	vadd.s32 s23, v25  }
0x3c4: {  	v58 =	vmul.f32 v55, v33;
	v34 =	vadd.f32 v56, v34;
	_ =	sdelay $0x1  }
0x3c5: {  	v34 =	vadd.f32 v58, v34;
	_ =	sdelay $0x1  }
0x3c6: {  	[tilespmem:v57+s14+$0x0] =	vst.idx.msk $0xffff, v34  }
0x3c7: {  	v34 =	vld [tilespmem:s22+$0xE9C0]  }
0x3c8: {  	v59 =	vld [tilespmem:s28+$0xE5C0];
	_ =	sdelay $0x1  }
0x3c9: {  	v36 =	vld [tilespmem:s22+$0x159C0];
	_ =	sdelay $0x1  }
0x3ca: {  	v60 =	vld [tilespmem:s22+$0x191C0]  }
0x3cb: {  	v34 =	vmul.f32 v34, v30;
	v35 =	vmul.f32 v59, v31;
	_ =	sdelay $0x1  }
0x3cc: {  	v36 =	vmul.f32 v36, v32;
	v34 =	vadd.f32 v35, v34  }
0x3cd: {  	v61 =	vadd.s32 s23, v26  }
0x3ce: {  	v37 =	vmul.f32 v60, v33;
	v34 =	vadd.f32 v36, v34;
	_ =	sdelay $0x1  }
0x3cf: {  	v34 =	vadd.f32 v37, v34;
	_ =	sdelay $0x1  }
0x3d0: {  	[tilespmem:v61+s14+$0x0] =	vst.idx.msk $0xffff, v34  }
0x3d1: {  	v34 =	vld [tilespmem:s22+$0xE9D0]  }
0x3d2: {  	v35 =	vld [tilespmem:s28+$0xE5D0];
	_ =	sdelay $0x1  }
0x3d3: {  	v62 =	vld [tilespmem:s22+$0x159D0];
	_ =	sdelay $0x1  }
0x3d4: {  	v63 =	vld [tilespmem:s22+$0x191D0]  }
0x3d5: {  	v34 =	vmul.f32 v34, v30;
	v35 =	vmul.f32 v35, v31;
	_ =	sdelay $0x1  }
0x3d6: {  	v36 =	vmul.f32 v62, v32;
	v38 =	vadd.f32 v35, v34  }
0x3d7: {  	v34 =	vadd.s32 s23, v28  }
0x3d8: {  	s25 =	simm.s32 $0x1;
	s26 =	simm.s32 $0x0;
	s24 =	simm.s32 $0x0;
	v35 =	vmul.f32 v63, v33;
	v36 =	vadd.f32 v36, v38  }
.LBB2_5:
0x3d9: {  	p0 =	sne.s32 s25, $0x30;
	s23 =	sadd.s32 $0x80, s23;
	s26 =	sadd.s32 $0x100, s26  }
0x3da: {  	s30 =	smov.u32 s25;
	s25 =	sadd.s32 $0x1, s25;
	v35 =	vadd.f32 v35, v36;
	_ =	sdelay $0x1  }
0x3db: {  	[tilespmem:v34+s14+$0x0] =	vst.idx.msk $0xffff, v35  }
0x3dc: {  	v34 =	vld [tilespmem:s22+$0xE9E0]  }
0x3dd: {  	v35 =	vld [tilespmem:s28+$0xE5E0]  }
0x3de: {  	v36 =	vld [tilespmem:s22+$0x159E0]  }
0x3df: {  	v37 =	vld [tilespmem:s22+$0x191E0];
	_ =	sdelay $0x1  }
0x3e0: {  	v34 =	vmul.f32 v34, v30  }
0x3e1: {  	v35 =	vmul.f32 v35, v31  }
0x3e2: {  	v36 =	vmul.f32 v36, v32  }
0x3e3: {  	v34 =	vadd.f32 v35, v34;
	v35 =	vmul.f32 v37, v33  }
0x3e4: {  	v38 =	vadd.s32 s24, v29;
	v37 =	vmov s30  }
0x3e5: {  	v39 =	vadd.s32 $0x38, v37;
	v40 =	vadd.s32 $0x70, v37;
	v34 =	vadd.f32 v36, v34;
	_ =	sdelay $0x1  }
0x3e6: {  	s29 =	sand.u32 $0x3800, s26;
	s31 =	sand.u32 $0x380, s23;
	v36 =	vadd.s32 $0xA8, v37;
	v34 =	vadd.f32 v35, v34  }
0x3e7: {  	s31 =	sor.u32 s31, s29  }
0x3e8: {  	s29 =	sadd.s32 $0x3800, s31;
	[tilespmem:v38+s14+$0x0] =	vst.idx.msk $0xffff, v34  }
0x3e9: {  	v34 =	vld [tilespmem:s22+$0xE9F0]  }
0x3ea: {  	v35 =	vld [tilespmem:s28+$0xE5F0]  }
0x3eb: {  	v38 =	vld [tilespmem:s22+$0x159F0]  }
0x3ec: {  	v41 =	vld [tilespmem:s22+$0x191F0];
	s22 =	smov.u32 s31;
	_ =	sdelay $0x1  }
0x3ed: {  	v30 =	vmul.f32 v34, v30  }
0x3ee: {  	v31 =	vmul.f32 v35, v31  }
0x3ef: {  	v32 =	vmul.f32 v38, v32  }
0x3f0: {  	v30 =	vadd.f32 v31, v30;
	v31 =	vmul.f32 v41, v33  }
0x3f1: {  	v33 =	vadd.s32 s24, v27;
	s24 =	smov.u32 s30  }
0x3f2: {  	v30 =	vadd.f32 v32, v30;
	_ =	sdelay $0x1  }
0x3f3: {  	v30 =	vadd.f32 v31, v30;
	_ =	sdelay $0x1  }
0x3f4: {  	[tilespmem:v33+s14+$0x0] =	vst.idx.msk $0xffff, v30  }
0x3f5: {  	v30 =	vld.idx.msk [tilespmem:v37+s18+$0x0], $0xffff  }
0x3f6: {  	v34 =	vld [tilespmem:s22+$0xE580]  }
0x3f7: {  	v35 =	vld [tilespmem:s29+$0xE580]  }
0x3f8: {  	v31 =	vld.idx.msk [tilespmem:v39+s18+$0x0], $0xffff  }
0x3f9: {  	v32 =	vld.idx.msk [tilespmem:v40+s18+$0x0], $0xffff  }
0x3fa: {  	v37 =	vld [tilespmem:s22+$0x15580];
	_ =	sdelay $0x1  }
0x3fb: {  	v33 =	vld.idx.msk [tilespmem:v36+s18+$0x0], $0xffff  }
0x3fc: {  	v36 =	vld [tilespmem:s22+$0x18D80]  }
0x3fd: {  	v34 =	vmul.f32 v34, v30;
	v35 =	vmul.f32 v35, v31  }
0x3fe: {  	v37 =	vmul.f32 v37, v32  }
0x3ff: {  	v34 =	vadd.f32 v35, v34  }
0x400: {  	v35 =	vadd.s32 s24, v14  }
0x401: {  	v34 =	vadd.f32 v37, v34;
	v36 =	vmul.f32 v36, v33;
	_ =	sdelay $0x1  }
0x402: {  	v34 =	vadd.f32 v36, v34;
	_ =	sdelay $0x1  }
0x403: {  	[tilespmem:v35+s14+$0x0] =	vst.idx.msk $0xffff, v34  }
0x404: {  	v34 =	vld [tilespmem:s22+$0xE590]  }
0x405: {  	v35 =	vld [tilespmem:s29+$0xE590];
	_ =	sdelay $0x1  }
0x406: {  	v36 =	vld [tilespmem:s22+$0x15590];
	_ =	sdelay $0x1  }
0x407: {  	v37 =	vld [tilespmem:s22+$0x18D90]  }
0x408: {  	v34 =	vmul.f32 v34, v30;
	v35 =	vmul.f32 v35, v31;
	_ =	sdelay $0x1  }
0x409: {  	v34 =	vadd.f32 v35, v34;
	v35 =	vmul.f32 v36, v32  }
0x40a: {  	v36 =	vadd.s32 s24, v15  }
0x40b: {  	v34 =	vadd.f32 v35, v34;
	v35 =	vmul.f32 v37, v33;
	_ =	sdelay $0x1  }
0x40c: {  	v34 =	vadd.f32 v35, v34;
	_ =	sdelay $0x1  }
0x40d: {  	[tilespmem:v36+s14+$0x0] =	vst.idx.msk $0xffff, v34  }
0x40e: {  	v34 =	vld [tilespmem:s22+$0xE5A0]  }
0x40f: {  	v35 =	vld [tilespmem:s29+$0xE5A0];
	_ =	sdelay $0x1  }
0x410: {  	v36 =	vld [tilespmem:s22+$0x155A0];
	_ =	sdelay $0x1  }
0x411: {  	v37 =	vld [tilespmem:s22+$0x18DA0]  }
0x412: {  	v34 =	vmul.f32 v34, v30;
	v35 =	vmul.f32 v35, v31;
	_ =	sdelay $0x1  }
0x413: {  	v34 =	vadd.f32 v35, v34;
	v35 =	vmul.f32 v36, v32  }
0x414: {  	v36 =	vadd.s32 s24, v16  }
0x415: {  	v34 =	vadd.f32 v35, v34;
	v35 =	vmul.f32 v37, v33;
	_ =	sdelay $0x1  }
0x416: {  	v34 =	vadd.f32 v35, v34;
	_ =	sdelay $0x1  }
0x417: {  	[tilespmem:v36+s14+$0x0] =	vst.idx.msk $0xffff, v34  }
0x418: {  	v34 =	vld [tilespmem:s22+$0xE5B0]  }
0x419: {  	v35 =	vld [tilespmem:s29+$0xE5B0];
	_ =	sdelay $0x1  }
0x41a: {  	v36 =	vld [tilespmem:s22+$0x155B0];
	_ =	sdelay $0x1  }
0x41b: {  	v34 =	vmul.f32 v34, v30;
	v37 =	vld [tilespmem:s22+$0x18DB0]  }
0x41c: {  	v35 =	vmul.f32 v35, v31;
	_ =	sdelay $0x1  }
0x41d: {  	v34 =	vadd.f32 v35, v34;
	v35 =	vmul.f32 v36, v32  }
0x41e: {  	v36 =	vadd.s32 s24, v17  }
0x41f: {  	v34 =	vadd.f32 v35, v34;
	v35 =	vmul.f32 v37, v33;
	_ =	sdelay $0x1  }
0x420: {  	v34 =	vadd.f32 v35, v34;
	_ =	sdelay $0x1  }
0x421: {  	[tilespmem:v36+s14+$0x0] =	vst.idx.msk $0xffff, v34  }
0x422: {  	v34 =	vld [tilespmem:s29+$0xE5C0]  }
0x423: {  	v35 =	vld [tilespmem:s22+$0xE5C0]  }
0x424: {  	v36 =	vld [tilespmem:s22+$0x155C0]  }
0x425: {  	v37 =	vld [tilespmem:s22+$0x18DC0];
	_ =	sdelay $0x1  }
0x426: {  	v34 =	vmul.f32 v34, v31  }
0x427: {  	v35 =	vmul.f32 v35, v30  }
0x428: {  	v36 =	vmul.f32 v36, v32  }
0x429: {  	v34 =	vadd.f32 v34, v35;
	v35 =	vmul.f32 v37, v33  }
0x42a: {  	v37 =	vadd.s32 s24, v18  }
0x42b: {  	v34 =	vadd.f32 v36, v34;
	_ =	sdelay $0x1  }
0x42c: {  	v34 =	vadd.f32 v35, v34;
	_ =	sdelay $0x1  }
0x42d: {  	[tilespmem:v37+s14+$0x0] =	vst.idx.msk $0xffff, v34  }
0x42e: {  	v34 =	vld [tilespmem:s22+$0xE5D0]  }
0x42f: {  	v35 =	vld [tilespmem:s29+$0xE5D0]  }
0x430: {  	v36 =	vld [tilespmem:s22+$0x155D0]  }
0x431: {  	v37 =	vld [tilespmem:s22+$0x18DD0];
	_ =	sdelay $0x2  }
0x432: {  	v34 =	vmul.f32 v34, v30;
	v35 =	vmul.f32 v35, v31  }
0x433: {  	v36 =	vmul.f32 v36, v32  }
0x434: {  	v34 =	vadd.f32 v35, v34;
	v35 =	vmul.f32 v37, v33  }
0x435: {  	v37 =	vadd.s32 s24, v19  }
0x436: {  	v34 =	vadd.f32 v36, v34;
	_ =	sdelay $0x1  }
0x437: {  	v34 =	vadd.f32 v35, v34;
	_ =	sdelay $0x1  }
0x438: {  	[tilespmem:v37+s14+$0x0] =	vst.idx.msk $0xffff, v34  }
0x439: {  	v34 =	vld [tilespmem:s22+$0xE5E0]  }
0x43a: {  	v35 =	vld [tilespmem:s29+$0xE5E0]  }
0x43b: {  	v36 =	vld [tilespmem:s22+$0x155E0]  }
0x43c: {  	v37 =	vld [tilespmem:s22+$0x18DE0];
	_ =	sdelay $0x1  }
0x43d: {  	v34 =	vmul.f32 v34, v30  }
0x43e: {  	v35 =	vmul.f32 v35, v31  }
0x43f: {  	v36 =	vmul.f32 v36, v32  }
0x440: {  	v34 =	vadd.f32 v35, v34;
	v35 =	vmul.f32 v37, v33  }
0x441: {  	v37 =	vadd.s32 s24, v20  }
0x442: {  	v34 =	vadd.f32 v36, v34;
	_ =	sdelay $0x1  }
0x443: {  	v34 =	vadd.f32 v35, v34;
	_ =	sdelay $0x1  }
0x444: {  	[tilespmem:v37+s14+$0x0] =	vst.idx.msk $0xffff, v34  }
0x445: {  	v34 =	vld [tilespmem:s22+$0xE5F0]  }
0x446: {  	v35 =	vld [tilespmem:s29+$0xE5F0]  }
0x447: {  	v36 =	vld [tilespmem:s22+$0x155F0]  }
0x448: {  	v37 =	vld [tilespmem:s22+$0x18DF0];
	_ =	sdelay $0x2  }
0x449: {  	v34 =	vmul.f32 v34, v30;
	v35 =	vmul.f32 v35, v31  }
0x44a: {  	v36 =	vmul.f32 v36, v32  }
0x44b: {  	v34 =	vadd.f32 v35, v34;
	v35 =	vmul.f32 v37, v33  }
0x44c: {  	v37 =	vadd.s32 s24, v21  }
0x44d: {  	v34 =	vadd.f32 v36, v34;
	_ =	sdelay $0x1  }
0x44e: {  	v34 =	vadd.f32 v35, v34;
	_ =	sdelay $0x1  }
0x44f: {  	[tilespmem:v37+s14+$0x0] =	vst.idx.msk $0xffff, v34  }
0x450: {  	s28 =	sadd.s32 $0x3C00, s22;
	v34 =	vld [tilespmem:s22+$0xE980]  }
0x451: {  	v35 =	vld [tilespmem:s28+$0xE580]  }
0x452: {  	v36 =	vld [tilespmem:s22+$0x15980]  }
0x453: {  	v37 =	vld [tilespmem:s22+$0x19180];
	_ =	sdelay $0x2  }
0x454: {  	v34 =	vmul.f32 v34, v30;
	v35 =	vmul.f32 v35, v31  }
0x455: {  	v36 =	vmul.f32 v36, v32  }
0x456: {  	v34 =	vadd.f32 v35, v34;
	v35 =	vmul.f32 v37, v33  }
0x457: {  	v37 =	vadd.s32 s24, v22  }
0x458: {  	v34 =	vadd.f32 v36, v34;
	_ =	sdelay $0x1  }
0x459: {  	v34 =	vadd.f32 v35, v34;
	_ =	sdelay $0x1  }
0x45a: {  	[tilespmem:v37+s14+$0x0] =	vst.idx.msk $0xffff, v34  }
0x45b: {  	v34 =	vld [tilespmem:s22+$0xE990]  }
0x45c: {  	v35 =	vld [tilespmem:s28+$0xE590]  }
0x45d: {  	v36 =	vld [tilespmem:s22+$0x15990]  }
0x45e: {  	v37 =	vld [tilespmem:s22+$0x19190];
	_ =	sdelay $0x1  }
0x45f: {  	v34 =	vmul.f32 v34, v30  }
0x460: {  	v35 =	vmul.f32 v35, v31  }
0x461: {  	v36 =	vmul.f32 v36, v32  }
0x462: {  	v34 =	vadd.f32 v35, v34;
	v35 =	vmul.f32 v37, v33  }
0x463: {  	v37 =	vadd.s32 s24, v23  }
0x464: {  	v34 =	vadd.f32 v36, v34;
	_ =	sdelay $0x1  }
0x465: {  	v34 =	vadd.f32 v35, v34;
	_ =	sdelay $0x1  }
0x466: {  	[tilespmem:v37+s14+$0x0] =	vst.idx.msk $0xffff, v34  }
0x467: {  	v34 =	vld [tilespmem:s22+$0xE9A0]  }
0x468: {  	v35 =	vld [tilespmem:s28+$0xE5A0]  }
0x469: {  	v36 =	vld [tilespmem:s22+$0x159A0]  }
0x46a: {  	v37 =	vld [tilespmem:s22+$0x191A0];
	_ =	sdelay $0x1  }
0x46b: {  	v34 =	vmul.f32 v34, v30  }
0x46c: {  	v35 =	vmul.f32 v35, v31  }
0x46d: {  	v36 =	vmul.f32 v36, v32  }
0x46e: {  	v34 =	vadd.f32 v35, v34;
	v35 =	vmul.f32 v37, v33  }
0x46f: {  	v37 =	vadd.s32 s24, v24  }
0x470: {  	v34 =	vadd.f32 v36, v34;
	_ =	sdelay $0x1  }
0x471: {  	v34 =	vadd.f32 v35, v34;
	_ =	sdelay $0x1  }
0x472: {  	[tilespmem:v37+s14+$0x0] =	vst.idx.msk $0xffff, v34  }
0x473: {  	v34 =	vld [tilespmem:s22+$0xE9B0]  }
0x474: {  	v35 =	vld [tilespmem:s28+$0xE5B0]  }
0x475: {  	v36 =	vld [tilespmem:s22+$0x191B0]  }
0x476: {  	v37 =	vld [tilespmem:s22+$0x159B0];
	_ =	sdelay $0x2  }
0x477: {  	v34 =	vmul.f32 v34, v30;
	v35 =	vmul.f32 v35, v31;
	_ =	sdelay $0x1  }
0x478: {  	v34 =	vadd.f32 v35, v34;
	v35 =	vmul.f32 v37, v32  }
0x479: {  	v37 =	vadd.s32 s24, v25  }
0x47a: {  	v34 =	vadd.f32 v35, v34;
	v35 =	vmul.f32 v36, v33;
	_ =	sdelay $0x1  }
0x47b: {  	v34 =	vadd.f32 v35, v34;
	_ =	sdelay $0x1  }
0x47c: {  	[tilespmem:v37+s14+$0x0] =	vst.idx.msk $0xffff, v34  }
0x47d: {  	v34 =	vld [tilespmem:s22+$0xE9C0]  }
0x47e: {  	v35 =	vld [tilespmem:s28+$0xE5C0]  }
0x47f: {  	v36 =	vld [tilespmem:s22+$0x159C0]  }
0x480: {  	v37 =	vld [tilespmem:s22+$0x191C0];
	_ =	sdelay $0x1  }
0x481: {  	v34 =	vmul.f32 v34, v30  }
0x482: {  	v35 =	vmul.f32 v35, v31  }
0x483: {  	v36 =	vmul.f32 v36, v32  }
0x484: {  	v34 =	vadd.f32 v35, v34;
	v35 =	vmul.f32 v37, v33  }
0x485: {  	v37 =	vadd.s32 s24, v26  }
0x486: {  	v34 =	vadd.f32 v36, v34;
	_ =	sdelay $0x1  }
0x487: {  	v34 =	vadd.f32 v35, v34;
	_ =	sdelay $0x1  }
0x488: {  	[tilespmem:v37+s14+$0x0] =	vst.idx.msk $0xffff, v34  }
0x489: {  	v34 =	vld [tilespmem:s22+$0xE9D0]  }
0x48a: {  	v35 =	vld [tilespmem:s28+$0xE5D0]  }
0x48b: {  	v36 =	vld [tilespmem:s22+$0x159D0]  }
0x48c: {  	v37 =	vld [tilespmem:s22+$0x191D0];
	_ =	sdelay $0x1  }
0x48d: {  	v34 =	vmul.f32 v34, v30  }
.Ltmp1:
0x48e: {  	v35 =	vmul.f32 v35, v31;
	(pc) =	sbr.rel @p0 .LBB2_5-.Ltmp1, $4  }
0x48f: {  	v36 =	vmul.f32 v36, v32  }
0x490: {  	v38 =	vadd.f32 v35, v34;
	v35 =	vmul.f32 v37, v33  }
0x491: {  	v34 =	vadd.s32 s24, v28  }
0x492: {  	v36 =	vadd.f32 v36, v38  }
0x493: {  	_ =	sdelay $0x1  }
0x494: {  	v14 =	vadd.f32 v35, v36;
	_ =	sdelay $0x1  }
0x495: {  	[tilespmem:v34+s14+$0x0] =	vst.idx.msk $0xffff, v14  }
0x496: {  	v14 =	vld [tilespmem:s22+$0xE9E0]  }
0x497: {  	v15 =	vld [tilespmem:s28+$0xE5E0];
	_ =	sdelay $0x1  }
0x498: {  	v16 =	vld [tilespmem:s22+$0x159E0];
	_ =	sdelay $0x1  }
0x499: {  	v17 =	vld [tilespmem:s22+$0x191E0]  }
0x49a: {  	v14 =	vmul.f32 v14, v30;
	v15 =	vmul.f32 v15, v31;
	_ =	sdelay $0x1  }
0x49b: {  	v16 =	vmul.f32 v16, v32;
	v14 =	vadd.f32 v15, v14  }
0x49c: {  	v15 =	vadd.s32 s24, v29  }
0x49d: {  	v17 =	vmul.f32 v17, v33;
	v14 =	vadd.f32 v16, v14;
	_ =	sdelay $0x1  }
0x49e: {  	v14 =	vadd.f32 v17, v14;
	_ =	sdelay $0x1  }
0x49f: {  	[tilespmem:v15+s14+$0x0] =	vst.idx.msk $0xffff, v14  }
0x4a0: {  	v14 =	vld [tilespmem:s22+$0xE9F0]  }
0x4a1: {  	v15 =	vld [tilespmem:s28+$0xE5F0];
	_ =	sdelay $0x1  }
0x4a2: {  	v62 =	vld [tilespmem:s22+$0x159F0];
	_ =	sdelay $0x1  }
0x4a3: {  	v63 =	vld [tilespmem:s22+$0x191F0]  }
0x4a4: {  	v14 =	vmul.f32 v14, v30;
	v15 =	vmul.f32 v15, v31;
	_ =	sdelay $0x1  }
0x4a5: {  	v16 =	vmul.f32 v62, v32;
	v14 =	vadd.f32 v15, v14  }
0x4a6: {  	v15 =	vadd.s32 s24, v27  }
0x4a7: {  	s20 =	sshll.u32 s20, $0x7;
	v17 =	vmul.f32 v63, v33;
	v14 =	vadd.f32 v16, v14  }
0x4a8: {  	s20 =	sand.u32 $0x380, s20  }
0x4a9: {  	s19 =	sadd.s32 $0x1, s19;
	s20 =	sor.u32 s20, s21;
	v14 =	vadd.f32 v17, v14  }
0x4aa: {  	p0 =	sne.s32 s19, $0x10;
	s20 =	sshrl.u32 s20, $0x3  }
.Ltmp2:
0x4ab: {  	s20 =	sadd.s32 s5, s20;
	[tilespmem:v15+s14+$0x0] =	vst.idx.msk $0xffff, v14;
	(pc) =	sbr.rel @p0 .LBB2_2-.Ltmp2, $4  }
0x4ac: {  	[hbm4b:s20+s15] =	stream.strided.scatter [tilespmem:s14], [sflag:$0x3], $0x3100, s16, s15, $0x38;
	[tilespmem:$0x1F680] =	vst v63  }
0x4ad: {  	_ =	swait.ge [sflag:s8], $0x3100  }
0x4ae: {  	[sflag:s8] =	ssyncset.done $0x0  }
0x4af: {  	[sflag:s8] =	ssyncadd.s32 $0xFFFFCF00  }
0x4b0: {  	s20 =	rddreg [dreg:$0x5]  }
0x4b1: {  	s19 =	rddreg [dreg:$0x4];
	s20 =	sadd.s32 $0x1, s20  }
0x4b2: {  	p0 =	sne.s32 s20, s19  }
.Ltmp3:
0x4b3: {  	_ = 	snop;
	(pc) =	sbr.rel @p0 .LBB2_1-.Ltmp3, $1  }
0x4b4: {  	_ =	sdelay $0x3  }
0x4b5: {  	_ =	sfence.sel $0x180000  }
0x4b6: {  	[bflag:$0x0] =	sbarrier.arrive $0xFFFF  }
0x4b7: {  	_ =	strace $0x90000047  }
0x4b8: {  	s0 =	stileid.u32;
	[bflag:$0x2] =	sbarrier.arrive $0xFFFF  }
0x4b9: {  	p0 =	sne.s32 s0, $0x0;
	s0 =	rddreg [dreg:$0x2]  }
0x4ba: {  	s0 =	sadd.s32 @!p0 $0x100000, s0  }
0x4bb: {  	[sflag:s0] =	ssyncadd.tile.s32 @!p0 $0x1;
	_ =	shalt  }
.Lfunc_end2:
_tile_overlayer_lowered:
.L_overlay_start_2:
0x4bc: {  	(tag) =	ssettag $0x2  }
0x4bd: {  	s0 =	rddreg [dreg:$0x0];
	s2 =	stileid.u32  }
0x4be: {  	s1 =	rddreg [dreg:$0x1];
	p0 =	sne.s32 s2, $0x0  }
0x4bf: {  	s3 =	rddreg [dreg:$0x2];
	[bflag:$0x3] =	sbarrier.arrive $0xFFFF;
	s2 =	simm.s32 @!p0 $0x1C03  }
0x4c0: {  	[timem:s3], [sflag:s2] =	dma.local @!p0 [hbm:s0], s1  }
0x4c1: {  	s0 =	simm.s32 @!p0 $0x3  }
0x4c2: {  	_ =	swait.ge @!p0 [sflag:s0], s1  }
0x4c3: {  	s1 =	ssub.s32 @!p0 $0x0, s1;
	[sflag:s0] =	ssyncset.done @!p0 $0x0  }
0x4c4: {  	[sflag:s0] =	ssyncadd.s32 @!p0 s1  }
0x4c5: {  	[bflag:$0x3] =	sbarrier.arrive $0xFFFF  }
0x4c6: {  	_ =	shalt  }

// kernel: sparse-core-data-format-call.cloned.1.call-start
scs
called_computation_lowered:
.L_overlay_start_0:
0x0: {  	s2 =	sld [smem:$0x3FD9]  }
0x1: {  	s3 =	sld [smem:$0x3FFE];
	_ =	sdelay $0x1  }
0x2: {  	s1 =	srdreg.scid  }
0x3: {  	s0 =	sand.u32 $0x1, s1  }
0x4: {  	s18 =	sshll.u32 s0, $0xA;
	s2 =	sadd.s32 s3, s2  }
0x5: {  	s2 =	sadd.s32 s2, s18  }
0x6: {  	[smem:$0x3FC6] =	sst s2  }
0x7: {  	_ = 	snop  }
0x8: {  	s2 =	sld [smem:$0x3FD0];
	(tm) =	ssettm $0x1  }
0x9: {  	s19 =	sld [smem:$0x3FFB];
	_ =	sdelay $0x3  }
0xa: {  	_ =	strace s19  }
0xb: {  	s3 =	sld [smem:$0x3FFC];
	_ =	sdelay $0x3  }
0xc: {  	_ =	strace s3  }
0xd: {  	s3 =	sld [smem:$0x3FFD];
	_ =	sdelay $0x3  }
0xe: {  	_ =	strace s3  }
0xf: {  	_ =	strace $0x8FFFFFFF  }
0x10: {  	s20 =	sld [smem:$0x3FDB];
	_ =	sdelay $0x1  }
0x11: {  	s4 =	simm.s32 $_scs_section_size  }
0x12: {  	s5 =	simm.s32 $_size__tile_overlayer_lowered;
	s6 =	simm.s32 $_tile_overlayer_lowered  }
0x13: {  	s23 =	simm.s32 $0x1BFF;
	s22 =	sshll.u32 s6, $0x1;
	s3 =	sadd.s32 s4, s20  }
0x14: {  	s7 =	simm.s32 $0x0;
	s21 =	sshll.u32 s5, $0x1;
	s5 =	sadd.s32 s22, s3  }
0x15: {  	[timem:s7], [sflag:s23] =	dma.local [hbm:s5], s21  }
0x16: {  	_ =	swait.ge [sflag:s23], s21  }
0x17: {  	s4 =	ssub.s32 $0x0, s21;
	[sflag:s23] =	ssyncset.done $0x0  }
0x18: {  	[sflag:s23] =	ssyncadd.s32 s4;
	_ =	sdelay $0x1  }
0x19: {  	s24 =	simm.s32 $0x1B8B  }
0x1a: {  	_ =	swait.ge [sflag:s24], $0x1  }
0x1b: {  	[sflag:s24] =	ssyncset.done $0x0  }
0x1c: {  	s26 =	simm.s32 $0x1B8E;
	s25 =	sld [smem:$0x3FFE];
	[sflag:s24] =	ssyncadd.s32 $0xFFFFFFFF  }
0x1d: {  	s27 =	simm.s32 $execute0_lowered;
	[smem:$0x3FD2] =	sst s26  }
0x1e: {  	s5 =	sshll.u32 s27, $0x1;
	_ =	strace $0x80000049;
	[dreg:$0x1] =	wrdreg $0xFFFFFFFF  }
0x1f: {  	s28 =	simm.s32 $_size_execute0_lowered;
	s3 =	sadd.s32 s3, s5;
	[dreg:$0x0] =	wrdreg $0x0  }
0x20: {  	s5 =	sshll.u32 s28, $0x1;
	[dreg:$0x2] =	wrdreg s3  }
0x21: {  	[dreg:$0x3] =	wrdreg s5  }
0x22: {  	[dreg:$0x4] =	wrdreg $0xC0  }
0x23: {  	_ =	task [dreg:s7], $0x5FFFF  }
0x24: {  	[dreg:$0x1] =	wrdreg $0xFFFFFFFF  }
0x25: {  	[dreg:$0x0] =	wrdreg $0x60  }
0x26: {  	[dreg:$0x2] =	wrdreg s25  }
0x27: {  	[dreg:$0x3] =	wrdreg s2  }
0x28: {  	[dreg:$0x4] =	wrdreg $0x9  }
0x29: {  	_ =	task.clear_ibuf [dreg:s7], $0x5FFFF;
	_ =	strace $0x90000049  }
0x2a: {  	s29 =	simm.s32 $0x9;
	_ =	strace $0x8000004B  }
0x2b: {  	_ =	swait.ge [sflag:s29], $0x1  }
0x2c: {  	[sflag:s29] =	ssyncadd.s32 $0xFFFFFFFF  }
0x2d: {  	_ =	strace $0x9000004B  }
0x2e: {  	_ =	sfence  }
0x2f: {  	s30 =	sld [smem:$0x0];
	_ =	sdelay $0x2  }
0x30: {  	s31 =	sshll.u32 s1, $0xD;
	s1 =	sshrl.u32 s1, $0x2  }
0x31: {  	s3 =	sand.u32 $0x4000, s31;
	s1 =	sadd.s32 s1, s30  }
0x32: {  	s0 =	sor.u32 s3, s0;
	s1 =	sshll.u32 s1, $0x11  }
0x33: {  	s0 =	sor.u32 s1, s0  }
0x34: {  	s0 =	sadd.s32 $0x8F2B, s0  }
0x35: {  	[sflag:s0] =	ssyncadd.remote.s32 $0x1  }
0x36: {  	_ =	sfence.sel $0xFFFF  }
0x37: {  	[dreg:$0x0] =	wrdreg $0xFFFFFFFF;
	(pc) =	sbr.abs _section_cstart, $3  }
0x38: {  	[dreg:$0x1] =	wrdreg $0xFFFFFFFF  }
0x39: {  	_ =	task.clear_ibuf [dreg:s7], $0x2FFFF;
	_ =	strace $0x9FFFFFFF  }
0x3a: {  	(tm) =	ssettm $0x7FFFFFFF  }
0x3b: {  	_ =	shalt  }
tec
execute0_lowered:
.L_overlay_start_1:
0x0: {  	(tag) =	ssettag $0x1  }
0x1: {  	s0 =	stileid.u32  }
0x2: {  	s1 =	srdreg.scid;
	s6 =	rddreg [dreg:$0x0]  }
0x3: {  	s9 =	simm.s32 $0x1;
	s31 =	simm.s32 $0x2;
	s17 =	simm.s32 $0x0  }
0x4: {  	s2 =	sshll.u32 s0, $0x7;
	s3 =	sshll.u32 s0, $0x5;
	s4 =	sshll.u32 s1, $0x9  }
0x5: {  	s10 =	simm.s32 $0x800;
	s1 =	sand.u32 $0x80, s2;
	s24 =	sor.u32 s3, s4  }
0x6: {  	s26 =	sshrl.u32 s0, $0x1;
	s25 =	ssub.s32 $0x100, s1;
	s2 =	sand.u32 $0x380, s24  }
0x7: {  	s3 =	sand.u32 $0x1, s26;
	s5 =	sshrl.u32 s25, $0x7;
	s8 =	ssub.s32 $0x400, s2  }
0x8: {  	s7 =	sshrl.u32 s25, $0x8;
	s5 =	sand.u32 $0x1, s5;
	s28 =	sand.u32 $0x380, s8  }
0x9: {  	s29 =	ssub.s32 $0x4, s3;
	s27 =	sadd.s32 s7, s5;
	p0 =	sne.s32 s28, $0x0  }
0xa: {  	s8 =	sshrl.u32 s8, $0xA;
	s9 =	simm.s32 @!p0 $0x0;
	s7 =	smul.u32 s27, s29  }
0xb: {  	s15 =	simm.s32 $0x0;
	s18 =	simm.s32 $0x0;
	s8 =	sadd.s32 s9, s8  }
0xc: {  	s16 =	simm.s32 $0x0;
	s11 =	simm.s32 $0x0;
	s7 =	smul.u32 s8, s7  }
.Ltmp0:
0xd: {  	s14 =	simm.s32 $0x0;
	s4 =	rddreg [dreg:$0x2];
	(pc) =	sbr.rel .LBB1_1-.Ltmp0, $4  }
0xe: {  	s12 =	smov.u32 s3;
	s30 =	sadd.s32 s2, s6;
	s6 =	simm.s32 $0x1  }
0xf: {  	s5 =	rddreg [dreg:$0x1];
	_ =	strace $0x8000004A;
	s7 =	smul.u32 $0x7, s7  }
0x10: {  	s13 =	smov.u32 s1;
	[sflag:s6] =	ssyncpa.u1 $0x0;
	p0 =	por $0x0, $0x0  }
0x11: {  	[sflag:s31] =	ssyncpa.u1 $0x0;
	s8 =	sadd.s32 $0x800, s30;
	s9 =	sadd.s32 $0x1, s7  }
.LBB1_4:
0x12: {  	v5 =	vld [tilespmem:s22+$0xFFFFFFD0];
	[tilespmem:s21+$0x2040 ss:$0x81] =	vst.msk $0xffff, v1  }
0x13: {  	v58 =	vld [tilespmem:s22+$0xFFFFFFE0];
	[tilespmem:s21+$0x2850 ss:$0x81] =	vst.msk $0xffff, v2  }
0x14: {  	s23 =	sshra.s32 s23, $0x2;
	v59 =	vld [tilespmem:s22+$0xFFFFFFF0];
	[tilespmem:s21+$0x3060 ss:$0x81] =	vst.msk $0xffff, v3  }
0x15: {  	v60 =	vld [tilespmem:s22+$0x0];
	[tilespmem:s21+$0x0 ss:$0x81] =	vst.msk $0xffff, v0;
	s20 =	sadd.s32 s23, s20  }
0x16: {  	v61 =	vld [tilespmem:s22+$0x10];
	[tilespmem:s20+$0x3870 ss:$0x81] =	vst.msk $0xffff, v4  }
0x17: {  	v62 =	vld [tilespmem:s22+$0x20];
	[tilespmem:s20+$0x810 ss:$0x81] =	vst.msk $0xffff, v5  }
0x18: {  	v63 =	vld [tilespmem:s22+$0xFFFFFFC0];
	s18 =	smul.u32 $0x38000, s18;
	[tilespmem:s20+$0x1020 ss:$0x81] =	vst.msk $0xffff, v58  }
0x19: {  	s17 =	sshll.u32 s17, $0x5;
	s28 =	sand.u32 $0x7F80, s16;
	s29 =	sshrl.u32 s16, $0x3;
	[tilespmem:s20+$0x1830 ss:$0x81] =	vst.msk $0xffff, v59  }
0x1a: {  	s15 =	sshll.u32 s15, $0xF;
	s30 =	sand.u32 $0xF, s29;
	s18 =	sadd.s32 s5, s18;
	[tilespmem:s20+$0x2040 ss:$0x81] =	vst.msk $0xffff, v60  }
0x1b: {  	s31 =	sand.u32 $0x7, s16;
	s17 =	sadd.s32 s28, s17;
	s18 =	sadd.s32 s30, s18;
	[tilespmem:s20+$0x2850 ss:$0x81] =	vst.msk $0xffff, v61  }
0x1c: {  	s16 =	sshll.u32 s31, $0x12;
	s17 =	sand.u32 $0x7F80, s17;
	s15 =	sadd.s32 s15, s18;
	[tilespmem:s20+$0x3060 ss:$0x81] =	vst.msk $0xffff, v62  }
0x1d: {  	s16 =	sor.u32 $0x400, s16;
	[tilespmem:s20+$0x0 ss:$0x81] =	vst.msk $0xffff, v63;
	s15 =	sadd.s32 s17, s15  }
0x1e: {  	[hbm4b:s15+s16] =	stream.strided.scatter [tilespmem:s19], [sflag:$0x2], $0x4000, s10, s16, $0x20;
	[tilespmem:$0x10100] =	vst v63  }
.LBB1_5:
0x1f: {  	s19 =	sadd.s32 $0x1, s11  }
0x20: {  	s15 =	sadd.s32 $0x2, s12;
	s20 =	smov.u32 s12;
	p2 =	sgt.s32 s19, $0x6  }
0x21: {  	s20 =	smov.u32 @p2 s15  }
0x22: {  	s21 =	smov.u32 s13;
	s15 =	sadd.s32 $0x100, s13;
	p3 =	sgt.s32 s20, $0x6  }
0x23: {  	s21 =	smov.u32 @p3 s15  }
0x24: {  	s19 =	simm.s32 @p2 $0x0;
	p2 =	sgt.s32 s21, $0xFF  }
0x25: {  	p1 =	slt.u32 s14, $0x2;
	s21 =	smov.u32 @p2 s1;
	p2 =	sne.s32 s14, s9  }
.Ltmp1:
0x26: {  	s18 =	smov.u32 s12;
	s17 =	simm.s32 @!p1 $0x2;
	(pc) =	sbr.rel @!p2 .LBB1_6-.Ltmp1, $4  }
0x27: {  	s16 =	smov.u32 s13;
	p0 =	por !p0, !p0;
	_ =	swait.ge @!p1 [sflag:s17], $0x4000  }
0x28: {  	[sflag:s17] =	ssyncset.done @!p1 $0x0;
	s20 =	smov.u32 @p3 s3;
	s15 =	smov.u32 s11  }
0x29: {  	[sflag:s17] =	ssyncadd.s32 @!p1 $0xFFFFC000;
	s17 =	smov.u32 s2;
	s11 =	smov.u32 s19  }
0x2a: {  	s12 =	smov.u32 s20;
	s14 =	sadd.s32 $0x1, s14;
	s13 =	smov.u32 s21  }
.LBB1_1:
0x2b: {  	p1 =	sge.u32 s14, s7  }
0x2c: {  	s20 =	smul.u32 @!p1 $0x1C00, s13  }
0x2d: {  	s31 =	sadd.s32 $0xFFFFFFFF, s14;
	s19 =	sxor.u32 @!p1 $0xFFFFFFFF, s14;
	s21 =	sshll.u32 @!p1 s12, $0xA  }
0x2e: {  	s22 =	sshll.u32 @!p1 s11, $0x4;
	s19 =	sshll.u32 @!p1 s19, $0xE;
	s20 =	sadd.s32 @!p1 s20, s8  }
0x2f: {  	s22 =	sand.u32 @!p1 $0x70, s22;
	s19 =	sand.u32 @!p1 $0x4000, s19;
	s20 =	sadd.s32 @!p1 s21, s20  }
0x30: {  	s21 =	simm.s32 @!p1 $0x80;
	s20 =	sadd.s32 @!p1 s22, s20;
	s22 =	simm.s32 @!p1 $0xE000  }
0x31: {  	[tilespmem:s19], [sflag:$0x1] =	stream.strided.gather @!p1 [hbm4b:s20+s21], $0x4000, s22, s21, $0x38;
	[tilespmem:$0x10100] =	vst v63  }
0x32: {  	p1 =	sge.u32 s31, s7  }
.Ltmp2:
0x33: {  	_ = 	snop;
	(pc) =	sbr.rel @p1 .LBB1_5-.Ltmp2, $1  }
0x34: {  	_ =	sdelay $0x3  }
0x35: {  	s19 =	simm.s32 $0x1  }
0x36: {  	_ =	swait.ge [sflag:s6], $0x4000;
	s19 =	simm.s32 @!p0 $0x0  }
0x37: {  	[sflag:s6] =	ssyncset.done $0x0;
	s20 =	sshll.u32 s19, $0xE  }
0x38: {  	[sflag:s6] =	ssyncadd.s32 $0xFFFFC000;
	s22 =	sor.u32 $0x40, s20  }
0x39: {  	s19 =	smul.u32 $0x10200, s19;
	v0 =	vld [tilespmem:s22+$0x30]  }
0x3a: {  	v3 =	vld [tilespmem:s22+$0xFFFFFFD0]  }
0x3b: {  	s19 =	sshrl.u32 s19, $0x2;
	v4 =	vld [tilespmem:s22+$0xFFFFFFE0]  }
0x3c: {  	v5 =	vld [tilespmem:s22+$0xFFFFFFF0];
	s20 =	sor.u32 $0x8000, s19  }
0x3d: {  	s31 =	sand.u32 $0x1, s14;
	v1 =	vld [tilespmem:s22+$0x0];
	s21 =	sadd.s32 $0x0, s20  }
0x3e: {  	v2 =	vld [tilespmem:s22+$0x10];
	s19 =	smul.u32 $0x10200, s31;
	[tilespmem:s21+$0x3870 ss:$0x81] =	vst.msk $0xffff, v0  }
0x3f: {  	[tilespmem:s21+$0x810 ss:$0x81] =	vst.msk $0xffff, v3;
	v3 =	vld [tilespmem:s22+$0x20]  }
0x40: {  	s19 =	sshrl.u32 s19, $0x2;
	v0 =	vld [tilespmem:s22+$0xFFFFFFC0];
	[tilespmem:s21+$0x1020 ss:$0x81] =	vst.msk $0xffff, v4;
	s22 =	sadd.s32 $0x80, s22  }
0x41: {  	s23 =	simm.s32 $0x4;
	s24 =	simm.s32 $0x8;
	s19 =	sor.u32 $0x8000, s19;
	[tilespmem:s21+$0x1830 ss:$0x81] =	vst.msk $0xffff, v5;
	v4 =	vld [tilespmem:s22+$0x30]  }
.LBB1_3:
0x42: {  	p1 =	sne.s32 s24, $0x1FC;
	v5 =	vld [tilespmem:s22+$0xFFFFFFD0];
	[tilespmem:s21+$0x2040 ss:$0x81] =	vst.msk $0xffff, v1  }
0x43: {  	v6 =	vld [tilespmem:s22+$0xFFFFFFE0];
	[tilespmem:s21+$0x2850 ss:$0x81] =	vst.msk $0xffff, v2  }
0x44: {  	s25 =	sshra.s32 s23, $0x2;
	s23 =	smov.u32 s24;
	v7 =	vld [tilespmem:s22+$0xFFFFFFF0];
	[tilespmem:s21+$0x3060 ss:$0x81] =	vst.msk $0xffff, v3  }
.Ltmp3:
0x45: {  	v1 =	vld [tilespmem:s22+$0x0];
	[tilespmem:s21+$0x0 ss:$0x81] =	vst.msk $0xffff, v0;
	s21 =	sadd.s32 s25, s20;
	(pc) =	sbr.rel @p1 .LBB1_3-.Ltmp3, $4  }
0x46: {  	v2 =	vld [tilespmem:s22+$0x10];
	[tilespmem:s21+$0x3870 ss:$0x81] =	vst.msk $0xffff, v4  }
0x47: {  	[tilespmem:s21+$0x810 ss:$0x81] =	vst.msk $0xffff, v5;
	v3 =	vld [tilespmem:s22+$0x20]  }
0x48: {  	v0 =	vld [tilespmem:s22+$0xFFFFFFC0];
	[tilespmem:s21+$0x1020 ss:$0x81] =	vst.msk $0xffff, v6;
	s22 =	sadd.s32 $0x80, s22  }
0x49: {  	s24 =	sadd.s32 $0x4, s24;
	v4 =	vld [tilespmem:s22+$0x30];
	[tilespmem:s21+$0x1830 ss:$0x81] =	vst.msk $0xffff, v7  }
.Ltmp4:
0x4a: {  	_ = 	snop;
	(pc) =	sbr.rel .LBB1_4-.Ltmp4, $1  }
0x4b: {  	_ =	sdelay $0x3  }
.LBB1_6:
0x4c: {  	_ =	sfence.sel $0x180000  }
0x4d: {  	s1 =	simm.s32 $0x1;
	[bflag:$0x0] =	sbarrier.arrive $0xFFFF  }
0x4e: {  	s31 =	simm.s32 $0x2;
	[sflag:s1] =	ssyncpa.u1 $0x1  }
0x4f: {  	[sflag:s31] =	ssyncpa.u1 $0x1  }
0x50: {  	p0 =	sne.s32 s0, $0x0;
	_ =	strace $0x9000004A  }
0x51: {  	s0 =	sadd.s32 @!p0 $0x100000, s4;
	[bflag:$0x2] =	sbarrier.arrive $0xFFFF  }
0x52: {  	[sflag:s0] =	ssyncadd.tile.s32 @!p0 $0x1;
	_ =	shalt  }
.Lfunc_end1:
_tile_overlayer_lowered:
.L_overlay_start_2:
0x53: {  	(tag) =	ssettag $0x2  }
0x54: {  	s0 =	rddreg [dreg:$0x0];
	s2 =	stileid.u32  }
0x55: {  	s1 =	rddreg [dreg:$0x1];
	p0 =	sne.s32 s2, $0x0  }
0x56: {  	s3 =	rddreg [dreg:$0x2];
	[bflag:$0x3] =	sbarrier.arrive $0xFFFF;
	s2 =	simm.s32 @!p0 $0x1C01  }
0x57: {  	[timem:s3], [sflag:s2] =	dma.local @!p0 [hbm:s0], s1  }
0x58: {  	s0 =	simm.s32 @!p0 $0x1  }
0x59: {  	_ =	swait.ge @!p0 [sflag:s0], s1  }
0x5a: {  	s1 =	ssub.s32 @!p0 $0x0, s1;
	[sflag:s0] =	ssyncset.done @!p0 $0x0  }
0x5b: {  	[sflag:s0] =	ssyncadd.s32 @!p0 s1  }
0x5c: {  	[bflag:$0x3] =	sbarrier.arrive $0xFFFF  }
0x5d: {  	_ =	shalt  }

</sc_bundles>
